<compile_context>
chip_gen: v7x
topology: tpu7x:2x2x1
jax: 0.10.2.dev20260603
libtpu: 0.0.44.dev20260713+nightly
codegen_flags: <defaults>
</compile_context>

<pallas_src>
import functools
import math

import jax
import jax.numpy as jnp
from jax import lax
from jax.experimental import pallas as pl
from jax.experimental.pallas import tpu as pltpu
from jax.experimental.pallas import tpu_sc as plsc

_D = 128
_SCALE = math.sqrt(float(_D))
_NC, _NS = 2, 16
_NW = _NC * _NS
_CH = 64
_NBUF = 10
_AHEAD = 8
_LANES = 16


@functools.lru_cache(maxsize=None)
def _build(B):
    b_per_w = B // _NW
    n_chunks = b_per_w // _CH
    assert n_chunks % _NBUF == 0 and n_chunks >= 2 * _NBUF

    mesh = plsc.VectorSubcoreMesh(
        core_axis_name="c", subcore_axis_name="s",
        num_cores=_NC, num_subcores=_NS)

    def body(w_hbm, x_hbm, out_hbm, idx_v, rows_v, *sems):
        gsem, osem = sems[:_NBUF], sems[_NBUF:]
        wid = lax.axis_index("s") * _NC + lax.axis_index("c")
        base = wid * b_per_w
        pltpu.sync_copy(x_hbm.at[pl.ds(base, b_per_w)], idx_v)

        def gather(c, b):
            return pltpu.make_async_copy(
                w_hbm.at[idx_v.at[pl.ds(c * _CH, _CH)]],
                rows_v.at[b], gsem[b])

        def writeback(c, b):
            return pltpu.make_async_copy(
                rows_v.at[b],
                out_hbm.at[pl.ds(base + c * _CH, _CH)], osem[b])

        for c in range(_AHEAD):
            gather(c, c % _NBUF).start()

        def group(p, carry):
            c0 = p * _NBUF
            for k in range(_NBUF):
                c = c0 + k
                gather(c, k).wait()

                @plsc.parallel_loop(0, _CH, unroll=2)
                def _scale(r):
                    for s in range(_D // _LANES):
                        sl = pl.ds(s * _LANES, _LANES)
                        rows_v[k, r, sl] = rows_v[k, r, sl] * _SCALE

                writeback(c, k).start()
                g = c + _AHEAD
                bg = (k + _AHEAD) % _NBUF

                @pl.when(g < n_chunks)
                def _():
                    @pl.when(c >= _NBUF - _AHEAD)
                    def _():
                        writeback(g - _NBUF, bg).wait()
                    gather(g, bg).start()
            return carry
        lax.fori_loop(0, n_chunks // _NBUF, group, 0)

        for c in range(n_chunks - _NBUF, n_chunks):
            writeback(c, c % _NBUF).wait()

    return pl.kernel(
        body,
        out_type=jax.ShapeDtypeStruct((B, _D), jnp.float32),
        mesh=mesh,
        scratch_types=(
            [pltpu.VMEM((b_per_w,), jnp.int32),
             pltpu.VMEM((_NBUF, _CH, _D), jnp.float32)]
            + [pltpu.SemaphoreType.DMA] * (2 * _NBUF)
        ),
    )


def kernel(x, W):
    B = x.shape[0] * x.shape[1]
    out = _build(B)(W, x.reshape(B))
    return out.reshape(x.shape[0], x.shape[1], _D)

# --- scband reference (transcript-rebuilt; emitter-appended) ---
"""Pipeline reference for scband-input-embeddings-7155415515561 (READ-ONLY COPY).

The authoritative reference and input builder live on the scoring server;
editing this copy changes nothing except your own understanding.
"""

import jax, jax.numpy as jnp
import numpy as np
import math

VOCAB = 1000000
D_MODEL = 128

def setup_inputs(seed: int = 0) -> dict:
    key = jax.random.key(seed)
    k1, k2 = jax.random.split(key)
    x = jax.random.randint(k1, (1024, 200), 0, VOCAB, dtype=jnp.int32)
    # nn.Embedding default init: N(0, 1)
    W = jax.random.normal(k2, (VOCAB, D_MODEL), dtype=jnp.float32)
    return {"x": x, "W": W}

def reference(x, W):
    # InputEmbeddings.forward: self.embeddings(x) * sqrt(d_model)
    emb = jnp.take(W, x, axis=0)
    return emb * math.sqrt(float(D_MODEL))

if __name__ == "__main__":
    import jax
    _d = setup_inputs()
    print(jax.jit(kernel)(*tuple(_d.values())))

</pallas_src>

<mosaic_0001>
#map = affine_map<(d0, d1) -> (0, 0)>
#map1 = affine_map<(d0, d1) -> (0)>
module attributes {stable_mosaic.version = 14 : i64} {
  func.func @body(%arg0: i32, %arg1: i32, %arg2: memref<1000000x128xf32, #tpu.memory_space<hbm>>, %arg3: memref<204800xi32, #tpu.memory_space<hbm>>, %arg4: memref<204800x128xf32, #tpu.memory_space<hbm>>, %arg5: memref<6400xi32, #tpu.memory_space<vmem>>, %arg6: memref<10x64x128xf32, #tpu.memory_space<vmem>>, %arg7: memref<!tpu.dma_semaphore, #tpu.memory_space<semaphore_mem>>, %arg8: memref<!tpu.dma_semaphore, #tpu.memory_space<semaphore_mem>>, %arg9: memref<!tpu.dma_semaphore, #tpu.memory_space<semaphore_mem>>, %arg10: memref<!tpu.dma_semaphore, #tpu.memory_space<semaphore_mem>>, %arg11: memref<!tpu.dma_semaphore, #tpu.memory_space<semaphore_mem>>, %arg12: memref<!tpu.dma_semaphore, #tpu.memory_space<semaphore_mem>>, %arg13: memref<!tpu.dma_semaphore, #tpu.memory_space<semaphore_mem>>, %arg14: memref<!tpu.dma_semaphore, #tpu.memory_space<semaphore_mem>>, %arg15: memref<!tpu.dma_semaphore, #tpu.memory_space<semaphore_mem>>, %arg16: memref<!tpu.dma_semaphore, #tpu.memory_space<semaphore_mem>>, %arg17: memref<!tpu.dma_semaphore, #tpu.memory_space<semaphore_mem>>, %arg18: memref<!tpu.dma_semaphore, #tpu.memory_space<semaphore_mem>>, %arg19: memref<!tpu.dma_semaphore, #tpu.memory_space<semaphore_mem>>, %arg20: memref<!tpu.dma_semaphore, #tpu.memory_space<semaphore_mem>>, %arg21: memref<!tpu.dma_semaphore, #tpu.memory_space<semaphore_mem>>, %arg22: memref<!tpu.dma_semaphore, #tpu.memory_space<semaphore_mem>>, %arg23: memref<!tpu.dma_semaphore, #tpu.memory_space<semaphore_mem>>, %arg24: memref<!tpu.dma_semaphore, #tpu.memory_space<semaphore_mem>>, %arg25: memref<!tpu.dma_semaphore, #tpu.memory_space<semaphore_mem>>, %arg26: memref<!tpu.dma_semaphore, #tpu.memory_space<semaphore_mem>>) attributes {dimension_semantics = [#tpu.dimension_semantics<core_parallel>, #tpu.dimension_semantics<subcore_parallel>], iteration_bounds = array<i64: 2, 16>, scalar_prefetch = 0 : i64, scratch_operands = 22 : i64, tpu.core_type = #tpu.core_type<sc_vector_subcore>, window_params = [{transform_indices = #map}, {transform_indices = #map1}, {transform_indices = #map}]} {
    %mul3A = arith.constant 2 : i32
    %mul3A_0 = arith.muli %arg1, %mul3A : i32
    %add3A = arith.addi %mul3A_0, %arg0 : i32
    %mul3A_1 = arith.constant 6400 : i32
    %mul3A_2 = arith.muli %add3A, %mul3A_1 : i32
    "tpu.region"() ({
      %run_scoped3A = tpu.sem_alloc : memref<!tpu.dma_semaphore, #tpu.memory_space<semaphore_mem>>
      %dma_start3A_236 = tpu.memref_slice %arg3[%mul3A_2] : memref<204800xi32, #tpu.memory_space<hbm>> -> memref<6400xi32, #tpu.memory_space<hbm>>
      %dma_start3A_237 = tpu.memref_slice %arg3[%mul3A_2] : memref<204800xi32, #tpu.memory_space<hbm>> -> memref<6400xi32, #tpu.memory_space<hbm>>
      tpu.enqueue_dma source(%dma_start3A_237 : memref<6400xi32, #tpu.memory_space<hbm>>) target(%arg5 : memref<6400xi32, #tpu.memory_space<vmem>>) target_semaphore(%run_scoped3A : memref<!tpu.dma_semaphore, #tpu.memory_space<semaphore_mem>>)
      %dma_wait3A_238 = tpu.memref_slice %arg3[%mul3A_2] : memref<204800xi32, #tpu.memory_space<hbm>> -> memref<6400xi32, #tpu.memory_space<hbm>>
      %dma_wait3A_239 = tpu.memref_slice %arg3[%mul3A_2] : memref<204800xi32, #tpu.memory_space<hbm>> -> memref<6400xi32, #tpu.memory_space<hbm>>
      tpu.wait_dma2 semaphore(%run_scoped3A : memref<!tpu.dma_semaphore, #tpu.memory_space<semaphore_mem>>) src(%dma_wait3A_239 : memref<6400xi32, #tpu.memory_space<hbm>>) dst(%arg5 : memref<6400xi32, #tpu.memory_space<vmem>>)
      tpu.yield
    }) : () -> ()
    %dma_start3A = arith.constant 0 : i32
    %dma_start3A_3 = arith.constant 0 : i32
    %dma_start3A_4 = arith.constant 0 : i32
    %dma_start3A_5 = tpu.memref_slice %arg6[%dma_start3A, %dma_start3A_3, %dma_start3A_4] : memref<10x64x128xf32, #tpu.memory_space<vmem>> -> memref<1x64x128xf32, #tpu.memory_space<vmem>>
    %dma_start3A_6 = tpu.memref_squeeze %dma_start3A_5 : memref<1x64x128xf32, #tpu.memory_space<vmem>> -> memref<64x128xf32, #tpu.memory_space<vmem>>
    %dma_start3A_7 = arith.constant 0 : i32
    %dma_start3A_8 = tpu.memref_slice %arg5[%dma_start3A_7] : memref<6400xi32, #tpu.memory_space<vmem>> -> memref<64xi32, #tpu.memory_space<vmem>>
    %dma_start3A_9 = arith.constant 0 : i32
    %dma_start3A_10 = arith.constant 0 : i32
    %dma_start3A_11 = tpu.memref_slice %arg2[%dma_start3A_9, %dma_start3A_10] : memref<1000000x128xf32, #tpu.memory_space<hbm>> -> memref<1000000x128xf32, #tpu.memory_space<hbm>>
    tpu.enqueue_indirect_dma source(%dma_start3A_11 : memref<1000000x128xf32, #tpu.memory_space<hbm>>) target(%dma_start3A_6 : memref<64x128xf32, #tpu.memory_space<vmem>>) offsets(%dma_start3A_8 : memref<64xi32, #tpu.memory_space<vmem>>) semaphore(%arg7 : memref<!tpu.dma_semaphore, #tpu.memory_space<semaphore_mem>>)
    %dma_start3A_12 = arith.constant 1 : i32
    %dma_start3A_13 = arith.constant 0 : i32
    %dma_start3A_14 = arith.constant 0 : i32
    %dma_start3A_15 = tpu.memref_slice %arg6[%dma_start3A_12, %dma_start3A_13, %dma_start3A_14] : memref<10x64x128xf32, #tpu.memory_space<vmem>> -> memref<1x64x128xf32, #tpu.memory_space<vmem>>
    %dma_start3A_16 = tpu.memref_squeeze %dma_start3A_15 : memref<1x64x128xf32, #tpu.memory_space<vmem>> -> memref<64x128xf32, #tpu.memory_space<vmem>>
    %dma_start3A_17 = arith.constant 64 : i32
    %dma_start3A_18 = tpu.memref_slice %arg5[%dma_start3A_17] : memref<6400xi32, #tpu.memory_space<vmem>> -> memref<64xi32, #tpu.memory_space<vmem>>
    %dma_start3A_19 = arith.constant 0 : i32
    %dma_start3A_20 = arith.constant 0 : i32
    %dma_start3A_21 = tpu.memref_slice %arg2[%dma_start3A_19, %dma_start3A_20] : memref<1000000x128xf32, #tpu.memory_space<hbm>> -> memref<1000000x128xf32, #tpu.memory_space<hbm>>
    tpu.enqueue_indirect_dma source(%dma_start3A_21 : memref<1000000x128xf32, #tpu.memory_space<hbm>>) target(%dma_start3A_16 : memref<64x128xf32, #tpu.memory_space<vmem>>) offsets(%dma_start3A_18 : memref<64xi32, #tpu.memory_space<vmem>>) semaphore(%arg8 : memref<!tpu.dma_semaphore, #tpu.memory_space<semaphore_mem>>)
    %dma_start3A_22 = arith.constant 2 : i32
    %dma_start3A_23 = arith.constant 0 : i32
    %dma_start3A_24 = arith.constant 0 : i32
    %dma_start3A_25 = tpu.memref_slice %arg6[%dma_start3A_22, %dma_start3A_23, %dma_start3A_24] : memref<10x64x128xf32, #tpu.memory_space<vmem>> -> memref<1x64x128xf32, #tpu.memory_space<vmem>>
    %dma_start3A_26 = tpu.memref_squeeze %dma_start3A_25 : memref<1x64x128xf32, #tpu.memory_space<vmem>> -> memref<64x128xf32, #tpu.memory_space<vmem>>
    %dma_start3A_27 = arith.constant 128 : i32
    %dma_start3A_28 = tpu.memref_slice %arg5[%dma_start3A_27] : memref<6400xi32, #tpu.memory_space<vmem>> -> memref<64xi32, #tpu.memory_space<vmem>>
    %dma_start3A_29 = arith.constant 0 : i32
    %dma_start3A_30 = arith.constant 0 : i32
    %dma_start3A_31 = tpu.memref_slice %arg2[%dma_start3A_29, %dma_start3A_30] : memref<1000000x128xf32, #tpu.memory_space<hbm>> -> memref<1000000x128xf32, #tpu.memory_space<hbm>>
    tpu.enqueue_indirect_dma source(%dma_start3A_31 : memref<1000000x128xf32, #tpu.memory_space<hbm>>) target(%dma_start3A_26 : memref<64x128xf32, #tpu.memory_space<vmem>>) offsets(%dma_start3A_28 : memref<64xi32, #tpu.memory_space<vmem>>) semaphore(%arg9 : memref<!tpu.dma_semaphore, #tpu.memory_space<semaphore_mem>>)
    %dma_start3A_32 = arith.constant 3 : i32
    %dma_start3A_33 = arith.constant 0 : i32
    %dma_start3A_34 = arith.constant 0 : i32
    %dma_start3A_35 = tpu.memref_slice %arg6[%dma_start3A_32, %dma_start3A_33, %dma_start3A_34] : memref<10x64x128xf32, #tpu.memory_space<vmem>> -> memref<1x64x128xf32, #tpu.memory_space<vmem>>
    %dma_start3A_36 = tpu.memref_squeeze %dma_start3A_35 : memref<1x64x128xf32, #tpu.memory_space<vmem>> -> memref<64x128xf32, #tpu.memory_space<vmem>>
    %dma_start3A_37 = arith.constant 192 : i32
    %dma_start3A_38 = tpu.memref_slice %arg5[%dma_start3A_37] : memref<6400xi32, #tpu.memory_space<vmem>> -> memref<64xi32, #tpu.memory_space<vmem>>
    %dma_start3A_39 = arith.constant 0 : i32
    %dma_start3A_40 = arith.constant 0 : i32
    %dma_start3A_41 = tpu.memref_slice %arg2[%dma_start3A_39, %dma_start3A_40] : memref<1000000x128xf32, #tpu.memory_space<hbm>> -> memref<1000000x128xf32, #tpu.memory_space<hbm>>
    tpu.enqueue_indirect_dma source(%dma_start3A_41 : memref<1000000x128xf32, #tpu.memory_space<hbm>>) target(%dma_start3A_36 : memref<64x128xf32, #tpu.memory_space<vmem>>) offsets(%dma_start3A_38 : memref<64xi32, #tpu.memory_space<vmem>>) semaphore(%arg10 : memref<!tpu.dma_semaphore, #tpu.memory_space<semaphore_mem>>)
    %dma_start3A_42 = arith.constant 4 : i32
    %dma_start3A_43 = arith.constant 0 : i32
    %dma_start3A_44 = arith.constant 0 : i32
    %dma_start3A_45 = tpu.memref_slice %arg6[%dma_start3A_42, %dma_start3A_43, %dma_start3A_44] : memref<10x64x128xf32, #tpu.memory_space<vmem>> -> memref<1x64x128xf32, #tpu.memory_space<vmem>>
    %dma_start3A_46 = tpu.memref_squeeze %dma_start3A_45 : memref<1x64x128xf32, #tpu.memory_space<vmem>> -> memref<64x128xf32, #tpu.memory_space<vmem>>
    %dma_start3A_47 = arith.constant 256 : i32
    %dma_start3A_48 = tpu.memref_slice %arg5[%dma_start3A_47] : memref<6400xi32, #tpu.memory_space<vmem>> -> memref<64xi32, #tpu.memory_space<vmem>>
    %dma_start3A_49 = arith.constant 0 : i32
    %dma_start3A_50 = arith.constant 0 : i32
    %dma_start3A_51 = tpu.memref_slice %arg2[%dma_start3A_49, %dma_start3A_50] : memref<1000000x128xf32, #tpu.memory_space<hbm>> -> memref<1000000x128xf32, #tpu.memory_space<hbm>>
    tpu.enqueue_indirect_dma source(%dma_start3A_51 : memref<1000000x128xf32, #tpu.memory_space<hbm>>) target(%dma_start3A_46 : memref<64x128xf32, #tpu.memory_space<vmem>>) offsets(%dma_start3A_48 : memref<64xi32, #tpu.memory_space<vmem>>) semaphore(%arg11 : memref<!tpu.dma_semaphore, #tpu.memory_space<semaphore_mem>>)
    %dma_start3A_52 = arith.constant 5 : i32
    %dma_start3A_53 = arith.constant 0 : i32
    %dma_start3A_54 = arith.constant 0 : i32
    %dma_start3A_55 = tpu.memref_slice %arg6[%dma_start3A_52, %dma_start3A_53, %dma_start3A_54] : memref<10x64x128xf32, #tpu.memory_space<vmem>> -> memref<1x64x128xf32, #tpu.memory_space<vmem>>
    %dma_start3A_56 = tpu.memref_squeeze %dma_start3A_55 : memref<1x64x128xf32, #tpu.memory_space<vmem>> -> memref<64x128xf32, #tpu.memory_space<vmem>>
    %dma_start3A_57 = arith.constant 320 : i32
    %dma_start3A_58 = tpu.memref_slice %arg5[%dma_start3A_57] : memref<6400xi32, #tpu.memory_space<vmem>> -> memref<64xi32, #tpu.memory_space<vmem>>
    %dma_start3A_59 = arith.constant 0 : i32
    %dma_start3A_60 = arith.constant 0 : i32
    %dma_start3A_61 = tpu.memref_slice %arg2[%dma_start3A_59, %dma_start3A_60] : memref<1000000x128xf32, #tpu.memory_space<hbm>> -> memref<1000000x128xf32, #tpu.memory_space<hbm>>
    tpu.enqueue_indirect_dma source(%dma_start3A_61 : memref<1000000x128xf32, #tpu.memory_space<hbm>>) target(%dma_start3A_56 : memref<64x128xf32, #tpu.memory_space<vmem>>) offsets(%dma_start3A_58 : memref<64xi32, #tpu.memory_space<vmem>>) semaphore(%arg12 : memref<!tpu.dma_semaphore, #tpu.memory_space<semaphore_mem>>)
    %dma_start3A_62 = arith.constant 6 : i32
    %dma_start3A_63 = arith.constant 0 : i32
    %dma_start3A_64 = arith.constant 0 : i32
    %dma_start3A_65 = tpu.memref_slice %arg6[%dma_start3A_62, %dma_start3A_63, %dma_start3A_64] : memref<10x64x128xf32, #tpu.memory_space<vmem>> -> memref<1x64x128xf32, #tpu.memory_space<vmem>>
    %dma_start3A_66 = tpu.memref_squeeze %dma_start3A_65 : memref<1x64x128xf32, #tpu.memory_space<vmem>> -> memref<64x128xf32, #tpu.memory_space<vmem>>
    %dma_start3A_67 = arith.constant 384 : i32
    %dma_start3A_68 = tpu.memref_slice %arg5[%dma_start3A_67] : memref<6400xi32, #tpu.memory_space<vmem>> -> memref<64xi32, #tpu.memory_space<vmem>>
    %dma_start3A_69 = arith.constant 0 : i32
    %dma_start3A_70 = arith.constant 0 : i32
    %dma_start3A_71 = tpu.memref_slice %arg2[%dma_start3A_69, %dma_start3A_70] : memref<1000000x128xf32, #tpu.memory_space<hbm>> -> memref<1000000x128xf32, #tpu.memory_space<hbm>>
    tpu.enqueue_indirect_dma source(%dma_start3A_71 : memref<1000000x128xf32, #tpu.memory_space<hbm>>) target(%dma_start3A_66 : memref<64x128xf32, #tpu.memory_space<vmem>>) offsets(%dma_start3A_68 : memref<64xi32, #tpu.memory_space<vmem>>) semaphore(%arg13 : memref<!tpu.dma_semaphore, #tpu.memory_space<semaphore_mem>>)
    %dma_start3A_72 = arith.constant 7 : i32
    %dma_start3A_73 = arith.constant 0 : i32
    %dma_start3A_74 = arith.constant 0 : i32
    %dma_start3A_75 = tpu.memref_slice %arg6[%dma_start3A_72, %dma_start3A_73, %dma_start3A_74] : memref<10x64x128xf32, #tpu.memory_space<vmem>> -> memref<1x64x128xf32, #tpu.memory_space<vmem>>
    %dma_start3A_76 = tpu.memref_squeeze %dma_start3A_75 : memref<1x64x128xf32, #tpu.memory_space<vmem>> -> memref<64x128xf32, #tpu.memory_space<vmem>>
    %dma_start3A_77 = arith.constant 448 : i32
    %dma_start3A_78 = tpu.memref_slice %arg5[%dma_start3A_77] : memref<6400xi32, #tpu.memory_space<vmem>> -> memref<64xi32, #tpu.memory_space<vmem>>
    %dma_start3A_79 = arith.constant 0 : i32
    %dma_start3A_80 = arith.constant 0 : i32
    %dma_start3A_81 = tpu.memref_slice %arg2[%dma_start3A_79, %dma_start3A_80] : memref<1000000x128xf32, #tpu.memory_space<hbm>> -> memref<1000000x128xf32, #tpu.memory_space<hbm>>
    tpu.enqueue_indirect_dma source(%dma_start3A_81 : memref<1000000x128xf32, #tpu.memory_space<hbm>>) target(%dma_start3A_76 : memref<64x128xf32, #tpu.memory_space<vmem>>) offsets(%dma_start3A_78 : memref<64xi32, #tpu.memory_space<vmem>>) semaphore(%arg14 : memref<!tpu.dma_semaphore, #tpu.memory_space<semaphore_mem>>)
    %scan3A = arith.constant 0 : i32
    %scan3A_82 = arith.constant 0 : i32
    %scan3A_83 = arith.constant 10 : i32
    %scan3A_84 = arith.addi %scan3A_82, %scan3A_83 : i32
    %scan3A_85 = arith.constant 1 : i32
    scf.for %scan3A_236 = %scan3A_82 to %scan3A_84 step %scan3A_85  : i32 {
      %mul3A_237 = arith.constant 10 : i32
      %mul3A_238 = arith.muli %scan3A_236, %mul3A_237 : i32
      %add3A_239 = arith.constant 0 : i32
      %add3A_240 = arith.addi %mul3A_238, %add3A_239 : i32
      %mul3A_241 = arith.constant 64 : i32
      %mul3A_242 = arith.muli %add3A_240, %mul3A_241 : i32
      %dma_wait3A_243 = arith.constant 0 : i32
      %dma_wait3A_244 = arith.constant 0 : i32
      %dma_wait3A_245 = arith.constant 0 : i32
      %dma_wait3A_246 = tpu.memref_slice %arg6[%dma_wait3A_243, %dma_wait3A_244, %dma_wait3A_245] : memref<10x64x128xf32, #tpu.memory_space<vmem>> -> memref<1x64x128xf32, #tpu.memory_space<vmem>>
      %dma_wait3A_247 = tpu.memref_squeeze %dma_wait3A_246 : memref<1x64x128xf32, #tpu.memory_space<vmem>> -> memref<64x128xf32, #tpu.memory_space<vmem>>
      %dma_wait3A_248 = tpu.memref_slice %arg5[%mul3A_242] : memref<6400xi32, #tpu.memory_space<vmem>> -> memref<64xi32, #tpu.memory_space<vmem>>
      %dma_wait3A_249 = arith.constant 0 : i32
      %dma_wait3A_250 = arith.constant 0 : i32
      %dma_wait3A_251 = tpu.memref_slice %arg2[%dma_wait3A_249, %dma_wait3A_250] : memref<1000000x128xf32, #tpu.memory_space<hbm>> -> memref<1000000x128xf32, #tpu.memory_space<hbm>>
      tpu.wait_indirect_dma semaphore(%arg7 : memref<!tpu.dma_semaphore, #tpu.memory_space<semaphore_mem>>) src(%dma_wait3A_251 : memref<1000000x128xf32, #tpu.memory_space<hbm>>) dst(%dma_wait3A_247 : memref<64x128xf32, #tpu.memory_space<vmem>>)
      %parallel_loop3A = arith.constant 0 : i32
      %parallel_loop3A_252 = arith.constant 64 : i32
      %parallel_loop3A_253 = arith.constant 1 : i32
      scf.for %parallel_loop3A_625 = %parallel_loop3A to %parallel_loop3A_252 step %parallel_loop3A_253  : i32 {
        %parallel_loop3A_626 = arith.constant 0 : i32
        %parallel_loop3A_627 = arith.index_cast %parallel_loop3A_626 : i32 to index
        %parallel_loop3A_628 = arith.index_cast %parallel_loop3A_625 : i32 to index
        %parallel_loop3A_629 = arith.constant 0 : index
        %parallel_loop3A_630 = tpu.vector_load %arg6[%parallel_loop3A_627, %parallel_loop3A_628, %parallel_loop3A_629] {strides = array<i32>} : memref<10x64x128xf32, #tpu.memory_space<vmem>>, vector<1x1x16xf32>,
        %parallel_loop3A_631 = vector.shape_cast %parallel_loop3A_630 : vector<1x1x16xf32> to vector<16xf32>
        %parallel_loop3A_632 = arith.constant 11.3137083 : f32
        %parallel_loop3A_633 = vector.broadcast %parallel_loop3A_632 : f32 to vector<16xf32>
        %parallel_loop3A_634 = arith.mulf %parallel_loop3A_631, %parallel_loop3A_633 : vector<16xf32>
        %parallel_loop3A_635 = arith.constant 0 : i32
        %parallel_loop3A_636 = arith.index_cast %parallel_loop3A_635 : i32 to index
        %parallel_loop3A_637 = arith.index_cast %parallel_loop3A_625 : i32 to index
        %parallel_loop3A_638 = arith.constant 0 : index
        %parallel_loop3A_639 = tpu.vector_load %arg6[%parallel_loop3A_636, %parallel_loop3A_637, %parallel_loop3A_638] {strides = array<i32>} : memref<10x64x128xf32, #tpu.memory_space<vmem>>, vector<1x1x16xf32>,
        %parallel_loop3A_640 = vector.shape_cast %parallel_loop3A_639 : vector<1x1x16xf32> to vector<16xf32>
        %parallel_loop3A_641 = vector.shape_cast %parallel_loop3A_634 : vector<16xf32> to vector<1x1x16xf32>
        tpu.vector_store %arg6[%parallel_loop3A_636, %parallel_loop3A_637, %parallel_loop3A_638], %parallel_loop3A_641 {strides = array<i32>} : memref<10x64x128xf32, #tpu.memory_space<vmem>>, vector<1x1x16xf32>,
        %parallel_loop3A_642 = arith.constant 0 : i32
        %parallel_loop3A_643 = arith.index_cast %parallel_loop3A_642 : i32 to index
        %parallel_loop3A_644 = arith.index_cast %parallel_loop3A_625 : i32 to index
        %parallel_loop3A_645 = arith.constant 16 : index
        %parallel_loop3A_646 = tpu.vector_load %arg6[%parallel_loop3A_643, %parallel_loop3A_644, %parallel_loop3A_645] {strides = array<i32>} : memref<10x64x128xf32, #tpu.memory_space<vmem>>, vector<1x1x16xf32>,
        %parallel_loop3A_647 = vector.shape_cast %parallel_loop3A_646 : vector<1x1x16xf32> to vector<16xf32>
        %parallel_loop3A_648 = arith.constant 11.3137083 : f32
        %parallel_loop3A_649 = vector.broadcast %parallel_loop3A_648 : f32 to vector<16xf32>
        %parallel_loop3A_650 = arith.mulf %parallel_loop3A_647, %parallel_loop3A_649 : vector<16xf32>
        %parallel_loop3A_651 = arith.constant 0 : i32
        %parallel_loop3A_652 = arith.index_cast %parallel_loop3A_651 : i32 to index
        %parallel_loop3A_653 = arith.index_cast %parallel_loop3A_625 : i32 to index
        %parallel_loop3A_654 = arith.constant 16 : index
        %parallel_loop3A_655 = tpu.vector_load %arg6[%parallel_loop3A_652, %parallel_loop3A_653, %parallel_loop3A_654] {strides = array<i32>} : memref<10x64x128xf32, #tpu.memory_space<vmem>>, vector<1x1x16xf32>,
        %parallel_loop3A_656 = vector.shape_cast %parallel_loop3A_655 : vector<1x1x16xf32> to vector<16xf32>
        %parallel_loop3A_657 = vector.shape_cast %parallel_loop3A_650 : vector<16xf32> to vector<1x1x16xf32>
        tpu.vector_store %arg6[%parallel_loop3A_652, %parallel_loop3A_653, %parallel_loop3A_654], %parallel_loop3A_657 {strides = array<i32>} : memref<10x64x128xf32, #tpu.memory_space<vmem>>, vector<1x1x16xf32>,
        %parallel_loop3A_658 = arith.constant 0 : i32
        %parallel_loop3A_659 = arith.index_cast %parallel_loop3A_658 : i32 to index
        %parallel_loop3A_660 = arith.index_cast %parallel_loop3A_625 : i32 to index
        %parallel_loop3A_661 = arith.constant 32 : index
        %parallel_loop3A_662 = tpu.vector_load %arg6[%parallel_loop3A_659, %parallel_loop3A_660, %parallel_loop3A_661] {strides = array<i32>} : memref<10x64x128xf32, #tpu.memory_space<vmem>>, vector<1x1x16xf32>,
        %parallel_loop3A_663 = vector.shape_cast %parallel_loop3A_662 : vector<1x1x16xf32> to vector<16xf32>
        %parallel_loop3A_664 = arith.constant 11.3137083 : f32
        %parallel_loop3A_665 = vector.broadcast %parallel_loop3A_664 : f32 to vector<16xf32>
        %parallel_loop3A_666 = arith.mulf %parallel_loop3A_663, %parallel_loop3A_665 : vector<16xf32>
        %parallel_loop3A_667 = arith.constant 0 : i32
        %parallel_loop3A_668 = arith.index_cast %parallel_loop3A_667 : i32 to index
        %parallel_loop3A_669 = arith.index_cast %parallel_loop3A_625 : i32 to index
        %parallel_loop3A_670 = arith.constant 32 : index
        %parallel_loop3A_671 = tpu.vector_load %arg6[%parallel_loop3A_668, %parallel_loop3A_669, %parallel_loop3A_670] {strides = array<i32>} : memref<10x64x128xf32, #tpu.memory_space<vmem>>, vector<1x1x16xf32>,
        %parallel_loop3A_672 = vector.shape_cast %parallel_loop3A_671 : vector<1x1x16xf32> to vector<16xf32>
        %parallel_loop3A_673 = vector.shape_cast %parallel_loop3A_666 : vector<16xf32> to vector<1x1x16xf32>
        tpu.vector_store %arg6[%parallel_loop3A_668, %parallel_loop3A_669, %parallel_loop3A_670], %parallel_loop3A_673 {strides = array<i32>} : memref<10x64x128xf32, #tpu.memory_space<vmem>>, vector<1x1x16xf32>,
        %parallel_loop3A_674 = arith.constant 0 : i32
        %parallel_loop3A_675 = arith.index_cast %parallel_loop3A_674 : i32 to index
        %parallel_loop3A_676 = arith.index_cast %parallel_loop3A_625 : i32 to index
        %parallel_loop3A_677 = arith.constant 48 : index
        %parallel_loop3A_678 = tpu.vector_load %arg6[%parallel_loop3A_675, %parallel_loop3A_676, %parallel_loop3A_677] {strides = array<i32>} : memref<10x64x128xf32, #tpu.memory_space<vmem>>, vector<1x1x16xf32>,
        %parallel_loop3A_679 = vector.shape_cast %parallel_loop3A_678 : vector<1x1x16xf32> to vector<16xf32>
        %parallel_loop3A_680 = arith.constant 11.3137083 : f32
        %parallel_loop3A_681 = vector.broadcast %parallel_loop3A_680 : f32 to vector<16xf32>
        %parallel_loop3A_682 = arith.mulf %parallel_loop3A_679, %parallel_loop3A_681 : vector<16xf32>
        %parallel_loop3A_683 = arith.constant 0 : i32
        %parallel_loop3A_684 = arith.index_cast %parallel_loop3A_683 : i32 to index
        %parallel_loop3A_685 = arith.index_cast %parallel_loop3A_625 : i32 to index
        %parallel_loop3A_686 = arith.constant 48 : index
        %parallel_loop3A_687 = tpu.vector_load %arg6[%parallel_loop3A_684, %parallel_loop3A_685, %parallel_loop3A_686] {strides = array<i32>} : memref<10x64x128xf32, #tpu.memory_space<vmem>>, vector<1x1x16xf32>,
        %parallel_loop3A_688 = vector.shape_cast %parallel_loop3A_687 : vector<1x1x16xf32> to vector<16xf32>
        %parallel_loop3A_689 = vector.shape_cast %parallel_loop3A_682 : vector<16xf32> to vector<1x1x16xf32>
        tpu.vector_store %arg6[%parallel_loop3A_684, %parallel_loop3A_685, %parallel_loop3A_686], %parallel_loop3A_689 {strides = array<i32>} : memref<10x64x128xf32, #tpu.memory_space<vmem>>, vector<1x1x16xf32>,
        %parallel_loop3A_690 = arith.constant 0 : i32
        %parallel_loop3A_691 = arith.index_cast %parallel_loop3A_690 : i32 to index
        %parallel_loop3A_692 = arith.index_cast %parallel_loop3A_625 : i32 to index
        %parallel_loop3A_693 = arith.constant 64 : index
        %parallel_loop3A_694 = tpu.vector_load %arg6[%parallel_loop3A_691, %parallel_loop3A_692, %parallel_loop3A_693] {strides = array<i32>} : memref<10x64x128xf32, #tpu.memory_space<vmem>>, vector<1x1x16xf32>,
        %parallel_loop3A_695 = vector.shape_cast %parallel_loop3A_694 : vector<1x1x16xf32> to vector<16xf32>
        %parallel_loop3A_696 = arith.constant 11.3137083 : f32
        %parallel_loop3A_697 = vector.broadcast %parallel_loop3A_696 : f32 to vector<16xf32>
        %parallel_loop3A_698 = arith.mulf %parallel_loop3A_695, %parallel_loop3A_697 : vector<16xf32>
        %parallel_loop3A_699 = arith.constant 0 : i32
        %parallel_loop3A_700 = arith.index_cast %parallel_loop3A_699 : i32 to index
        %parallel_loop3A_701 = arith.index_cast %parallel_loop3A_625 : i32 to index
        %parallel_loop3A_702 = arith.constant 64 : index
        %parallel_loop3A_703 = tpu.vector_load %arg6[%parallel_loop3A_700, %parallel_loop3A_701, %parallel_loop3A_702] {strides = array<i32>} : memref<10x64x128xf32, #tpu.memory_space<vmem>>, vector<1x1x16xf32>,
        %parallel_loop3A_704 = vector.shape_cast %parallel_loop3A_703 : vector<1x1x16xf32> to vector<16xf32>
        %parallel_loop3A_705 = vector.shape_cast %parallel_loop3A_698 : vector<16xf32> to vector<1x1x16xf32>
        tpu.vector_store %arg6[%parallel_loop3A_700, %parallel_loop3A_701, %parallel_loop3A_702], %parallel_loop3A_705 {strides = array<i32>} : memref<10x64x128xf32, #tpu.memory_space<vmem>>, vector<1x1x16xf32>,
        %parallel_loop3A_706 = arith.constant 0 : i32
        %parallel_loop3A_707 = arith.index_cast %parallel_loop3A_706 : i32 to index
        %parallel_loop3A_708 = arith.index_cast %parallel_loop3A_625 : i32 to index
        %parallel_loop3A_709 = arith.constant 80 : index
        %parallel_loop3A_710 = tpu.vector_load %arg6[%parallel_loop3A_707, %parallel_loop3A_708, %parallel_loop3A_709] {strides = array<i32>} : memref<10x64x128xf32, #tpu.memory_space<vmem>>, vector<1x1x16xf32>,
        %parallel_loop3A_711 = vector.shape_cast %parallel_loop3A_710 : vector<1x1x16xf32> to vector<16xf32>
        %parallel_loop3A_712 = arith.constant 11.3137083 : f32
        %parallel_loop3A_713 = vector.broadcast %parallel_loop3A_712 : f32 to vector<16xf32>
        %parallel_loop3A_714 = arith.mulf %parallel_loop3A_711, %parallel_loop3A_713 : vector<16xf32>
        %parallel_loop3A_715 = arith.constant 0 : i32
        %parallel_loop3A_716 = arith.index_cast %parallel_loop3A_715 : i32 to index
        %parallel_loop3A_717 = arith.index_cast %parallel_loop3A_625 : i32 to index
        %parallel_loop3A_718 = arith.constant 80 : index
        %parallel_loop3A_719 = tpu.vector_load %arg6[%parallel_loop3A_716, %parallel_loop3A_717, %parallel_loop3A_718] {strides = array<i32>} : memref<10x64x128xf32, #tpu.memory_space<vmem>>, vector<1x1x16xf32>,
        %parallel_loop3A_720 = vector.shape_cast %parallel_loop3A_719 : vector<1x1x16xf32> to vector<16xf32>
        %parallel_loop3A_721 = vector.shape_cast %parallel_loop3A_714 : vector<16xf32> to vector<1x1x16xf32>
        tpu.vector_store %arg6[%parallel_loop3A_716, %parallel_loop3A_717, %parallel_loop3A_718], %parallel_loop3A_721 {strides = array<i32>} : memref<10x64x128xf32, #tpu.memory_space<vmem>>, vector<1x1x16xf32>,
        %parallel_loop3A_722 = arith.constant 0 : i32
        %parallel_loop3A_723 = arith.index_cast %parallel_loop3A_722 : i32 to index
        %parallel_loop3A_724 = arith.index_cast %parallel_loop3A_625 : i32 to index
        %parallel_loop3A_725 = arith.constant 96 : index
        %parallel_loop3A_726 = tpu.vector_load %arg6[%parallel_loop3A_723, %parallel_loop3A_724, %parallel_loop3A_725] {strides = array<i32>} : memref<10x64x128xf32, #tpu.memory_space<vmem>>, vector<1x1x16xf32>,
        %parallel_loop3A_727 = vector.shape_cast %parallel_loop3A_726 : vector<1x1x16xf32> to vector<16xf32>
        %parallel_loop3A_728 = arith.constant 11.3137083 : f32
        %parallel_loop3A_729 = vector.broadcast %parallel_loop3A_728 : f32 to vector<16xf32>
        %parallel_loop3A_730 = arith.mulf %parallel_loop3A_727, %parallel_loop3A_729 : vector<16xf32>
        %parallel_loop3A_731 = arith.constant 0 : i32
        %parallel_loop3A_732 = arith.index_cast %parallel_loop3A_731 : i32 to index
        %parallel_loop3A_733 = arith.index_cast %parallel_loop3A_625 : i32 to index
        %parallel_loop3A_734 = arith.constant 96 : index
        %parallel_loop3A_735 = tpu.vector_load %arg6[%parallel_loop3A_732, %parallel_loop3A_733, %parallel_loop3A_734] {strides = array<i32>} : memref<10x64x128xf32, #tpu.memory_space<vmem>>, vector<1x1x16xf32>,
        %parallel_loop3A_736 = vector.shape_cast %parallel_loop3A_735 : vector<1x1x16xf32> to vector<16xf32>
        %parallel_loop3A_737 = vector.shape_cast %parallel_loop3A_730 : vector<16xf32> to vector<1x1x16xf32>
        tpu.vector_store %arg6[%parallel_loop3A_732, %parallel_loop3A_733, %parallel_loop3A_734], %parallel_loop3A_737 {strides = array<i32>} : memref<10x64x128xf32, #tpu.memory_space<vmem>>, vector<1x1x16xf32>,
        %parallel_loop3A_738 = arith.constant 0 : i32
        %parallel_loop3A_739 = arith.index_cast %parallel_loop3A_738 : i32 to index
        %parallel_loop3A_740 = arith.index_cast %parallel_loop3A_625 : i32 to index
        %parallel_loop3A_741 = arith.constant 112 : index
        %parallel_loop3A_742 = tpu.vector_load %arg6[%parallel_loop3A_739, %parallel_loop3A_740, %parallel_loop3A_741] {strides = array<i32>} : memref<10x64x128xf32, #tpu.memory_space<vmem>>, vector<1x1x16xf32>,
        %parallel_loop3A_743 = vector.shape_cast %parallel_loop3A_742 : vector<1x1x16xf32> to vector<16xf32>
        %parallel_loop3A_744 = arith.constant 11.3137083 : f32
        %parallel_loop3A_745 = vector.broadcast %parallel_loop3A_744 : f32 to vector<16xf32>
        %parallel_loop3A_746 = arith.mulf %parallel_loop3A_743, %parallel_loop3A_745 : vector<16xf32>
        %parallel_loop3A_747 = arith.constant 0 : i32
        %parallel_loop3A_748 = arith.index_cast %parallel_loop3A_747 : i32 to index
        %parallel_loop3A_749 = arith.index_cast %parallel_loop3A_625 : i32 to index
        %parallel_loop3A_750 = arith.constant 112 : index
        %parallel_loop3A_751 = tpu.vector_load %arg6[%parallel_loop3A_748, %parallel_loop3A_749, %parallel_loop3A_750] {strides = array<i32>} : memref<10x64x128xf32, #tpu.memory_space<vmem>>, vector<1x1x16xf32>,
        %parallel_loop3A_752 = vector.shape_cast %parallel_loop3A_751 : vector<1x1x16xf32> to vector<16xf32>
        %parallel_loop3A_753 = vector.shape_cast %parallel_loop3A_746 : vector<16xf32> to vector<1x1x16xf32>
        tpu.vector_store %arg6[%parallel_loop3A_748, %parallel_loop3A_749, %parallel_loop3A_750], %parallel_loop3A_753 {strides = array<i32>} : memref<10x64x128xf32, #tpu.memory_space<vmem>>, vector<1x1x16xf32>,
      } {sc.loop_unroll_factor = 2 : i64, sc.parallel_access}
      %mul3A_254 = arith.constant 64 : i32
      %mul3A_255 = arith.muli %add3A_240, %mul3A_254 : i32
      %add3A_256 = arith.addi %mul3A_2, %mul3A_255 : i32
      %dma_start3A_257 = arith.constant 0 : i32
      %dma_start3A_258 = arith.constant 0 : i32
      %dma_start3A_259 = arith.constant 0 : i32
      %dma_start3A_260 = tpu.memref_slice %arg6[%dma_start3A_257, %dma_start3A_258, %dma_start3A_259] : memref<10x64x128xf32, #tpu.memory_space<vmem>> -> memref<1x64x128xf32, #tpu.memory_space<vmem>>
      %dma_start3A_261 = tpu.memref_squeeze %dma_start3A_260 : memref<1x64x128xf32, #tpu.memory_space<vmem>> -> memref<64x128xf32, #tpu.memory_space<vmem>>
      %dma_start3A_262 = arith.constant 0 : i32
      %dma_start3A_263 = tpu.memref_slice %arg4[%add3A_256, %dma_start3A_262] : memref<204800x128xf32, #tpu.memory_space<hbm>> -> memref<64x128xf32, #tpu.memory_space<hbm>>
      %dma_start3A_264 = arith.constant 0 : i32
      %dma_start3A_265 = tpu.memref_slice %arg4[%add3A_256, %dma_start3A_264] : memref<204800x128xf32, #tpu.memory_space<hbm>> -> memref<64x128xf32, #tpu.memory_space<hbm>>
      %dma_start3A_266 = arith.constant 0 : i32
      %dma_start3A_267 = arith.constant 0 : i32
      %dma_start3A_268 = tpu.memref_slice %arg6[%dma_start3A_257, %dma_start3A_266, %dma_start3A_267] : memref<10x64x128xf32, #tpu.memory_space<vmem>> -> memref<1x64x128xf32, #tpu.memory_space<vmem>>
      %dma_start3A_269 = tpu.memref_squeeze %dma_start3A_268 : memref<1x64x128xf32, #tpu.memory_space<vmem>> -> memref<64x128xf32, #tpu.memory_space<vmem>>
      tpu.enqueue_dma source(%dma_start3A_269 : memref<64x128xf32, #tpu.memory_space<vmem>>) target(%dma_start3A_265 : memref<64x128xf32, #tpu.memory_space<hbm>>) target_semaphore(%arg17 : memref<!tpu.dma_semaphore, #tpu.memory_space<semaphore_mem>>)
      %add3A_270 = arith.constant 8 : i32
      %add3A_271 = arith.addi %add3A_240, %add3A_270 : i32
      %lt3A = arith.constant 100 : i32
      %lt3A_272 = arith.cmpi slt, %add3A_271, %lt3A : i32
      %convert_element_type3A = arith.extui %lt3A_272 : i1 to i32
      %cond3A = arith.constant 0 : i32
      %cond3A_273 = arith.cmpi ne, %convert_element_type3A, %cond3A : i32
      scf.if %cond3A_273 {
        %ge3A = arith.constant 2 : i32
        %ge3A_625 = arith.cmpi sge, %add3A_240, %ge3A : i32
        %convert_element_type3A_626 = arith.extui %ge3A_625 : i1 to i32
        %cond3A_627 = arith.constant 0 : i32
        %cond3A_628 = arith.cmpi ne, %convert_element_type3A_626, %cond3A_627 : i32
        scf.if %cond3A_628 {
          %sub3A = arith.constant 10 : i32
          %sub3A_640 = arith.subi %add3A_271, %sub3A : i32
          %mul3A_641 = arith.constant 64 : i32
          %mul3A_642 = arith.muli %sub3A_640, %mul3A_641 : i32
          %add3A_643 = arith.addi %mul3A_2, %mul3A_642 : i32
          %dma_wait3A_644 = arith.constant 8 : i32
          %dma_wait3A_645 = arith.constant 0 : i32
          %dma_wait3A_646 = arith.constant 0 : i32
          %dma_wait3A_647 = tpu.memref_slice %arg6[%dma_wait3A_644, %dma_wait3A_645, %dma_wait3A_646] : memref<10x64x128xf32, #tpu.memory_space<vmem>> -> memref<1x64x128xf32, #tpu.memory_space<vmem>>
          %dma_wait3A_648 = tpu.memref_squeeze %dma_wait3A_647 : memref<1x64x128xf32, #tpu.memory_space<vmem>> -> memref<64x128xf32, #tpu.memory_space<vmem>>
          %dma_wait3A_649 = arith.constant 0 : i32
          %dma_wait3A_650 = tpu.memref_slice %arg4[%add3A_643, %dma_wait3A_649] : memref<204800x128xf32, #tpu.memory_space<hbm>> -> memref<64x128xf32, #tpu.memory_space<hbm>>
          %dma_wait3A_651 = arith.constant 0 : i32
          %dma_wait3A_652 = tpu.memref_slice %arg4[%add3A_643, %dma_wait3A_651] : memref<204800x128xf32, #tpu.memory_space<hbm>> -> memref<64x128xf32, #tpu.memory_space<hbm>>
          %dma_wait3A_653 = arith.constant 0 : i32
          %dma_wait3A_654 = arith.constant 0 : i32
          %dma_wait3A_655 = tpu.memref_slice %arg6[%dma_wait3A_644, %dma_wait3A_653, %dma_wait3A_654] : memref<10x64x128xf32, #tpu.memory_space<vmem>> -> memref<1x64x128xf32, #tpu.memory_space<vmem>>
          %dma_wait3A_656 = tpu.memref_squeeze %dma_wait3A_655 : memref<1x64x128xf32, #tpu.memory_space<vmem>> -> memref<64x128xf32, #tpu.memory_space<vmem>>
          tpu.wait_dma2 semaphore(%arg25 : memref<!tpu.dma_semaphore, #tpu.memory_space<semaphore_mem>>) src(%dma_wait3A_656 : memref<64x128xf32, #tpu.memory_space<vmem>>) dst(%dma_wait3A_652 : memref<64x128xf32, #tpu.memory_space<hbm>>)
        } else {
        }
        %mul3A_629 = arith.constant 64 : i32
        %mul3A_630 = arith.muli %add3A_271, %mul3A_629 : i32
        %dma_start3A_631 = arith.constant 8 : i32
        %dma_start3A_632 = arith.constant 0 : i32
        %dma_start3A_633 = arith.constant 0 : i32
        %dma_start3A_634 = tpu.memref_slice %arg6[%dma_start3A_631, %dma_start3A_632, %dma_start3A_633] : memref<10x64x128xf32, #tpu.memory_space<vmem>> -> memref<1x64x128xf32, #tpu.memory_space<vmem>>
        %dma_start3A_635 = tpu.memref_squeeze %dma_start3A_634 : memref<1x64x128xf32, #tpu.memory_space<vmem>> -> memref<64x128xf32, #tpu.memory_space<vmem>>
        %dma_start3A_636 = tpu.memref_slice %arg5[%mul3A_630] : memref<6400xi32, #tpu.memory_space<vmem>> -> memref<64xi32, #tpu.memory_space<vmem>>
        %dma_start3A_637 = arith.constant 0 : i32
        %dma_start3A_638 = arith.constant 0 : i32
        %dma_start3A_639 = tpu.memref_slice %arg2[%dma_start3A_637, %dma_start3A_638] : memref<1000000x128xf32, #tpu.memory_space<hbm>> -> memref<1000000x128xf32, #tpu.memory_space<hbm>>
        tpu.enqueue_indirect_dma source(%dma_start3A_639 : memref<1000000x128xf32, #tpu.memory_space<hbm>>) target(%dma_start3A_635 : memref<64x128xf32, #tpu.memory_space<vmem>>) offsets(%dma_start3A_636 : memref<64xi32, #tpu.memory_space<vmem>>) semaphore(%arg15 : memref<!tpu.dma_semaphore, #tpu.memory_space<semaphore_mem>>)
      } else {
      }
      %add3A_274 = arith.constant 1 : i32
      %add3A_275 = arith.addi %mul3A_238, %add3A_274 : i32
      %mul3A_276 = arith.constant 64 : i32
      %mul3A_277 = arith.muli %add3A_275, %mul3A_276 : i32
      %dma_wait3A_278 = arith.constant 1 : i32
      %dma_wait3A_279 = arith.constant 0 : i32
      %dma_wait3A_280 = arith.constant 0 : i32
      %dma_wait3A_281 = tpu.memref_slice %arg6[%dma_wait3A_278, %dma_wait3A_279, %dma_wait3A_280] : memref<10x64x128xf32, #tpu.memory_space<vmem>> -> memref<1x64x128xf32, #tpu.memory_space<vmem>>
      %dma_wait3A_282 = tpu.memref_squeeze %dma_wait3A_281 : memref<1x64x128xf32, #tpu.memory_space<vmem>> -> memref<64x128xf32, #tpu.memory_space<vmem>>
      %dma_wait3A_283 = tpu.memref_slice %arg5[%mul3A_277] : memref<6400xi32, #tpu.memory_space<vmem>> -> memref<64xi32, #tpu.memory_space<vmem>>
      %dma_wait3A_284 = arith.constant 0 : i32
      %dma_wait3A_285 = arith.constant 0 : i32
      %dma_wait3A_286 = tpu.memref_slice %arg2[%dma_wait3A_284, %dma_wait3A_285] : memref<1000000x128xf32, #tpu.memory_space<hbm>> -> memref<1000000x128xf32, #tpu.memory_space<hbm>>
      tpu.wait_indirect_dma semaphore(%arg8 : memref<!tpu.dma_semaphore, #tpu.memory_space<semaphore_mem>>) src(%dma_wait3A_286 : memref<1000000x128xf32, #tpu.memory_space<hbm>>) dst(%dma_wait3A_282 : memref<64x128xf32, #tpu.memory_space<vmem>>)
      %parallel_loop3A_287 = arith.constant 0 : i32
      %parallel_loop3A_288 = arith.constant 64 : i32
      %parallel_loop3A_289 = arith.constant 1 : i32
      scf.for %parallel_loop3A_625 = %parallel_loop3A_287 to %parallel_loop3A_288 step %parallel_loop3A_289  : i32 {
        %parallel_loop3A_626 = arith.constant 1 : i32
        %parallel_loop3A_627 = arith.index_cast %parallel_loop3A_626 : i32 to index
        %parallel_loop3A_628 = arith.index_cast %parallel_loop3A_625 : i32 to index
        %parallel_loop3A_629 = arith.constant 0 : index
        %parallel_loop3A_630 = tpu.vector_load %arg6[%parallel_loop3A_627, %parallel_loop3A_628, %parallel_loop3A_629] {strides = array<i32>} : memref<10x64x128xf32, #tpu.memory_space<vmem>>, vector<1x1x16xf32>,
        %parallel_loop3A_631 = vector.shape_cast %parallel_loop3A_630 : vector<1x1x16xf32> to vector<16xf32>
        %parallel_loop3A_632 = arith.constant 11.3137083 : f32
        %parallel_loop3A_633 = vector.broadcast %parallel_loop3A_632 : f32 to vector<16xf32>
        %parallel_loop3A_634 = arith.mulf %parallel_loop3A_631, %parallel_loop3A_633 : vector<16xf32>
        %parallel_loop3A_635 = arith.constant 1 : i32
        %parallel_loop3A_636 = arith.index_cast %parallel_loop3A_635 : i32 to index
        %parallel_loop3A_637 = arith.index_cast %parallel_loop3A_625 : i32 to index
        %parallel_loop3A_638 = arith.constant 0 : index
        %parallel_loop3A_639 = tpu.vector_load %arg6[%parallel_loop3A_636, %parallel_loop3A_637, %parallel_loop3A_638] {strides = array<i32>} : memref<10x64x128xf32, #tpu.memory_space<vmem>>, vector<1x1x16xf32>,
        %parallel_loop3A_640 = vector.shape_cast %parallel_loop3A_639 : vector<1x1x16xf32> to vector<16xf32>
        %parallel_loop3A_641 = vector.shape_cast %parallel_loop3A_634 : vector<16xf32> to vector<1x1x16xf32>
        tpu.vector_store %arg6[%parallel_loop3A_636, %parallel_loop3A_637, %parallel_loop3A_638], %parallel_loop3A_641 {strides = array<i32>} : memref<10x64x128xf32, #tpu.memory_space<vmem>>, vector<1x1x16xf32>,
        %parallel_loop3A_642 = arith.constant 1 : i32
        %parallel_loop3A_643 = arith.index_cast %parallel_loop3A_642 : i32 to index
        %parallel_loop3A_644 = arith.index_cast %parallel_loop3A_625 : i32 to index
        %parallel_loop3A_645 = arith.constant 16 : index
        %parallel_loop3A_646 = tpu.vector_load %arg6[%parallel_loop3A_643, %parallel_loop3A_644, %parallel_loop3A_645] {strides = array<i32>} : memref<10x64x128xf32, #tpu.memory_space<vmem>>, vector<1x1x16xf32>,
        %parallel_loop3A_647 = vector.shape_cast %parallel_loop3A_646 : vector<1x1x16xf32> to vector<16xf32>
        %parallel_loop3A_648 = arith.constant 11.3137083 : f32
        %parallel_loop3A_649 = vector.broadcast %parallel_loop3A_648 : f32 to vector<16xf32>
        %parallel_loop3A_650 = arith.mulf %parallel_loop3A_647, %parallel_loop3A_649 : vector<16xf32>
        %parallel_loop3A_651 = arith.constant 1 : i32
        %parallel_loop3A_652 = arith.index_cast %parallel_loop3A_651 : i32 to index
        %parallel_loop3A_653 = arith.index_cast %parallel_loop3A_625 : i32 to index
        %parallel_loop3A_654 = arith.constant 16 : index
        %parallel_loop3A_655 = tpu.vector_load %arg6[%parallel_loop3A_652, %parallel_loop3A_653, %parallel_loop3A_654] {strides = array<i32>} : memref<10x64x128xf32, #tpu.memory_space<vmem>>, vector<1x1x16xf32>,
        %parallel_loop3A_656 = vector.shape_cast %parallel_loop3A_655 : vector<1x1x16xf32> to vector<16xf32>
        %parallel_loop3A_657 = vector.shape_cast %parallel_loop3A_650 : vector<16xf32> to vector<1x1x16xf32>
        tpu.vector_store %arg6[%parallel_loop3A_652, %parallel_loop3A_653, %parallel_loop3A_654], %parallel_loop3A_657 {strides = array<i32>} : memref<10x64x128xf32, #tpu.memory_space<vmem>>, vector<1x1x16xf32>,
        %parallel_loop3A_658 = arith.constant 1 : i32
        %parallel_loop3A_659 = arith.index_cast %parallel_loop3A_658 : i32 to index
        %parallel_loop3A_660 = arith.index_cast %parallel_loop3A_625 : i32 to index
        %parallel_loop3A_661 = arith.constant 32 : index
        %parallel_loop3A_662 = tpu.vector_load %arg6[%parallel_loop3A_659, %parallel_loop3A_660, %parallel_loop3A_661] {strides = array<i32>} : memref<10x64x128xf32, #tpu.memory_space<vmem>>, vector<1x1x16xf32>,
        %parallel_loop3A_663 = vector.shape_cast %parallel_loop3A_662 : vector<1x1x16xf32> to vector<16xf32>
        %parallel_loop3A_664 = arith.constant 11.3137083 : f32
        %parallel_loop3A_665 = vector.broadcast %parallel_loop3A_664 : f32 to vector<16xf32>
        %parallel_loop3A_666 = arith.mulf %parallel_loop3A_663, %parallel_loop3A_665 : vector<16xf32>
        %parallel_loop3A_667 = arith.constant 1 : i32
        %parallel_loop3A_668 = arith.index_cast %parallel_loop3A_667 : i32 to index
        %parallel_loop3A_669 = arith.index_cast %parallel_loop3A_625 : i32 to index
        %parallel_loop3A_670 = arith.constant 32 : index
        %parallel_loop3A_671 = tpu.vector_load %arg6[%parallel_loop3A_668, %parallel_loop3A_669, %parallel_loop3A_670] {strides = array<i32>} : memref<10x64x128xf32, #tpu.memory_space<vmem>>, vector<1x1x16xf32>,
        %parallel_loop3A_672 = vector.shape_cast %parallel_loop3A_671 : vector<1x1x16xf32> to vector<16xf32>
        %parallel_loop3A_673 = vector.shape_cast %parallel_loop3A_666 : vector<16xf32> to vector<1x1x16xf32>
        tpu.vector_store %arg6[%parallel_loop3A_668, %parallel_loop3A_669, %parallel_loop3A_670], %parallel_loop3A_673 {strides = array<i32>} : memref<10x64x128xf32, #tpu.memory_space<vmem>>, vector<1x1x16xf32>,
        %parallel_loop3A_674 = arith.constant 1 : i32
        %parallel_loop3A_675 = arith.index_cast %parallel_loop3A_674 : i32 to index
        %parallel_loop3A_676 = arith.index_cast %parallel_loop3A_625 : i32 to index
        %parallel_loop3A_677 = arith.constant 48 : index
        %parallel_loop3A_678 = tpu.vector_load %arg6[%parallel_loop3A_675, %parallel_loop3A_676, %parallel_loop3A_677] {strides = array<i32>} : memref<10x64x128xf32, #tpu.memory_space<vmem>>, vector<1x1x16xf32>,
        %parallel_loop3A_679 = vector.shape_cast %parallel_loop3A_678 : vector<1x1x16xf32> to vector<16xf32>
        %parallel_loop3A_680 = arith.constant 11.3137083 : f32
        %parallel_loop3A_681 = vector.broadcast %parallel_loop3A_680 : f32 to vector<16xf32>
        %parallel_loop3A_682 = arith.mulf %parallel_loop3A_679, %parallel_loop3A_681 : vector<16xf32>
        %parallel_loop3A_683 = arith.constant 1 : i32
        %parallel_loop3A_684 = arith.index_cast %parallel_loop3A_683 : i32 to index
        %parallel_loop3A_685 = arith.index_cast %parallel_loop3A_625 : i32 to index
        %parallel_loop3A_686 = arith.constant 48 : index
        %parallel_loop3A_687 = tpu.vector_load %arg6[%parallel_loop3A_684, %parallel_loop3A_685, %parallel_loop3A_686] {strides = array<i32>} : memref<10x64x128xf32, #tpu.memory_space<vmem>>, vector<1x1x16xf32>,
        %parallel_loop3A_688 = vector.shape_cast %parallel_loop3A_687 : vector<1x1x16xf32> to vector<16xf32>
        %parallel_loop3A_689 = vector.shape_cast %parallel_loop3A_682 : vector<16xf32> to vector<1x1x16xf32>
        tpu.vector_store %arg6[%parallel_loop3A_684, %parallel_loop3A_685, %parallel_loop3A_686], %parallel_loop3A_689 {strides = array<i32>} : memref<10x64x128xf32, #tpu.memory_space<vmem>>, vector<1x1x16xf32>,
        %parallel_loop3A_690 = arith.constant 1 : i32
        %parallel_loop3A_691 = arith.index_cast %parallel_loop3A_690 : i32 to index
        %parallel_loop3A_692 = arith.index_cast %parallel_loop3A_625 : i32 to index
        %parallel_loop3A_693 = arith.constant 64 : index
        %parallel_loop3A_694 = tpu.vector_load %arg6[%parallel_loop3A_691, %parallel_loop3A_692, %parallel_loop3A_693] {strides = array<i32>} : memref<10x64x128xf32, #tpu.memory_space<vmem>>, vector<1x1x16xf32>,
        %parallel_loop3A_695 = vector.shape_cast %parallel_loop3A_694 : vector<1x1x16xf32> to vector<16xf32>
        %parallel_loop3A_696 = arith.constant 11.3137083 : f32
        %parallel_loop3A_697 = vector.broadcast %parallel_loop3A_696 : f32 to vector<16xf32>
        %parallel_loop3A_698 = arith.mulf %parallel_loop3A_695, %parallel_loop3A_697 : vector<16xf32>
        %parallel_loop3A_699 = arith.constant 1 : i32
        %parallel_loop3A_700 = arith.index_cast %parallel_loop3A_699 : i32 to index
        %parallel_loop3A_701 = arith.index_cast %parallel_loop3A_625 : i32 to index
        %parallel_loop3A_702 = arith.constant 64 : index
        %parallel_loop3A_703 = tpu.vector_load %arg6[%parallel_loop3A_700, %parallel_loop3A_701, %parallel_loop3A_702] {strides = array<i32>} : memref<10x64x128xf32, #tpu.memory_space<vmem>>, vector<1x1x16xf32>,
        %parallel_loop3A_704 = vector.shape_cast %parallel_loop3A_703 : vector<1x1x16xf32> to vector<16xf32>
        %parallel_loop3A_705 = vector.shape_cast %parallel_loop3A_698 : vector<16xf32> to vector<1x1x16xf32>
        tpu.vector_store %arg6[%parallel_loop3A_700, %parallel_loop3A_701, %parallel_loop3A_702], %parallel_loop3A_705 {strides = array<i32>} : memref<10x64x128xf32, #tpu.memory_space<vmem>>, vector<1x1x16xf32>,
        %parallel_loop3A_706 = arith.constant 1 : i32
        %parallel_loop3A_707 = arith.index_cast %parallel_loop3A_706 : i32 to index
        %parallel_loop3A_708 = arith.index_cast %parallel_loop3A_625 : i32 to index
        %parallel_loop3A_709 = arith.constant 80 : index
        %parallel_loop3A_710 = tpu.vector_load %arg6[%parallel_loop3A_707, %parallel_loop3A_708, %parallel_loop3A_709] {strides = array<i32>} : memref<10x64x128xf32, #tpu.memory_space<vmem>>, vector<1x1x16xf32>,
        %parallel_loop3A_711 = vector.shape_cast %parallel_loop3A_710 : vector<1x1x16xf32> to vector<16xf32>
        %parallel_loop3A_712 = arith.constant 11.3137083 : f32
        %parallel_loop3A_713 = vector.broadcast %parallel_loop3A_712 : f32 to vector<16xf32>
        %parallel_loop3A_714 = arith.mulf %parallel_loop3A_711, %parallel_loop3A_713 : vector<16xf32>
        %parallel_loop3A_715 = arith.constant 1 : i32
        %parallel_loop3A_716 = arith.index_cast %parallel_loop3A_715 : i32 to index
        %parallel_loop3A_717 = arith.index_cast %parallel_loop3A_625 : i32 to index
        %parallel_loop3A_718 = arith.constant 80 : index
        %parallel_loop3A_719 = tpu.vector_load %arg6[%parallel_loop3A_716, %parallel_loop3A_717, %parallel_loop3A_718] {strides = array<i32>} : memref<10x64x128xf32, #tpu.memory_space<vmem>>, vector<1x1x16xf32>,
        %parallel_loop3A_720 = vector.shape_cast %parallel_loop3A_719 : vector<1x1x16xf32> to vector<16xf32>
        %parallel_loop3A_721 = vector.shape_cast %parallel_loop3A_714 : vector<16xf32> to vector<1x1x16xf32>
        tpu.vector_store %arg6[%parallel_loop3A_716, %parallel_loop3A_717, %parallel_loop3A_718], %parallel_loop3A_721 {strides = array<i32>} : memref<10x64x128xf32, #tpu.memory_space<vmem>>, vector<1x1x16xf32>,
        %parallel_loop3A_722 = arith.constant 1 : i32
        %parallel_loop3A_723 = arith.index_cast %parallel_loop3A_722 : i32 to index
        %parallel_loop3A_724 = arith.index_cast %parallel_loop3A_625 : i32 to index
        %parallel_loop3A_725 = arith.constant 96 : index
        %parallel_loop3A_726 = tpu.vector_load %arg6[%parallel_loop3A_723, %parallel_loop3A_724, %parallel_loop3A_725] {strides = array<i32>} : memref<10x64x128xf32, #tpu.memory_space<vmem>>, vector<1x1x16xf32>,
        %parallel_loop3A_727 = vector.shape_cast %parallel_loop3A_726 : vector<1x1x16xf32> to vector<16xf32>
        %parallel_loop3A_728 = arith.constant 11.3137083 : f32
        %parallel_loop3A_729 = vector.broadcast %parallel_loop3A_728 : f32 to vector<16xf32>
        %parallel_loop3A_730 = arith.mulf %parallel_loop3A_727, %parallel_loop3A_729 : vector<16xf32>
        %parallel_loop3A_731 = arith.constant 1 : i32
        %parallel_loop3A_732 = arith.index_cast %parallel_loop3A_731 : i32 to index
        %parallel_loop3A_733 = arith.index_cast %parallel_loop3A_625 : i32 to index
        %parallel_loop3A_734 = arith.constant 96 : index
        %parallel_loop3A_735 = tpu.vector_load %arg6[%parallel_loop3A_732, %parallel_loop3A_733, %parallel_loop3A_734] {strides = array<i32>} : memref<10x64x128xf32, #tpu.memory_space<vmem>>, vector<1x1x16xf32>,
        %parallel_loop3A_736 = vector.shape_cast %parallel_loop3A_735 : vector<1x1x16xf32> to vector<16xf32>
        %parallel_loop3A_737 = vector.shape_cast %parallel_loop3A_730 : vector<16xf32> to vector<1x1x16xf32>
        tpu.vector_store %arg6[%parallel_loop3A_732, %parallel_loop3A_733, %parallel_loop3A_734], %parallel_loop3A_737 {strides = array<i32>} : memref<10x64x128xf32, #tpu.memory_space<vmem>>, vector<1x1x16xf32>,
        %parallel_loop3A_738 = arith.constant 1 : i32
        %parallel_loop3A_739 = arith.index_cast %parallel_loop3A_738 : i32 to index
        %parallel_loop3A_740 = arith.index_cast %parallel_loop3A_625 : i32 to index
        %parallel_loop3A_741 = arith.constant 112 : index
        %parallel_loop3A_742 = tpu.vector_load %arg6[%parallel_loop3A_739, %parallel_loop3A_740, %parallel_loop3A_741] {strides = array<i32>} : memref<10x64x128xf32, #tpu.memory_space<vmem>>, vector<1x1x16xf32>,
        %parallel_loop3A_743 = vector.shape_cast %parallel_loop3A_742 : vector<1x1x16xf32> to vector<16xf32>
        %parallel_loop3A_744 = arith.constant 11.3137083 : f32
        %parallel_loop3A_745 = vector.broadcast %parallel_loop3A_744 : f32 to vector<16xf32>
        %parallel_loop3A_746 = arith.mulf %parallel_loop3A_743, %parallel_loop3A_745 : vector<16xf32>
        %parallel_loop3A_747 = arith.constant 1 : i32
        %parallel_loop3A_748 = arith.index_cast %parallel_loop3A_747 : i32 to index
        %parallel_loop3A_749 = arith.index_cast %parallel_loop3A_625 : i32 to index
        %parallel_loop3A_750 = arith.constant 112 : index
        %parallel_loop3A_751 = tpu.vector_load %arg6[%parallel_loop3A_748, %parallel_loop3A_749, %parallel_loop3A_750] {strides = array<i32>} : memref<10x64x128xf32, #tpu.memory_space<vmem>>, vector<1x1x16xf32>,
        %parallel_loop3A_752 = vector.shape_cast %parallel_loop3A_751 : vector<1x1x16xf32> to vector<16xf32>
        %parallel_loop3A_753 = vector.shape_cast %parallel_loop3A_746 : vector<16xf32> to vector<1x1x16xf32>
        tpu.vector_store %arg6[%parallel_loop3A_748, %parallel_loop3A_749, %parallel_loop3A_750], %parallel_loop3A_753 {strides = array<i32>} : memref<10x64x128xf32, #tpu.memory_space<vmem>>, vector<1x1x16xf32>,
      } {sc.loop_unroll_factor = 2 : i64, sc.parallel_access}
      %mul3A_290 = arith.constant 64 : i32
      %mul3A_291 = arith.muli %add3A_275, %mul3A_290 : i32
      %add3A_292 = arith.addi %mul3A_2, %mul3A_291 : i32
      %dma_start3A_293 = arith.constant 1 : i32
      %dma_start3A_294 = arith.constant 0 : i32
      %dma_start3A_295 = arith.constant 0 : i32
      %dma_start3A_296 = tpu.memref_slice %arg6[%dma_start3A_293, %dma_start3A_294, %dma_start3A_295] : memref<10x64x128xf32, #tpu.memory_space<vmem>> -> memref<1x64x128xf32, #tpu.memory_space<vmem>>
      %dma_start3A_297 = tpu.memref_squeeze %dma_start3A_296 : memref<1x64x128xf32, #tpu.memory_space<vmem>> -> memref<64x128xf32, #tpu.memory_space<vmem>>
      %dma_start3A_298 = arith.constant 0 : i32
      %dma_start3A_299 = tpu.memref_slice %arg4[%add3A_292, %dma_start3A_298] : memref<204800x128xf32, #tpu.memory_space<hbm>> -> memref<64x128xf32, #tpu.memory_space<hbm>>
      %dma_start3A_300 = arith.constant 0 : i32
      %dma_start3A_301 = tpu.memref_slice %arg4[%add3A_292, %dma_start3A_300] : memref<204800x128xf32, #tpu.memory_space<hbm>> -> memref<64x128xf32, #tpu.memory_space<hbm>>
      %dma_start3A_302 = arith.constant 0 : i32
      %dma_start3A_303 = arith.constant 0 : i32
      %dma_start3A_304 = tpu.memref_slice %arg6[%dma_start3A_293, %dma_start3A_302, %dma_start3A_303] : memref<10x64x128xf32, #tpu.memory_space<vmem>> -> memref<1x64x128xf32, #tpu.memory_space<vmem>>
      %dma_start3A_305 = tpu.memref_squeeze %dma_start3A_304 : memref<1x64x128xf32, #tpu.memory_space<vmem>> -> memref<64x128xf32, #tpu.memory_space<vmem>>
      tpu.enqueue_dma source(%dma_start3A_305 : memref<64x128xf32, #tpu.memory_space<vmem>>) target(%dma_start3A_301 : memref<64x128xf32, #tpu.memory_space<hbm>>) target_semaphore(%arg18 : memref<!tpu.dma_semaphore, #tpu.memory_space<semaphore_mem>>)
      %add3A_306 = arith.constant 8 : i32
      %add3A_307 = arith.addi %add3A_275, %add3A_306 : i32
      %lt3A_308 = arith.constant 100 : i32
      %lt3A_309 = arith.cmpi slt, %add3A_307, %lt3A_308 : i32
      %convert_element_type3A_310 = arith.extui %lt3A_309 : i1 to i32
      %cond3A_311 = arith.constant 0 : i32
      %cond3A_312 = arith.cmpi ne, %convert_element_type3A_310, %cond3A_311 : i32
      scf.if %cond3A_312 {
        %ge3A = arith.constant 2 : i32
        %ge3A_625 = arith.cmpi sge, %add3A_275, %ge3A : i32
        %convert_element_type3A_626 = arith.extui %ge3A_625 : i1 to i32
        %cond3A_627 = arith.constant 0 : i32
        %cond3A_628 = arith.cmpi ne, %convert_element_type3A_626, %cond3A_627 : i32
        scf.if %cond3A_628 {
          %sub3A = arith.constant 10 : i32
          %sub3A_640 = arith.subi %add3A_307, %sub3A : i32
          %mul3A_641 = arith.constant 64 : i32
          %mul3A_642 = arith.muli %sub3A_640, %mul3A_641 : i32
          %add3A_643 = arith.addi %mul3A_2, %mul3A_642 : i32
          %dma_wait3A_644 = arith.constant 9 : i32
          %dma_wait3A_645 = arith.constant 0 : i32
          %dma_wait3A_646 = arith.constant 0 : i32
          %dma_wait3A_647 = tpu.memref_slice %arg6[%dma_wait3A_644, %dma_wait3A_645, %dma_wait3A_646] : memref<10x64x128xf32, #tpu.memory_space<vmem>> -> memref<1x64x128xf32, #tpu.memory_space<vmem>>
          %dma_wait3A_648 = tpu.memref_squeeze %dma_wait3A_647 : memref<1x64x128xf32, #tpu.memory_space<vmem>> -> memref<64x128xf32, #tpu.memory_space<vmem>>
          %dma_wait3A_649 = arith.constant 0 : i32
          %dma_wait3A_650 = tpu.memref_slice %arg4[%add3A_643, %dma_wait3A_649] : memref<204800x128xf32, #tpu.memory_space<hbm>> -> memref<64x128xf32, #tpu.memory_space<hbm>>
          %dma_wait3A_651 = arith.constant 0 : i32
          %dma_wait3A_652 = tpu.memref_slice %arg4[%add3A_643, %dma_wait3A_651] : memref<204800x128xf32, #tpu.memory_space<hbm>> -> memref<64x128xf32, #tpu.memory_space<hbm>>
          %dma_wait3A_653 = arith.constant 0 : i32
          %dma_wait3A_654 = arith.constant 0 : i32
          %dma_wait3A_655 = tpu.memref_slice %arg6[%dma_wait3A_644, %dma_wait3A_653, %dma_wait3A_654] : memref<10x64x128xf32, #tpu.memory_space<vmem>> -> memref<1x64x128xf32, #tpu.memory_space<vmem>>
          %dma_wait3A_656 = tpu.memref_squeeze %dma_wait3A_655 : memref<1x64x128xf32, #tpu.memory_space<vmem>> -> memref<64x128xf32, #tpu.memory_space<vmem>>
          tpu.wait_dma2 semaphore(%arg26 : memref<!tpu.dma_semaphore, #tpu.memory_space<semaphore_mem>>) src(%dma_wait3A_656 : memref<64x128xf32, #tpu.memory_space<vmem>>) dst(%dma_wait3A_652 : memref<64x128xf32, #tpu.memory_space<hbm>>)
        } else {
        }
        %mul3A_629 = arith.constant 64 : i32
        %mul3A_630 = arith.muli %add3A_307, %mul3A_629 : i32
        %dma_start3A_631 = arith.constant 9 : i32
        %dma_start3A_632 = arith.constant 0 : i32
        %dma_start3A_633 = arith.constant 0 : i32
        %dma_start3A_634 = tpu.memref_slice %arg6[%dma_start3A_631, %dma_start3A_632, %dma_start3A_633] : memref<10x64x128xf32, #tpu.memory_space<vmem>> -> memref<1x64x128xf32, #tpu.memory_space<vmem>>
        %dma_start3A_635 = tpu.memref_squeeze %dma_start3A_634 : memref<1x64x128xf32, #tpu.memory_space<vmem>> -> memref<64x128xf32, #tpu.memory_space<vmem>>
        %dma_start3A_636 = tpu.memref_slice %arg5[%mul3A_630] : memref<6400xi32, #tpu.memory_space<vmem>> -> memref<64xi32, #tpu.memory_space<vmem>>
        %dma_start3A_637 = arith.constant 0 : i32
        %dma_start3A_638 = arith.constant 0 : i32
        %dma_start3A_639 = tpu.memref_slice %arg2[%dma_start3A_637, %dma_start3A_638] : memref<1000000x128xf32, #tpu.memory_space<hbm>> -> memref<1000000x128xf32, #tpu.memory_space<hbm>>
        tpu.enqueue_indirect_dma source(%dma_start3A_639 : memref<1000000x128xf32, #tpu.memory_space<hbm>>) target(%dma_start3A_635 : memref<64x128xf32, #tpu.memory_space<vmem>>) offsets(%dma_start3A_636 : memref<64xi32, #tpu.memory_space<vmem>>) semaphore(%arg16 : memref<!tpu.dma_semaphore, #tpu.memory_space<semaphore_mem>>)
      } else {
      }
      %add3A_313 = arith.constant 2 : i32
      %add3A_314 = arith.addi %mul3A_238, %add3A_313 : i32
      %mul3A_315 = arith.constant 64 : i32
      %mul3A_316 = arith.muli %add3A_314, %mul3A_315 : i32
      %dma_wait3A_317 = arith.constant 2 : i32
      %dma_wait3A_318 = arith.constant 0 : i32
      %dma_wait3A_319 = arith.constant 0 : i32
      %dma_wait3A_320 = tpu.memref_slice %arg6[%dma_wait3A_317, %dma_wait3A_318, %dma_wait3A_319] : memref<10x64x128xf32, #tpu.memory_space<vmem>> -> memref<1x64x128xf32, #tpu.memory_space<vmem>>
      %dma_wait3A_321 = tpu.memref_squeeze %dma_wait3A_320 : memref<1x64x128xf32, #tpu.memory_space<vmem>> -> memref<64x128xf32, #tpu.memory_space<vmem>>
      %dma_wait3A_322 = tpu.memref_slice %arg5[%mul3A_316] : memref<6400xi32, #tpu.memory_space<vmem>> -> memref<64xi32, #tpu.memory_space<vmem>>
      %dma_wait3A_323 = arith.constant 0 : i32
      %dma_wait3A_324 = arith.constant 0 : i32
      %dma_wait3A_325 = tpu.memref_slice %arg2[%dma_wait3A_323, %dma_wait3A_324] : memref<1000000x128xf32, #tpu.memory_space<hbm>> -> memref<1000000x128xf32, #tpu.memory_space<hbm>>
      tpu.wait_indirect_dma semaphore(%arg9 : memref<!tpu.dma_semaphore, #tpu.memory_space<semaphore_mem>>) src(%dma_wait3A_325 : memref<1000000x128xf32, #tpu.memory_space<hbm>>) dst(%dma_wait3A_321 : memref<64x128xf32, #tpu.memory_space<vmem>>)
      %parallel_loop3A_326 = arith.constant 0 : i32
      %parallel_loop3A_327 = arith.constant 64 : i32
      %parallel_loop3A_328 = arith.constant 1 : i32
      scf.for %parallel_loop3A_625 = %parallel_loop3A_326 to %parallel_loop3A_327 step %parallel_loop3A_328  : i32 {
        %parallel_loop3A_626 = arith.constant 2 : i32
        %parallel_loop3A_627 = arith.index_cast %parallel_loop3A_626 : i32 to index
        %parallel_loop3A_628 = arith.index_cast %parallel_loop3A_625 : i32 to index
        %parallel_loop3A_629 = arith.constant 0 : index
        %parallel_loop3A_630 = tpu.vector_load %arg6[%parallel_loop3A_627, %parallel_loop3A_628, %parallel_loop3A_629] {strides = array<i32>} : memref<10x64x128xf32, #tpu.memory_space<vmem>>, vector<1x1x16xf32>,
        %parallel_loop3A_631 = vector.shape_cast %parallel_loop3A_630 : vector<1x1x16xf32> to vector<16xf32>
        %parallel_loop3A_632 = arith.constant 11.3137083 : f32
        %parallel_loop3A_633 = vector.broadcast %parallel_loop3A_632 : f32 to vector<16xf32>
        %parallel_loop3A_634 = arith.mulf %parallel_loop3A_631, %parallel_loop3A_633 : vector<16xf32>
        %parallel_loop3A_635 = arith.constant 2 : i32
        %parallel_loop3A_636 = arith.index_cast %parallel_loop3A_635 : i32 to index
        %parallel_loop3A_637 = arith.index_cast %parallel_loop3A_625 : i32 to index
        %parallel_loop3A_638 = arith.constant 0 : index
        %parallel_loop3A_639 = tpu.vector_load %arg6[%parallel_loop3A_636, %parallel_loop3A_637, %parallel_loop3A_638] {strides = array<i32>} : memref<10x64x128xf32, #tpu.memory_space<vmem>>, vector<1x1x16xf32>,
        %parallel_loop3A_640 = vector.shape_cast %parallel_loop3A_639 : vector<1x1x16xf32> to vector<16xf32>
        %parallel_loop3A_641 = vector.shape_cast %parallel_loop3A_634 : vector<16xf32> to vector<1x1x16xf32>
        tpu.vector_store %arg6[%parallel_loop3A_636, %parallel_loop3A_637, %parallel_loop3A_638], %parallel_loop3A_641 {strides = array<i32>} : memref<10x64x128xf32, #tpu.memory_space<vmem>>, vector<1x1x16xf32>,
        %parallel_loop3A_642 = arith.constant 2 : i32
        %parallel_loop3A_643 = arith.index_cast %parallel_loop3A_642 : i32 to index
        %parallel_loop3A_644 = arith.index_cast %parallel_loop3A_625 : i32 to index
        %parallel_loop3A_645 = arith.constant 16 : index
        %parallel_loop3A_646 = tpu.vector_load %arg6[%parallel_loop3A_643, %parallel_loop3A_644, %parallel_loop3A_645] {strides = array<i32>} : memref<10x64x128xf32, #tpu.memory_space<vmem>>, vector<1x1x16xf32>,
        %parallel_loop3A_647 = vector.shape_cast %parallel_loop3A_646 : vector<1x1x16xf32> to vector<16xf32>
        %parallel_loop3A_648 = arith.constant 11.3137083 : f32
        %parallel_loop3A_649 = vector.broadcast %parallel_loop3A_648 : f32 to vector<16xf32>
        %parallel_loop3A_650 = arith.mulf %parallel_loop3A_647, %parallel_loop3A_649 : vector<16xf32>
        %parallel_loop3A_651 = arith.constant 2 : i32
        %parallel_loop3A_652 = arith.index_cast %parallel_loop3A_651 : i32 to index
        %parallel_loop3A_653 = arith.index_cast %parallel_loop3A_625 : i32 to index
        %parallel_loop3A_654 = arith.constant 16 : index
        %parallel_loop3A_655 = tpu.vector_load %arg6[%parallel_loop3A_652, %parallel_loop3A_653, %parallel_loop3A_654] {strides = array<i32>} : memref<10x64x128xf32, #tpu.memory_space<vmem>>, vector<1x1x16xf32>,
        %parallel_loop3A_656 = vector.shape_cast %parallel_loop3A_655 : vector<1x1x16xf32> to vector<16xf32>
        %parallel_loop3A_657 = vector.shape_cast %parallel_loop3A_650 : vector<16xf32> to vector<1x1x16xf32>
        tpu.vector_store %arg6[%parallel_loop3A_652, %parallel_loop3A_653, %parallel_loop3A_654], %parallel_loop3A_657 {strides = array<i32>} : memref<10x64x128xf32, #tpu.memory_space<vmem>>, vector<1x1x16xf32>,
        %parallel_loop3A_658 = arith.constant 2 : i32
        %parallel_loop3A_659 = arith.index_cast %parallel_loop3A_658 : i32 to index
        %parallel_loop3A_660 = arith.index_cast %parallel_loop3A_625 : i32 to index
        %parallel_loop3A_661 = arith.constant 32 : index
        %parallel_loop3A_662 = tpu.vector_load %arg6[%parallel_loop3A_659, %parallel_loop3A_660, %parallel_loop3A_661] {strides = array<i32>} : memref<10x64x128xf32, #tpu.memory_space<vmem>>, vector<1x1x16xf32>,
        %parallel_loop3A_663 = vector.shape_cast %parallel_loop3A_662 : vector<1x1x16xf32> to vector<16xf32>
        %parallel_loop3A_664 = arith.constant 11.3137083 : f32
        %parallel_loop3A_665 = vector.broadcast %parallel_loop3A_664 : f32 to vector<16xf32>
        %parallel_loop3A_666 = arith.mulf %parallel_loop3A_663, %parallel_loop3A_665 : vector<16xf32>
        %parallel_loop3A_667 = arith.constant 2 : i32
        %parallel_loop3A_668 = arith.index_cast %parallel_loop3A_667 : i32 to index
        %parallel_loop3A_669 = arith.index_cast %parallel_loop3A_625 : i32 to index
        %parallel_loop3A_670 = arith.constant 32 : index
        %parallel_loop3A_671 = tpu.vector_load %arg6[%parallel_loop3A_668, %parallel_loop3A_669, %parallel_loop3A_670] {strides = array<i32>} : memref<10x64x128xf32, #tpu.memory_space<vmem>>, vector<1x1x16xf32>,
        %parallel_loop3A_672 = vector.shape_cast %parallel_loop3A_671 : vector<1x1x16xf32> to vector<16xf32>
        %parallel_loop3A_673 = vector.shape_cast %parallel_loop3A_666 : vector<16xf32> to vector<1x1x16xf32>
        tpu.vector_store %arg6[%parallel_loop3A_668, %parallel_loop3A_669, %parallel_loop3A_670], %parallel_loop3A_673 {strides = array<i32>} : memref<10x64x128xf32, #tpu.memory_space<vmem>>, vector<1x1x16xf32>,
        %parallel_loop3A_674 = arith.constant 2 : i32
        %parallel_loop3A_675 = arith.index_cast %parallel_loop3A_674 : i32 to index
        %parallel_loop3A_676 = arith.index_cast %parallel_loop3A_625 : i32 to index
        %parallel_loop3A_677 = arith.constant 48 : index
        %parallel_loop3A_678 = tpu.vector_load %arg6[%parallel_loop3A_675, %parallel_loop3A_676, %parallel_loop3A_677] {strides = array<i32>} : memref<10x64x128xf32, #tpu.memory_space<vmem>>, vector<1x1x16xf32>,
        %parallel_loop3A_679 = vector.shape_cast %parallel_loop3A_678 : vector<1x1x16xf32> to vector<16xf32>
        %parallel_loop3A_680 = arith.constant 11.3137083 : f32
        %parallel_loop3A_681 = vector.broadcast %parallel_loop3A_680 : f32 to vector<16xf32>
        %parallel_loop3A_682 = arith.mulf %parallel_loop3A_679, %parallel_loop3A_681 : vector<16xf32>
        %parallel_loop3A_683 = arith.constant 2 : i32
        %parallel_loop3A_684 = arith.index_cast %parallel_loop3A_683 : i32 to index
        %parallel_loop3A_685 = arith.index_cast %parallel_loop3A_625 : i32 to index
        %parallel_loop3A_686 = arith.constant 48 : index
        %parallel_loop3A_687 = tpu.vector_load %arg6[%parallel_loop3A_684, %parallel_loop3A_685, %parallel_loop3A_686] {strides = array<i32>} : memref<10x64x128xf32, #tpu.memory_space<vmem>>, vector<1x1x16xf32>,
        %parallel_loop3A_688 = vector.shape_cast %parallel_loop3A_687 : vector<1x1x16xf32> to vector<16xf32>
        %parallel_loop3A_689 = vector.shape_cast %parallel_loop3A_682 : vector<16xf32> to vector<1x1x16xf32>
        tpu.vector_store %arg6[%parallel_loop3A_684, %parallel_loop3A_685, %parallel_loop3A_686], %parallel_loop3A_689 {strides = array<i32>} : memref<10x64x128xf32, #tpu.memory_space<vmem>>, vector<1x1x16xf32>,
        %parallel_loop3A_690 = arith.constant 2 : i32
        %parallel_loop3A_691 = arith.index_cast %parallel_loop3A_690 : i32 to index
        %parallel_loop3A_692 = arith.index_cast %parallel_loop3A_625 : i32 to index
        %parallel_loop3A_693 = arith.constant 64 : index
        %parallel_loop3A_694 = tpu.vector_load %arg6[%parallel_loop3A_691, %parallel_loop3A_692, %parallel_loop3A_693] {strides = array<i32>} : memref<10x64x128xf32, #tpu.memory_space<vmem>>, vector<1x1x16xf32>,
        %parallel_loop3A_695 = vector.shape_cast %parallel_loop3A_694 : vector<1x1x16xf32> to vector<16xf32>
        %parallel_loop3A_696 = arith.constant 11.3137083 : f32
        %parallel_loop3A_697 = vector.broadcast %parallel_loop3A_696 : f32 to vector<16xf32>
        %parallel_loop3A_698 = arith.mulf %parallel_loop3A_695, %parallel_loop3A_697 : vector<16xf32>
        %parallel_loop3A_699 = arith.constant 2 : i32
        %parallel_loop3A_700 = arith.index_cast %parallel_loop3A_699 : i32 to index
        %parallel_loop3A_701 = arith.index_cast %parallel_loop3A_625 : i32 to index
        %parallel_loop3A_702 = arith.constant 64 : index
        %parallel_loop3A_703 = tpu.vector_load %arg6[%parallel_loop3A_700, %parallel_loop3A_701, %parallel_loop3A_702] {strides = array<i32>} : memref<10x64x128xf32, #tpu.memory_space<vmem>>, vector<1x1x16xf32>,
        %parallel_loop3A_704 = vector.shape_cast %parallel_loop3A_703 : vector<1x1x16xf32> to vector<16xf32>
        %parallel_loop3A_705 = vector.shape_cast %parallel_loop3A_698 : vector<16xf32> to vector<1x1x16xf32>
        tpu.vector_store %arg6[%parallel_loop3A_700, %parallel_loop3A_701, %parallel_loop3A_702], %parallel_loop3A_705 {strides = array<i32>} : memref<10x64x128xf32, #tpu.memory_space<vmem>>, vector<1x1x16xf32>,
        %parallel_loop3A_706 = arith.constant 2 : i32
        %parallel_loop3A_707 = arith.index_cast %parallel_loop3A_706 : i32 to index
        %parallel_loop3A_708 = arith.index_cast %parallel_loop3A_625 : i32 to index
        %parallel_loop3A_709 = arith.constant 80 : index
        %parallel_loop3A_710 = tpu.vector_load %arg6[%parallel_loop3A_707, %parallel_loop3A_708, %parallel_loop3A_709] {strides = array<i32>} : memref<10x64x128xf32, #tpu.memory_space<vmem>>, vector<1x1x16xf32>,
        %parallel_loop3A_711 = vector.shape_cast %parallel_loop3A_710 : vector<1x1x16xf32> to vector<16xf32>
        %parallel_loop3A_712 = arith.constant 11.3137083 : f32
        %parallel_loop3A_713 = vector.broadcast %parallel_loop3A_712 : f32 to vector<16xf32>
        %parallel_loop3A_714 = arith.mulf %parallel_loop3A_711, %parallel_loop3A_713 : vector<16xf32>
        %parallel_loop3A_715 = arith.constant 2 : i32
        %parallel_loop3A_716 = arith.index_cast %parallel_loop3A_715 : i32 to index
        %parallel_loop3A_717 = arith.index_cast %parallel_loop3A_625 : i32 to index
        %parallel_loop3A_718 = arith.constant 80 : index
        %parallel_loop3A_719 = tpu.vector_load %arg6[%parallel_loop3A_716, %parallel_loop3A_717, %parallel_loop3A_718] {strides = array<i32>} : memref<10x64x128xf32, #tpu.memory_space<vmem>>, vector<1x1x16xf32>,
        %parallel_loop3A_720 = vector.shape_cast %parallel_loop3A_719 : vector<1x1x16xf32> to vector<16xf32>
        %parallel_loop3A_721 = vector.shape_cast %parallel_loop3A_714 : vector<16xf32> to vector<1x1x16xf32>
        tpu.vector_store %arg6[%parallel_loop3A_716, %parallel_loop3A_717, %parallel_loop3A_718], %parallel_loop3A_721 {strides = array<i32>} : memref<10x64x128xf32, #tpu.memory_space<vmem>>, vector<1x1x16xf32>,
        %parallel_loop3A_722 = arith.constant 2 : i32
        %parallel_loop3A_723 = arith.index_cast %parallel_loop3A_722 : i32 to index
        %parallel_loop3A_724 = arith.index_cast %parallel_loop3A_625 : i32 to index
        %parallel_loop3A_725 = arith.constant 96 : index
        %parallel_loop3A_726 = tpu.vector_load %arg6[%parallel_loop3A_723, %parallel_loop3A_724, %parallel_loop3A_725] {strides = array<i32>} : memref<10x64x128xf32, #tpu.memory_space<vmem>>, vector<1x1x16xf32>,
        %parallel_loop3A_727 = vector.shape_cast %parallel_loop3A_726 : vector<1x1x16xf32> to vector<16xf32>
        %parallel_loop3A_728 = arith.constant 11.3137083 : f32
        %parallel_loop3A_729 = vector.broadcast %parallel_loop3A_728 : f32 to vector<16xf32>
        %parallel_loop3A_730 = arith.mulf %parallel_loop3A_727, %parallel_loop3A_729 : vector<16xf32>
        %parallel_loop3A_731 = arith.constant 2 : i32
        %parallel_loop3A_732 = arith.index_cast %parallel_loop3A_731 : i32 to index
        %parallel_loop3A_733 = arith.index_cast %parallel_loop3A_625 : i32 to index
        %parallel_loop3A_734 = arith.constant 96 : index
        %parallel_loop3A_735 = tpu.vector_load %arg6[%parallel_loop3A_732, %parallel_loop3A_733, %parallel_loop3A_734] {strides = array<i32>} : memref<10x64x128xf32, #tpu.memory_space<vmem>>, vector<1x1x16xf32>,
        %parallel_loop3A_736 = vector.shape_cast %parallel_loop3A_735 : vector<1x1x16xf32> to vector<16xf32>
        %parallel_loop3A_737 = vector.shape_cast %parallel_loop3A_730 : vector<16xf32> to vector<1x1x16xf32>
        tpu.vector_store %arg6[%parallel_loop3A_732, %parallel_loop3A_733, %parallel_loop3A_734], %parallel_loop3A_737 {strides = array<i32>} : memref<10x64x128xf32, #tpu.memory_space<vmem>>, vector<1x1x16xf32>,
        %parallel_loop3A_738 = arith.constant 2 : i32
        %parallel_loop3A_739 = arith.index_cast %parallel_loop3A_738 : i32 to index
        %parallel_loop3A_740 = arith.index_cast %parallel_loop3A_625 : i32 to index
        %parallel_loop3A_741 = arith.constant 112 : index
        %parallel_loop3A_742 = tpu.vector_load %arg6[%parallel_loop3A_739, %parallel_loop3A_740, %parallel_loop3A_741] {strides = array<i32>} : memref<10x64x128xf32, #tpu.memory_space<vmem>>, vector<1x1x16xf32>,
        %parallel_loop3A_743 = vector.shape_cast %parallel_loop3A_742 : vector<1x1x16xf32> to vector<16xf32>
        %parallel_loop3A_744 = arith.constant 11.3137083 : f32
        %parallel_loop3A_745 = vector.broadcast %parallel_loop3A_744 : f32 to vector<16xf32>
        %parallel_loop3A_746 = arith.mulf %parallel_loop3A_743, %parallel_loop3A_745 : vector<16xf32>
        %parallel_loop3A_747 = arith.constant 2 : i32
        %parallel_loop3A_748 = arith.index_cast %parallel_loop3A_747 : i32 to index
        %parallel_loop3A_749 = arith.index_cast %parallel_loop3A_625 : i32 to index
        %parallel_loop3A_750 = arith.constant 112 : index
        %parallel_loop3A_751 = tpu.vector_load %arg6[%parallel_loop3A_748, %parallel_loop3A_749, %parallel_loop3A_750] {strides = array<i32>} : memref<10x64x128xf32, #tpu.memory_space<vmem>>, vector<1x1x16xf32>,
        %parallel_loop3A_752 = vector.shape_cast %parallel_loop3A_751 : vector<1x1x16xf32> to vector<16xf32>
        %parallel_loop3A_753 = vector.shape_cast %parallel_loop3A_746 : vector<16xf32> to vector<1x1x16xf32>
        tpu.vector_store %arg6[%parallel_loop3A_748, %parallel_loop3A_749, %parallel_loop3A_750], %parallel_loop3A_753 {strides = array<i32>} : memref<10x64x128xf32, #tpu.memory_space<vmem>>, vector<1x1x16xf32>,
      } {sc.loop_unroll_factor = 2 : i64, sc.parallel_access}
      %mul3A_329 = arith.constant 64 : i32
      %mul3A_330 = arith.muli %add3A_314, %mul3A_329 : i32
      %add3A_331 = arith.addi %mul3A_2, %mul3A_330 : i32
      %dma_start3A_332 = arith.constant 2 : i32
      %dma_start3A_333 = arith.constant 0 : i32
      %dma_start3A_334 = arith.constant 0 : i32
      %dma_start3A_335 = tpu.memref_slice %arg6[%dma_start3A_332, %dma_start3A_333, %dma_start3A_334] : memref<10x64x128xf32, #tpu.memory_space<vmem>> -> memref<1x64x128xf32, #tpu.memory_space<vmem>>
      %dma_start3A_336 = tpu.memref_squeeze %dma_start3A_335 : memref<1x64x128xf32, #tpu.memory_space<vmem>> -> memref<64x128xf32, #tpu.memory_space<vmem>>
      %dma_start3A_337 = arith.constant 0 : i32
      %dma_start3A_338 = tpu.memref_slice %arg4[%add3A_331, %dma_start3A_337] : memref<204800x128xf32, #tpu.memory_space<hbm>> -> memref<64x128xf32, #tpu.memory_space<hbm>>
      %dma_start3A_339 = arith.constant 0 : i32
      %dma_start3A_340 = tpu.memref_slice %arg4[%add3A_331, %dma_start3A_339] : memref<204800x128xf32, #tpu.memory_space<hbm>> -> memref<64x128xf32, #tpu.memory_space<hbm>>
      %dma_start3A_341 = arith.constant 0 : i32
      %dma_start3A_342 = arith.constant 0 : i32
      %dma_start3A_343 = tpu.memref_slice %arg6[%dma_start3A_332, %dma_start3A_341, %dma_start3A_342] : memref<10x64x128xf32, #tpu.memory_space<vmem>> -> memref<1x64x128xf32, #tpu.memory_space<vmem>>
      %dma_start3A_344 = tpu.memref_squeeze %dma_start3A_343 : memref<1x64x128xf32, #tpu.memory_space<vmem>> -> memref<64x128xf32, #tpu.memory_space<vmem>>
      tpu.enqueue_dma source(%dma_start3A_344 : memref<64x128xf32, #tpu.memory_space<vmem>>) target(%dma_start3A_340 : memref<64x128xf32, #tpu.memory_space<hbm>>) target_semaphore(%arg19 : memref<!tpu.dma_semaphore, #tpu.memory_space<semaphore_mem>>)
      %add3A_345 = arith.constant 8 : i32
      %add3A_346 = arith.addi %add3A_314, %add3A_345 : i32
      %lt3A_347 = arith.constant 100 : i32
      %lt3A_348 = arith.cmpi slt, %add3A_346, %lt3A_347 : i32
      %convert_element_type3A_349 = arith.extui %lt3A_348 : i1 to i32
      %cond3A_350 = arith.constant 0 : i32
      %cond3A_351 = arith.cmpi ne, %convert_element_type3A_349, %cond3A_350 : i32
      scf.if %cond3A_351 {
        %ge3A = arith.constant 2 : i32
        %ge3A_625 = arith.cmpi sge, %add3A_314, %ge3A : i32
        %convert_element_type3A_626 = arith.extui %ge3A_625 : i1 to i32
        %cond3A_627 = arith.constant 0 : i32
        %cond3A_628 = arith.cmpi ne, %convert_element_type3A_626, %cond3A_627 : i32
        scf.if %cond3A_628 {
          %sub3A = arith.constant 10 : i32
          %sub3A_640 = arith.subi %add3A_346, %sub3A : i32
          %mul3A_641 = arith.constant 64 : i32
          %mul3A_642 = arith.muli %sub3A_640, %mul3A_641 : i32
          %add3A_643 = arith.addi %mul3A_2, %mul3A_642 : i32
          %dma_wait3A_644 = arith.constant 0 : i32
          %dma_wait3A_645 = arith.constant 0 : i32
          %dma_wait3A_646 = arith.constant 0 : i32
          %dma_wait3A_647 = tpu.memref_slice %arg6[%dma_wait3A_644, %dma_wait3A_645, %dma_wait3A_646] : memref<10x64x128xf32, #tpu.memory_space<vmem>> -> memref<1x64x128xf32, #tpu.memory_space<vmem>>
          %dma_wait3A_648 = tpu.memref_squeeze %dma_wait3A_647 : memref<1x64x128xf32, #tpu.memory_space<vmem>> -> memref<64x128xf32, #tpu.memory_space<vmem>>
          %dma_wait3A_649 = arith.constant 0 : i32
          %dma_wait3A_650 = tpu.memref_slice %arg4[%add3A_643, %dma_wait3A_649] : memref<204800x128xf32, #tpu.memory_space<hbm>> -> memref<64x128xf32, #tpu.memory_space<hbm>>
          %dma_wait3A_651 = arith.constant 0 : i32
          %dma_wait3A_652 = tpu.memref_slice %arg4[%add3A_643, %dma_wait3A_651] : memref<204800x128xf32, #tpu.memory_space<hbm>> -> memref<64x128xf32, #tpu.memory_space<hbm>>
          %dma_wait3A_653 = arith.constant 0 : i32
          %dma_wait3A_654 = arith.constant 0 : i32
          %dma_wait3A_655 = tpu.memref_slice %arg6[%dma_wait3A_644, %dma_wait3A_653, %dma_wait3A_654] : memref<10x64x128xf32, #tpu.memory_space<vmem>> -> memref<1x64x128xf32, #tpu.memory_space<vmem>>
          %dma_wait3A_656 = tpu.memref_squeeze %dma_wait3A_655 : memref<1x64x128xf32, #tpu.memory_space<vmem>> -> memref<64x128xf32, #tpu.memory_space<vmem>>
          tpu.wait_dma2 semaphore(%arg17 : memref<!tpu.dma_semaphore, #tpu.memory_space<semaphore_mem>>) src(%dma_wait3A_656 : memref<64x128xf32, #tpu.memory_space<vmem>>) dst(%dma_wait3A_652 : memref<64x128xf32, #tpu.memory_space<hbm>>)
        } else {
        }
        %mul3A_629 = arith.constant 64 : i32
        %mul3A_630 = arith.muli %add3A_346, %mul3A_629 : i32
        %dma_start3A_631 = arith.constant 0 : i32
        %dma_start3A_632 = arith.constant 0 : i32
        %dma_start3A_633 = arith.constant 0 : i32
        %dma_start3A_634 = tpu.memref_slice %arg6[%dma_start3A_631, %dma_start3A_632, %dma_start3A_633] : memref<10x64x128xf32, #tpu.memory_space<vmem>> -> memref<1x64x128xf32, #tpu.memory_space<vmem>>
        %dma_start3A_635 = tpu.memref_squeeze %dma_start3A_634 : memref<1x64x128xf32, #tpu.memory_space<vmem>> -> memref<64x128xf32, #tpu.memory_space<vmem>>
        %dma_start3A_636 = tpu.memref_slice %arg5[%mul3A_630] : memref<6400xi32, #tpu.memory_space<vmem>> -> memref<64xi32, #tpu.memory_space<vmem>>
        %dma_start3A_637 = arith.constant 0 : i32
        %dma_start3A_638 = arith.constant 0 : i32
        %dma_start3A_639 = tpu.memref_slice %arg2[%dma_start3A_637, %dma_start3A_638] : memref<1000000x128xf32, #tpu.memory_space<hbm>> -> memref<1000000x128xf32, #tpu.memory_space<hbm>>
        tpu.enqueue_indirect_dma source(%dma_start3A_639 : memref<1000000x128xf32, #tpu.memory_space<hbm>>) target(%dma_start3A_635 : memref<64x128xf32, #tpu.memory_space<vmem>>) offsets(%dma_start3A_636 : memref<64xi32, #tpu.memory_space<vmem>>) semaphore(%arg7 : memref<!tpu.dma_semaphore, #tpu.memory_space<semaphore_mem>>)
      } else {
      }
      %add3A_352 = arith.constant 3 : i32
      %add3A_353 = arith.addi %mul3A_238, %add3A_352 : i32
      %mul3A_354 = arith.constant 64 : i32
      %mul3A_355 = arith.muli %add3A_353, %mul3A_354 : i32
      %dma_wait3A_356 = arith.constant 3 : i32
      %dma_wait3A_357 = arith.constant 0 : i32
      %dma_wait3A_358 = arith.constant 0 : i32
      %dma_wait3A_359 = tpu.memref_slice %arg6[%dma_wait3A_356, %dma_wait3A_357, %dma_wait3A_358] : memref<10x64x128xf32, #tpu.memory_space<vmem>> -> memref<1x64x128xf32, #tpu.memory_space<vmem>>
      %dma_wait3A_360 = tpu.memref_squeeze %dma_wait3A_359 : memref<1x64x128xf32, #tpu.memory_space<vmem>> -> memref<64x128xf32, #tpu.memory_space<vmem>>
      %dma_wait3A_361 = tpu.memref_slice %arg5[%mul3A_355] : memref<6400xi32, #tpu.memory_space<vmem>> -> memref<64xi32, #tpu.memory_space<vmem>>
      %dma_wait3A_362 = arith.constant 0 : i32
      %dma_wait3A_363 = arith.constant 0 : i32
      %dma_wait3A_364 = tpu.memref_slice %arg2[%dma_wait3A_362, %dma_wait3A_363] : memref<1000000x128xf32, #tpu.memory_space<hbm>> -> memref<1000000x128xf32, #tpu.memory_space<hbm>>
      tpu.wait_indirect_dma semaphore(%arg10 : memref<!tpu.dma_semaphore, #tpu.memory_space<semaphore_mem>>) src(%dma_wait3A_364 : memref<1000000x128xf32, #tpu.memory_space<hbm>>) dst(%dma_wait3A_360 : memref<64x128xf32, #tpu.memory_space<vmem>>)
      %parallel_loop3A_365 = arith.constant 0 : i32
      %parallel_loop3A_366 = arith.constant 64 : i32
      %parallel_loop3A_367 = arith.constant 1 : i32
      scf.for %parallel_loop3A_625 = %parallel_loop3A_365 to %parallel_loop3A_366 step %parallel_loop3A_367  : i32 {
        %parallel_loop3A_626 = arith.constant 3 : i32
        %parallel_loop3A_627 = arith.index_cast %parallel_loop3A_626 : i32 to index
        %parallel_loop3A_628 = arith.index_cast %parallel_loop3A_625 : i32 to index
        %parallel_loop3A_629 = arith.constant 0 : index
        %parallel_loop3A_630 = tpu.vector_load %arg6[%parallel_loop3A_627, %parallel_loop3A_628, %parallel_loop3A_629] {strides = array<i32>} : memref<10x64x128xf32, #tpu.memory_space<vmem>>, vector<1x1x16xf32>,
        %parallel_loop3A_631 = vector.shape_cast %parallel_loop3A_630 : vector<1x1x16xf32> to vector<16xf32>
        %parallel_loop3A_632 = arith.constant 11.3137083 : f32
        %parallel_loop3A_633 = vector.broadcast %parallel_loop3A_632 : f32 to vector<16xf32>
        %parallel_loop3A_634 = arith.mulf %parallel_loop3A_631, %parallel_loop3A_633 : vector<16xf32>
        %parallel_loop3A_635 = arith.constant 3 : i32
        %parallel_loop3A_636 = arith.index_cast %parallel_loop3A_635 : i32 to index
        %parallel_loop3A_637 = arith.index_cast %parallel_loop3A_625 : i32 to index
        %parallel_loop3A_638 = arith.constant 0 : index
        %parallel_loop3A_639 = tpu.vector_load %arg6[%parallel_loop3A_636, %parallel_loop3A_637, %parallel_loop3A_638] {strides = array<i32>} : memref<10x64x128xf32, #tpu.memory_space<vmem>>, vector<1x1x16xf32>,
        %parallel_loop3A_640 = vector.shape_cast %parallel_loop3A_639 : vector<1x1x16xf32> to vector<16xf32>
        %parallel_loop3A_641 = vector.shape_cast %parallel_loop3A_634 : vector<16xf32> to vector<1x1x16xf32>
        tpu.vector_store %arg6[%parallel_loop3A_636, %parallel_loop3A_637, %parallel_loop3A_638], %parallel_loop3A_641 {strides = array<i32>} : memref<10x64x128xf32, #tpu.memory_space<vmem>>, vector<1x1x16xf32>,
        %parallel_loop3A_642 = arith.constant 3 : i32
        %parallel_loop3A_643 = arith.index_cast %parallel_loop3A_642 : i32 to index
        %parallel_loop3A_644 = arith.index_cast %parallel_loop3A_625 : i32 to index
        %parallel_loop3A_645 = arith.constant 16 : index
        %parallel_loop3A_646 = tpu.vector_load %arg6[%parallel_loop3A_643, %parallel_loop3A_644, %parallel_loop3A_645] {strides = array<i32>} : memref<10x64x128xf32, #tpu.memory_space<vmem>>, vector<1x1x16xf32>,
        %parallel_loop3A_647 = vector.shape_cast %parallel_loop3A_646 : vector<1x1x16xf32> to vector<16xf32>
        %parallel_loop3A_648 = arith.constant 11.3137083 : f32
        %parallel_loop3A_649 = vector.broadcast %parallel_loop3A_648 : f32 to vector<16xf32>
        %parallel_loop3A_650 = arith.mulf %parallel_loop3A_647, %parallel_loop3A_649 : vector<16xf32>
        %parallel_loop3A_651 = arith.constant 3 : i32
        %parallel_loop3A_652 = arith.index_cast %parallel_loop3A_651 : i32 to index
        %parallel_loop3A_653 = arith.index_cast %parallel_loop3A_625 : i32 to index
        %parallel_loop3A_654 = arith.constant 16 : index
        %parallel_loop3A_655 = tpu.vector_load %arg6[%parallel_loop3A_652, %parallel_loop3A_653, %parallel_loop3A_654] {strides = array<i32>} : memref<10x64x128xf32, #tpu.memory_space<vmem>>, vector<1x1x16xf32>,
        %parallel_loop3A_656 = vector.shape_cast %parallel_loop3A_655 : vector<1x1x16xf32> to vector<16xf32>
        %parallel_loop3A_657 = vector.shape_cast %parallel_loop3A_650 : vector<16xf32> to vector<1x1x16xf32>
        tpu.vector_store %arg6[%parallel_loop3A_652, %parallel_loop3A_653, %parallel_loop3A_654], %parallel_loop3A_657 {strides = array<i32>} : memref<10x64x128xf32, #tpu.memory_space<vmem>>, vector<1x1x16xf32>,
        %parallel_loop3A_658 = arith.constant 3 : i32
        %parallel_loop3A_659 = arith.index_cast %parallel_loop3A_658 : i32 to index
        %parallel_loop3A_660 = arith.index_cast %parallel_loop3A_625 : i32 to index
        %parallel_loop3A_661 = arith.constant 32 : index
        %parallel_loop3A_662 = tpu.vector_load %arg6[%parallel_loop3A_659, %parallel_loop3A_660, %parallel_loop3A_661] {strides = array<i32>} : memref<10x64x128xf32, #tpu.memory_space<vmem>>, vector<1x1x16xf32>,
        %parallel_loop3A_663 = vector.shape_cast %parallel_loop3A_662 : vector<1x1x16xf32> to vector<16xf32>
        %parallel_loop3A_664 = arith.constant 11.3137083 : f32
        %parallel_loop3A_665 = vector.broadcast %parallel_loop3A_664 : f32 to vector<16xf32>
        %parallel_loop3A_666 = arith.mulf %parallel_loop3A_663, %parallel_loop3A_665 : vector<16xf32>
        %parallel_loop3A_667 = arith.constant 3 : i32
        %parallel_loop3A_668 = arith.index_cast %parallel_loop3A_667 : i32 to index
        %parallel_loop3A_669 = arith.index_cast %parallel_loop3A_625 : i32 to index
        %parallel_loop3A_670 = arith.constant 32 : index
        %parallel_loop3A_671 = tpu.vector_load %arg6[%parallel_loop3A_668, %parallel_loop3A_669, %parallel_loop3A_670] {strides = array<i32>} : memref<10x64x128xf32, #tpu.memory_space<vmem>>, vector<1x1x16xf32>,
        %parallel_loop3A_672 = vector.shape_cast %parallel_loop3A_671 : vector<1x1x16xf32> to vector<16xf32>
        %parallel_loop3A_673 = vector.shape_cast %parallel_loop3A_666 : vector<16xf32> to vector<1x1x16xf32>
        tpu.vector_store %arg6[%parallel_loop3A_668, %parallel_loop3A_669, %parallel_loop3A_670], %parallel_loop3A_673 {strides = array<i32>} : memref<10x64x128xf32, #tpu.memory_space<vmem>>, vector<1x1x16xf32>,
        %parallel_loop3A_674 = arith.constant 3 : i32
        %parallel_loop3A_675 = arith.index_cast %parallel_loop3A_674 : i32 to index
        %parallel_loop3A_676 = arith.index_cast %parallel_loop3A_625 : i32 to index
        %parallel_loop3A_677 = arith.constant 48 : index
        %parallel_loop3A_678 = tpu.vector_load %arg6[%parallel_loop3A_675, %parallel_loop3A_676, %parallel_loop3A_677] {strides = array<i32>} : memref<10x64x128xf32, #tpu.memory_space<vmem>>, vector<1x1x16xf32>,
        %parallel_loop3A_679 = vector.shape_cast %parallel_loop3A_678 : vector<1x1x16xf32> to vector<16xf32>
        %parallel_loop3A_680 = arith.constant 11.3137083 : f32
        %parallel_loop3A_681 = vector.broadcast %parallel_loop3A_680 : f32 to vector<16xf32>
        %parallel_loop3A_682 = arith.mulf %parallel_loop3A_679, %parallel_loop3A_681 : vector<16xf32>
        %parallel_loop3A_683 = arith.constant 3 : i32
        %parallel_loop3A_684 = arith.index_cast %parallel_loop3A_683 : i32 to index
        %parallel_loop3A_685 = arith.index_cast %parallel_loop3A_625 : i32 to index
        %parallel_loop3A_686 = arith.constant 48 : index
        %parallel_loop3A_687 = tpu.vector_load %arg6[%parallel_loop3A_684, %parallel_loop3A_685, %parallel_loop3A_686] {strides = array<i32>} : memref<10x64x128xf32, #tpu.memory_space<vmem>>, vector<1x1x16xf32>,
        %parallel_loop3A_688 = vector.shape_cast %parallel_loop3A_687 : vector<1x1x16xf32> to vector<16xf32>
        %parallel_loop3A_689 = vector.shape_cast %parallel_loop3A_682 : vector<16xf32> to vector<1x1x16xf32>
        tpu.vector_store %arg6[%parallel_loop3A_684, %parallel_loop3A_685, %parallel_loop3A_686], %parallel_loop3A_689 {strides = array<i32>} : memref<10x64x128xf32, #tpu.memory_space<vmem>>, vector<1x1x16xf32>,
        %parallel_loop3A_690 = arith.constant 3 : i32
        %parallel_loop3A_691 = arith.index_cast %parallel_loop3A_690 : i32 to index
        %parallel_loop3A_692 = arith.index_cast %parallel_loop3A_625 : i32 to index
        %parallel_loop3A_693 = arith.constant 64 : index
        %parallel_loop3A_694 = tpu.vector_load %arg6[%parallel_loop3A_691, %parallel_loop3A_692, %parallel_loop3A_693] {strides = array<i32>} : memref<10x64x128xf32, #tpu.memory_space<vmem>>, vector<1x1x16xf32>,
        %parallel_loop3A_695 = vector.shape_cast %parallel_loop3A_694 : vector<1x1x16xf32> to vector<16xf32>
        %parallel_loop3A_696 = arith.constant 11.3137083 : f32
        %parallel_loop3A_697 = vector.broadcast %parallel_loop3A_696 : f32 to vector<16xf32>
        %parallel_loop3A_698 = arith.mulf %parallel_loop3A_695, %parallel_loop3A_697 : vector<16xf32>
        %parallel_loop3A_699 = arith.constant 3 : i32
        %parallel_loop3A_700 = arith.index_cast %parallel_loop3A_699 : i32 to index
        %parallel_loop3A_701 = arith.index_cast %parallel_loop3A_625 : i32 to index
        %parallel_loop3A_702 = arith.constant 64 : index
        %parallel_loop3A_703 = tpu.vector_load %arg6[%parallel_loop3A_700, %parallel_loop3A_701, %parallel_loop3A_702] {strides = array<i32>} : memref<10x64x128xf32, #tpu.memory_space<vmem>>, vector<1x1x16xf32>,
        %parallel_loop3A_704 = vector.shape_cast %parallel_loop3A_703 : vector<1x1x16xf32> to vector<16xf32>
        %parallel_loop3A_705 = vector.shape_cast %parallel_loop3A_698 : vector<16xf32> to vector<1x1x16xf32>
        tpu.vector_store %arg6[%parallel_loop3A_700, %parallel_loop3A_701, %parallel_loop3A_702], %parallel_loop3A_705 {strides = array<i32>} : memref<10x64x128xf32, #tpu.memory_space<vmem>>, vector<1x1x16xf32>,
        %parallel_loop3A_706 = arith.constant 3 : i32
        %parallel_loop3A_707 = arith.index_cast %parallel_loop3A_706 : i32 to index
        %parallel_loop3A_708 = arith.index_cast %parallel_loop3A_625 : i32 to index
        %parallel_loop3A_709 = arith.constant 80 : index
        %parallel_loop3A_710 = tpu.vector_load %arg6[%parallel_loop3A_707, %parallel_loop3A_708, %parallel_loop3A_709] {strides = array<i32>} : memref<10x64x128xf32, #tpu.memory_space<vmem>>, vector<1x1x16xf32>,
        %parallel_loop3A_711 = vector.shape_cast %parallel_loop3A_710 : vector<1x1x16xf32> to vector<16xf32>
        %parallel_loop3A_712 = arith.constant 11.3137083 : f32
        %parallel_loop3A_713 = vector.broadcast %parallel_loop3A_712 : f32 to vector<16xf32>
        %parallel_loop3A_714 = arith.mulf %parallel_loop3A_711, %parallel_loop3A_713 : vector<16xf32>
        %parallel_loop3A_715 = arith.constant 3 : i32
        %parallel_loop3A_716 = arith.index_cast %parallel_loop3A_715 : i32 to index
        %parallel_loop3A_717 = arith.index_cast %parallel_loop3A_625 : i32 to index
        %parallel_loop3A_718 = arith.constant 80 : index
        %parallel_loop3A_719 = tpu.vector_load %arg6[%parallel_loop3A_716, %parallel_loop3A_717, %parallel_loop3A_718] {strides = array<i32>} : memref<10x64x128xf32, #tpu.memory_space<vmem>>, vector<1x1x16xf32>,
        %parallel_loop3A_720 = vector.shape_cast %parallel_loop3A_719 : vector<1x1x16xf32> to vector<16xf32>
        %parallel_loop3A_721 = vector.shape_cast %parallel_loop3A_714 : vector<16xf32> to vector<1x1x16xf32>
        tpu.vector_store %arg6[%parallel_loop3A_716, %parallel_loop3A_717, %parallel_loop3A_718], %parallel_loop3A_721 {strides = array<i32>} : memref<10x64x128xf32, #tpu.memory_space<vmem>>, vector<1x1x16xf32>,
        %parallel_loop3A_722 = arith.constant 3 : i32
        %parallel_loop3A_723 = arith.index_cast %parallel_loop3A_722 : i32 to index
        %parallel_loop3A_724 = arith.index_cast %parallel_loop3A_625 : i32 to index
        %parallel_loop3A_725 = arith.constant 96 : index
        %parallel_loop3A_726 = tpu.vector_load %arg6[%parallel_loop3A_723, %parallel_loop3A_724, %parallel_loop3A_725] {strides = array<i32>} : memref<10x64x128xf32, #tpu.memory_space<vmem>>, vector<1x1x16xf32>,
        %parallel_loop3A_727 = vector.shape_cast %parallel_loop3A_726 : vector<1x1x16xf32> to vector<16xf32>
        %parallel_loop3A_728 = arith.constant 11.3137083 : f32
        %parallel_loop3A_729 = vector.broadcast %parallel_loop3A_728 : f32 to vector<16xf32>
        %parallel_loop3A_730 = arith.mulf %parallel_loop3A_727, %parallel_loop3A_729 : vector<16xf32>
        %parallel_loop3A_731 = arith.constant 3 : i32
        %parallel_loop3A_732 = arith.index_cast %parallel_loop3A_731 : i32 to index
        %parallel_loop3A_733 = arith.index_cast %parallel_loop3A_625 : i32 to index
        %parallel_loop3A_734 = arith.constant 96 : index
        %parallel_loop3A_735 = tpu.vector_load %arg6[%parallel_loop3A_732, %parallel_loop3A_733, %parallel_loop3A_734] {strides = array<i32>} : memref<10x64x128xf32, #tpu.memory_space<vmem>>, vector<1x1x16xf32>,
        %parallel_loop3A_736 = vector.shape_cast %parallel_loop3A_735 : vector<1x1x16xf32> to vector<16xf32>
        %parallel_loop3A_737 = vector.shape_cast %parallel_loop3A_730 : vector<16xf32> to vector<1x1x16xf32>
        tpu.vector_store %arg6[%parallel_loop3A_732, %parallel_loop3A_733, %parallel_loop3A_734], %parallel_loop3A_737 {strides = array<i32>} : memref<10x64x128xf32, #tpu.memory_space<vmem>>, vector<1x1x16xf32>,
        %parallel_loop3A_738 = arith.constant 3 : i32
        %parallel_loop3A_739 = arith.index_cast %parallel_loop3A_738 : i32 to index
        %parallel_loop3A_740 = arith.index_cast %parallel_loop3A_625 : i32 to index
        %parallel_loop3A_741 = arith.constant 112 : index
        %parallel_loop3A_742 = tpu.vector_load %arg6[%parallel_loop3A_739, %parallel_loop3A_740, %parallel_loop3A_741] {strides = array<i32>} : memref<10x64x128xf32, #tpu.memory_space<vmem>>, vector<1x1x16xf32>,
        %parallel_loop3A_743 = vector.shape_cast %parallel_loop3A_742 : vector<1x1x16xf32> to vector<16xf32>
        %parallel_loop3A_744 = arith.constant 11.3137083 : f32
        %parallel_loop3A_745 = vector.broadcast %parallel_loop3A_744 : f32 to vector<16xf32>
        %parallel_loop3A_746 = arith.mulf %parallel_loop3A_743, %parallel_loop3A_745 : vector<16xf32>
        %parallel_loop3A_747 = arith.constant 3 : i32
        %parallel_loop3A_748 = arith.index_cast %parallel_loop3A_747 : i32 to index
        %parallel_loop3A_749 = arith.index_cast %parallel_loop3A_625 : i32 to index
        %parallel_loop3A_750 = arith.constant 112 : index
        %parallel_loop3A_751 = tpu.vector_load %arg6[%parallel_loop3A_748, %parallel_loop3A_749, %parallel_loop3A_750] {strides = array<i32>} : memref<10x64x128xf32, #tpu.memory_space<vmem>>, vector<1x1x16xf32>,
        %parallel_loop3A_752 = vector.shape_cast %parallel_loop3A_751 : vector<1x1x16xf32> to vector<16xf32>
        %parallel_loop3A_753 = vector.shape_cast %parallel_loop3A_746 : vector<16xf32> to vector<1x1x16xf32>
        tpu.vector_store %arg6[%parallel_loop3A_748, %parallel_loop3A_749, %parallel_loop3A_750], %parallel_loop3A_753 {strides = array<i32>} : memref<10x64x128xf32, #tpu.memory_space<vmem>>, vector<1x1x16xf32>,
      } {sc.loop_unroll_factor = 2 : i64, sc.parallel_access}
      %mul3A_368 = arith.constant 64 : i32
      %mul3A_369 = arith.muli %add3A_353, %mul3A_368 : i32
      %add3A_370 = arith.addi %mul3A_2, %mul3A_369 : i32
      %dma_start3A_371 = arith.constant 3 : i32
      %dma_start3A_372 = arith.constant 0 : i32
      %dma_start3A_373 = arith.constant 0 : i32
      %dma_start3A_374 = tpu.memref_slice %arg6[%dma_start3A_371, %dma_start3A_372, %dma_start3A_373] : memref<10x64x128xf32, #tpu.memory_space<vmem>> -> memref<1x64x128xf32, #tpu.memory_space<vmem>>
      %dma_start3A_375 = tpu.memref_squeeze %dma_start3A_374 : memref<1x64x128xf32, #tpu.memory_space<vmem>> -> memref<64x128xf32, #tpu.memory_space<vmem>>
      %dma_start3A_376 = arith.constant 0 : i32
      %dma_start3A_377 = tpu.memref_slice %arg4[%add3A_370, %dma_start3A_376] : memref<204800x128xf32, #tpu.memory_space<hbm>> -> memref<64x128xf32, #tpu.memory_space<hbm>>
      %dma_start3A_378 = arith.constant 0 : i32
      %dma_start3A_379 = tpu.memref_slice %arg4[%add3A_370, %dma_start3A_378] : memref<204800x128xf32, #tpu.memory_space<hbm>> -> memref<64x128xf32, #tpu.memory_space<hbm>>
      %dma_start3A_380 = arith.constant 0 : i32
      %dma_start3A_381 = arith.constant 0 : i32
      %dma_start3A_382 = tpu.memref_slice %arg6[%dma_start3A_371, %dma_start3A_380, %dma_start3A_381] : memref<10x64x128xf32, #tpu.memory_space<vmem>> -> memref<1x64x128xf32, #tpu.memory_space<vmem>>
      %dma_start3A_383 = tpu.memref_squeeze %dma_start3A_382 : memref<1x64x128xf32, #tpu.memory_space<vmem>> -> memref<64x128xf32, #tpu.memory_space<vmem>>
      tpu.enqueue_dma source(%dma_start3A_383 : memref<64x128xf32, #tpu.memory_space<vmem>>) target(%dma_start3A_379 : memref<64x128xf32, #tpu.memory_space<hbm>>) target_semaphore(%arg20 : memref<!tpu.dma_semaphore, #tpu.memory_space<semaphore_mem>>)
      %add3A_384 = arith.constant 8 : i32
      %add3A_385 = arith.addi %add3A_353, %add3A_384 : i32
      %lt3A_386 = arith.constant 100 : i32
      %lt3A_387 = arith.cmpi slt, %add3A_385, %lt3A_386 : i32
      %convert_element_type3A_388 = arith.extui %lt3A_387 : i1 to i32
      %cond3A_389 = arith.constant 0 : i32
      %cond3A_390 = arith.cmpi ne, %convert_element_type3A_388, %cond3A_389 : i32
      scf.if %cond3A_390 {
        %ge3A = arith.constant 2 : i32
        %ge3A_625 = arith.cmpi sge, %add3A_353, %ge3A : i32
        %convert_element_type3A_626 = arith.extui %ge3A_625 : i1 to i32
        %cond3A_627 = arith.constant 0 : i32
        %cond3A_628 = arith.cmpi ne, %convert_element_type3A_626, %cond3A_627 : i32
        scf.if %cond3A_628 {
          %sub3A = arith.constant 10 : i32
          %sub3A_640 = arith.subi %add3A_385, %sub3A : i32
          %mul3A_641 = arith.constant 64 : i32
          %mul3A_642 = arith.muli %sub3A_640, %mul3A_641 : i32
          %add3A_643 = arith.addi %mul3A_2, %mul3A_642 : i32
          %dma_wait3A_644 = arith.constant 1 : i32
          %dma_wait3A_645 = arith.constant 0 : i32
          %dma_wait3A_646 = arith.constant 0 : i32
          %dma_wait3A_647 = tpu.memref_slice %arg6[%dma_wait3A_644, %dma_wait3A_645, %dma_wait3A_646] : memref<10x64x128xf32, #tpu.memory_space<vmem>> -> memref<1x64x128xf32, #tpu.memory_space<vmem>>
          %dma_wait3A_648 = tpu.memref_squeeze %dma_wait3A_647 : memref<1x64x128xf32, #tpu.memory_space<vmem>> -> memref<64x128xf32, #tpu.memory_space<vmem>>
          %dma_wait3A_649 = arith.constant 0 : i32
          %dma_wait3A_650 = tpu.memref_slice %arg4[%add3A_643, %dma_wait3A_649] : memref<204800x128xf32, #tpu.memory_space<hbm>> -> memref<64x128xf32, #tpu.memory_space<hbm>>
          %dma_wait3A_651 = arith.constant 0 : i32
          %dma_wait3A_652 = tpu.memref_slice %arg4[%add3A_643, %dma_wait3A_651] : memref<204800x128xf32, #tpu.memory_space<hbm>> -> memref<64x128xf32, #tpu.memory_space<hbm>>
          %dma_wait3A_653 = arith.constant 0 : i32
          %dma_wait3A_654 = arith.constant 0 : i32
          %dma_wait3A_655 = tpu.memref_slice %arg6[%dma_wait3A_644, %dma_wait3A_653, %dma_wait3A_654] : memref<10x64x128xf32, #tpu.memory_space<vmem>> -> memref<1x64x128xf32, #tpu.memory_space<vmem>>
          %dma_wait3A_656 = tpu.memref_squeeze %dma_wait3A_655 : memref<1x64x128xf32, #tpu.memory_space<vmem>> -> memref<64x128xf32, #tpu.memory_space<vmem>>
          tpu.wait_dma2 semaphore(%arg18 : memref<!tpu.dma_semaphore, #tpu.memory_space<semaphore_mem>>) src(%dma_wait3A_656 : memref<64x128xf32, #tpu.memory_space<vmem>>) dst(%dma_wait3A_652 : memref<64x128xf32, #tpu.memory_space<hbm>>)
        } else {
        }
        %mul3A_629 = arith.constant 64 : i32
        %mul3A_630 = arith.muli %add3A_385, %mul3A_629 : i32
        %dma_start3A_631 = arith.constant 1 : i32
        %dma_start3A_632 = arith.constant 0 : i32
        %dma_start3A_633 = arith.constant 0 : i32
        %dma_start3A_634 = tpu.memref_slice %arg6[%dma_start3A_631, %dma_start3A_632, %dma_start3A_633] : memref<10x64x128xf32, #tpu.memory_space<vmem>> -> memref<1x64x128xf32, #tpu.memory_space<vmem>>
        %dma_start3A_635 = tpu.memref_squeeze %dma_start3A_634 : memref<1x64x128xf32, #tpu.memory_space<vmem>> -> memref<64x128xf32, #tpu.memory_space<vmem>>
        %dma_start3A_636 = tpu.memref_slice %arg5[%mul3A_630] : memref<6400xi32, #tpu.memory_space<vmem>> -> memref<64xi32, #tpu.memory_space<vmem>>
        %dma_start3A_637 = arith.constant 0 : i32
        %dma_start3A_638 = arith.constant 0 : i32
        %dma_start3A_639 = tpu.memref_slice %arg2[%dma_start3A_637, %dma_start3A_638] : memref<1000000x128xf32, #tpu.memory_space<hbm>> -> memref<1000000x128xf32, #tpu.memory_space<hbm>>
        tpu.enqueue_indirect_dma source(%dma_start3A_639 : memref<1000000x128xf32, #tpu.memory_space<hbm>>) target(%dma_start3A_635 : memref<64x128xf32, #tpu.memory_space<vmem>>) offsets(%dma_start3A_636 : memref<64xi32, #tpu.memory_space<vmem>>) semaphore(%arg8 : memref<!tpu.dma_semaphore, #tpu.memory_space<semaphore_mem>>)
      } else {
      }
      %add3A_391 = arith.constant 4 : i32
      %add3A_392 = arith.addi %mul3A_238, %add3A_391 : i32
      %mul3A_393 = arith.constant 64 : i32
      %mul3A_394 = arith.muli %add3A_392, %mul3A_393 : i32
      %dma_wait3A_395 = arith.constant 4 : i32
      %dma_wait3A_396 = arith.constant 0 : i32
      %dma_wait3A_397 = arith.constant 0 : i32
      %dma_wait3A_398 = tpu.memref_slice %arg6[%dma_wait3A_395, %dma_wait3A_396, %dma_wait3A_397] : memref<10x64x128xf32, #tpu.memory_space<vmem>> -> memref<1x64x128xf32, #tpu.memory_space<vmem>>
      %dma_wait3A_399 = tpu.memref_squeeze %dma_wait3A_398 : memref<1x64x128xf32, #tpu.memory_space<vmem>> -> memref<64x128xf32, #tpu.memory_space<vmem>>
      %dma_wait3A_400 = tpu.memref_slice %arg5[%mul3A_394] : memref<6400xi32, #tpu.memory_space<vmem>> -> memref<64xi32, #tpu.memory_space<vmem>>
      %dma_wait3A_401 = arith.constant 0 : i32
      %dma_wait3A_402 = arith.constant 0 : i32
      %dma_wait3A_403 = tpu.memref_slice %arg2[%dma_wait3A_401, %dma_wait3A_402] : memref<1000000x128xf32, #tpu.memory_space<hbm>> -> memref<1000000x128xf32, #tpu.memory_space<hbm>>
      tpu.wait_indirect_dma semaphore(%arg11 : memref<!tpu.dma_semaphore, #tpu.memory_space<semaphore_mem>>) src(%dma_wait3A_403 : memref<1000000x128xf32, #tpu.memory_space<hbm>>) dst(%dma_wait3A_399 : memref<64x128xf32, #tpu.memory_space<vmem>>)
      %parallel_loop3A_404 = arith.constant 0 : i32
      %parallel_loop3A_405 = arith.constant 64 : i32
      %parallel_loop3A_406 = arith.constant 1 : i32
      scf.for %parallel_loop3A_625 = %parallel_loop3A_404 to %parallel_loop3A_405 step %parallel_loop3A_406  : i32 {
        %parallel_loop3A_626 = arith.constant 4 : i32
        %parallel_loop3A_627 = arith.index_cast %parallel_loop3A_626 : i32 to index
        %parallel_loop3A_628 = arith.index_cast %parallel_loop3A_625 : i32 to index
        %parallel_loop3A_629 = arith.constant 0 : index
        %parallel_loop3A_630 = tpu.vector_load %arg6[%parallel_loop3A_627, %parallel_loop3A_628, %parallel_loop3A_629] {strides = array<i32>} : memref<10x64x128xf32, #tpu.memory_space<vmem>>, vector<1x1x16xf32>,
        %parallel_loop3A_631 = vector.shape_cast %parallel_loop3A_630 : vector<1x1x16xf32> to vector<16xf32>
        %parallel_loop3A_632 = arith.constant 11.3137083 : f32
        %parallel_loop3A_633 = vector.broadcast %parallel_loop3A_632 : f32 to vector<16xf32>
        %parallel_loop3A_634 = arith.mulf %parallel_loop3A_631, %parallel_loop3A_633 : vector<16xf32>
        %parallel_loop3A_635 = arith.constant 4 : i32
        %parallel_loop3A_636 = arith.index_cast %parallel_loop3A_635 : i32 to index
        %parallel_loop3A_637 = arith.index_cast %parallel_loop3A_625 : i32 to index
        %parallel_loop3A_638 = arith.constant 0 : index
        %parallel_loop3A_639 = tpu.vector_load %arg6[%parallel_loop3A_636, %parallel_loop3A_637, %parallel_loop3A_638] {strides = array<i32>} : memref<10x64x128xf32, #tpu.memory_space<vmem>>, vector<1x1x16xf32>,
        %parallel_loop3A_640 = vector.shape_cast %parallel_loop3A_639 : vector<1x1x16xf32> to vector<16xf32>
        %parallel_loop3A_641 = vector.shape_cast %parallel_loop3A_634 : vector<16xf32> to vector<1x1x16xf32>
        tpu.vector_store %arg6[%parallel_loop3A_636, %parallel_loop3A_637, %parallel_loop3A_638], %parallel_loop3A_641 {strides = array<i32>} : memref<10x64x128xf32, #tpu.memory_space<vmem>>, vector<1x1x16xf32>,
        %parallel_loop3A_642 = arith.constant 4 : i32
        %parallel_loop3A_643 = arith.index_cast %parallel_loop3A_642 : i32 to index
        %parallel_loop3A_644 = arith.index_cast %parallel_loop3A_625 : i32 to index
        %parallel_loop3A_645 = arith.constant 16 : index
        %parallel_loop3A_646 = tpu.vector_load %arg6[%parallel_loop3A_643, %parallel_loop3A_644, %parallel_loop3A_645] {strides = array<i32>} : memref<10x64x128xf32, #tpu.memory_space<vmem>>, vector<1x1x16xf32>,
        %parallel_loop3A_647 = vector.shape_cast %parallel_loop3A_646 : vector<1x1x16xf32> to vector<16xf32>
        %parallel_loop3A_648 = arith.constant 11.3137083 : f32
        %parallel_loop3A_649 = vector.broadcast %parallel_loop3A_648 : f32 to vector<16xf32>
        %parallel_loop3A_650 = arith.mulf %parallel_loop3A_647, %parallel_loop3A_649 : vector<16xf32>
        %parallel_loop3A_651 = arith.constant 4 : i32
        %parallel_loop3A_652 = arith.index_cast %parallel_loop3A_651 : i32 to index
        %parallel_loop3A_653 = arith.index_cast %parallel_loop3A_625 : i32 to index
        %parallel_loop3A_654 = arith.constant 16 : index
        %parallel_loop3A_655 = tpu.vector_load %arg6[%parallel_loop3A_652, %parallel_loop3A_653, %parallel_loop3A_654] {strides = array<i32>} : memref<10x64x128xf32, #tpu.memory_space<vmem>>, vector<1x1x16xf32>,
        %parallel_loop3A_656 = vector.shape_cast %parallel_loop3A_655 : vector<1x1x16xf32> to vector<16xf32>
        %parallel_loop3A_657 = vector.shape_cast %parallel_loop3A_650 : vector<16xf32> to vector<1x1x16xf32>
        tpu.vector_store %arg6[%parallel_loop3A_652, %parallel_loop3A_653, %parallel_loop3A_654], %parallel_loop3A_657 {strides = array<i32>} : memref<10x64x128xf32, #tpu.memory_space<vmem>>, vector<1x1x16xf32>,
        %parallel_loop3A_658 = arith.constant 4 : i32
        %parallel_loop3A_659 = arith.index_cast %parallel_loop3A_658 : i32 to index
        %parallel_loop3A_660 = arith.index_cast %parallel_loop3A_625 : i32 to index
        %parallel_loop3A_661 = arith.constant 32 : index
        %parallel_loop3A_662 = tpu.vector_load %arg6[%parallel_loop3A_659, %parallel_loop3A_660, %parallel_loop3A_661] {strides = array<i32>} : memref<10x64x128xf32, #tpu.memory_space<vmem>>, vector<1x1x16xf32>,
        %parallel_loop3A_663 = vector.shape_cast %parallel_loop3A_662 : vector<1x1x16xf32> to vector<16xf32>
        %parallel_loop3A_664 = arith.constant 11.3137083 : f32
        %parallel_loop3A_665 = vector.broadcast %parallel_loop3A_664 : f32 to vector<16xf32>
        %parallel_loop3A_666 = arith.mulf %parallel_loop3A_663, %parallel_loop3A_665 : vector<16xf32>
        %parallel_loop3A_667 = arith.constant 4 : i32
        %parallel_loop3A_668 = arith.index_cast %parallel_loop3A_667 : i32 to index
        %parallel_loop3A_669 = arith.index_cast %parallel_loop3A_625 : i32 to index
        %parallel_loop3A_670 = arith.constant 32 : index
        %parallel_loop3A_671 = tpu.vector_load %arg6[%parallel_loop3A_668, %parallel_loop3A_669, %parallel_loop3A_670] {strides = array<i32>} : memref<10x64x128xf32, #tpu.memory_space<vmem>>, vector<1x1x16xf32>,
        %parallel_loop3A_672 = vector.shape_cast %parallel_loop3A_671 : vector<1x1x16xf32> to vector<16xf32>
        %parallel_loop3A_673 = vector.shape_cast %parallel_loop3A_666 : vector<16xf32> to vector<1x1x16xf32>
        tpu.vector_store %arg6[%parallel_loop3A_668, %parallel_loop3A_669, %parallel_loop3A_670], %parallel_loop3A_673 {strides = array<i32>} : memref<10x64x128xf32, #tpu.memory_space<vmem>>, vector<1x1x16xf32>,
        %parallel_loop3A_674 = arith.constant 4 : i32
        %parallel_loop3A_675 = arith.index_cast %parallel_loop3A_674 : i32 to index
        %parallel_loop3A_676 = arith.index_cast %parallel_loop3A_625 : i32 to index
        %parallel_loop3A_677 = arith.constant 48 : index
        %parallel_loop3A_678 = tpu.vector_load %arg6[%parallel_loop3A_675, %parallel_loop3A_676, %parallel_loop3A_677] {strides = array<i32>} : memref<10x64x128xf32, #tpu.memory_space<vmem>>, vector<1x1x16xf32>,
        %parallel_loop3A_679 = vector.shape_cast %parallel_loop3A_678 : vector<1x1x16xf32> to vector<16xf32>
        %parallel_loop3A_680 = arith.constant 11.3137083 : f32
        %parallel_loop3A_681 = vector.broadcast %parallel_loop3A_680 : f32 to vector<16xf32>
        %parallel_loop3A_682 = arith.mulf %parallel_loop3A_679, %parallel_loop3A_681 : vector<16xf32>
        %parallel_loop3A_683 = arith.constant 4 : i32
        %parallel_loop3A_684 = arith.index_cast %parallel_loop3A_683 : i32 to index
        %parallel_loop3A_685 = arith.index_cast %parallel_loop3A_625 : i32 to index
        %parallel_loop3A_686 = arith.constant 48 : index
        %parallel_loop3A_687 = tpu.vector_load %arg6[%parallel_loop3A_684, %parallel_loop3A_685, %parallel_loop3A_686] {strides = array<i32>} : memref<10x64x128xf32, #tpu.memory_space<vmem>>, vector<1x1x16xf32>,
        %parallel_loop3A_688 = vector.shape_cast %parallel_loop3A_687 : vector<1x1x16xf32> to vector<16xf32>
        %parallel_loop3A_689 = vector.shape_cast %parallel_loop3A_682 : vector<16xf32> to vector<1x1x16xf32>
        tpu.vector_store %arg6[%parallel_loop3A_684, %parallel_loop3A_685, %parallel_loop3A_686], %parallel_loop3A_689 {strides = array<i32>} : memref<10x64x128xf32, #tpu.memory_space<vmem>>, vector<1x1x16xf32>,
        %parallel_loop3A_690 = arith.constant 4 : i32
        %parallel_loop3A_691 = arith.index_cast %parallel_loop3A_690 : i32 to index
        %parallel_loop3A_692 = arith.index_cast %parallel_loop3A_625 : i32 to index
        %parallel_loop3A_693 = arith.constant 64 : index
        %parallel_loop3A_694 = tpu.vector_load %arg6[%parallel_loop3A_691, %parallel_loop3A_692, %parallel_loop3A_693] {strides = array<i32>} : memref<10x64x128xf32, #tpu.memory_space<vmem>>, vector<1x1x16xf32>,
        %parallel_loop3A_695 = vector.shape_cast %parallel_loop3A_694 : vector<1x1x16xf32> to vector<16xf32>
        %parallel_loop3A_696 = arith.constant 11.3137083 : f32
        %parallel_loop3A_697 = vector.broadcast %parallel_loop3A_696 : f32 to vector<16xf32>
        %parallel_loop3A_698 = arith.mulf %parallel_loop3A_695, %parallel_loop3A_697 : vector<16xf32>
        %parallel_loop3A_699 = arith.constant 4 : i32
        %parallel_loop3A_700 = arith.index_cast %parallel_loop3A_699 : i32 to index
        %parallel_loop3A_701 = arith.index_cast %parallel_loop3A_625 : i32 to index
        %parallel_loop3A_702 = arith.constant 64 : index
        %parallel_loop3A_703 = tpu.vector_load %arg6[%parallel_loop3A_700, %parallel_loop3A_701, %parallel_loop3A_702] {strides = array<i32>} : memref<10x64x128xf32, #tpu.memory_space<vmem>>, vector<1x1x16xf32>,
        %parallel_loop3A_704 = vector.shape_cast %parallel_loop3A_703 : vector<1x1x16xf32> to vector<16xf32>
        %parallel_loop3A_705 = vector.shape_cast %parallel_loop3A_698 : vector<16xf32> to vector<1x1x16xf32>
        tpu.vector_store %arg6[%parallel_loop3A_700, %parallel_loop3A_701, %parallel_loop3A_702], %parallel_loop3A_705 {strides = array<i32>} : memref<10x64x128xf32, #tpu.memory_space<vmem>>, vector<1x1x16xf32>,
        %parallel_loop3A_706 = arith.constant 4 : i32
        %parallel_loop3A_707 = arith.index_cast %parallel_loop3A_706 : i32 to index
        %parallel_loop3A_708 = arith.index_cast %parallel_loop3A_625 : i32 to index
        %parallel_loop3A_709 = arith.constant 80 : index
        %parallel_loop3A_710 = tpu.vector_load %arg6[%parallel_loop3A_707, %parallel_loop3A_708, %parallel_loop3A_709] {strides = array<i32>} : memref<10x64x128xf32, #tpu.memory_space<vmem>>, vector<1x1x16xf32>,
        %parallel_loop3A_711 = vector.shape_cast %parallel_loop3A_710 : vector<1x1x16xf32> to vector<16xf32>
        %parallel_loop3A_712 = arith.constant 11.3137083 : f32
        %parallel_loop3A_713 = vector.broadcast %parallel_loop3A_712 : f32 to vector<16xf32>
        %parallel_loop3A_714 = arith.mulf %parallel_loop3A_711, %parallel_loop3A_713 : vector<16xf32>
        %parallel_loop3A_715 = arith.constant 4 : i32
        %parallel_loop3A_716 = arith.index_cast %parallel_loop3A_715 : i32 to index
        %parallel_loop3A_717 = arith.index_cast %parallel_loop3A_625 : i32 to index
        %parallel_loop3A_718 = arith.constant 80 : index
        %parallel_loop3A_719 = tpu.vector_load %arg6[%parallel_loop3A_716, %parallel_loop3A_717, %parallel_loop3A_718] {strides = array<i32>} : memref<10x64x128xf32, #tpu.memory_space<vmem>>, vector<1x1x16xf32>,
        %parallel_loop3A_720 = vector.shape_cast %parallel_loop3A_719 : vector<1x1x16xf32> to vector<16xf32>
        %parallel_loop3A_721 = vector.shape_cast %parallel_loop3A_714 : vector<16xf32> to vector<1x1x16xf32>
        tpu.vector_store %arg6[%parallel_loop3A_716, %parallel_loop3A_717, %parallel_loop3A_718], %parallel_loop3A_721 {strides = array<i32>} : memref<10x64x128xf32, #tpu.memory_space<vmem>>, vector<1x1x16xf32>,
        %parallel_loop3A_722 = arith.constant 4 : i32
        %parallel_loop3A_723 = arith.index_cast %parallel_loop3A_722 : i32 to index
        %parallel_loop3A_724 = arith.index_cast %parallel_loop3A_625 : i32 to index
        %parallel_loop3A_725 = arith.constant 96 : index
        %parallel_loop3A_726 = tpu.vector_load %arg6[%parallel_loop3A_723, %parallel_loop3A_724, %parallel_loop3A_725] {strides = array<i32>} : memref<10x64x128xf32, #tpu.memory_space<vmem>>, vector<1x1x16xf32>,
        %parallel_loop3A_727 = vector.shape_cast %parallel_loop3A_726 : vector<1x1x16xf32> to vector<16xf32>
        %parallel_loop3A_728 = arith.constant 11.3137083 : f32
        %parallel_loop3A_729 = vector.broadcast %parallel_loop3A_728 : f32 to vector<16xf32>
        %parallel_loop3A_730 = arith.mulf %parallel_loop3A_727, %parallel_loop3A_729 : vector<16xf32>
        %parallel_loop3A_731 = arith.constant 4 : i32
        %parallel_loop3A_732 = arith.index_cast %parallel_loop3A_731 : i32 to index
        %parallel_loop3A_733 = arith.index_cast %parallel_loop3A_625 : i32 to index
        %parallel_loop3A_734 = arith.constant 96 : index
        %parallel_loop3A_735 = tpu.vector_load %arg6[%parallel_loop3A_732, %parallel_loop3A_733, %parallel_loop3A_734] {strides = array<i32>} : memref<10x64x128xf32, #tpu.memory_space<vmem>>, vector<1x1x16xf32>,
        %parallel_loop3A_736 = vector.shape_cast %parallel_loop3A_735 : vector<1x1x16xf32> to vector<16xf32>
        %parallel_loop3A_737 = vector.shape_cast %parallel_loop3A_730 : vector<16xf32> to vector<1x1x16xf32>
        tpu.vector_store %arg6[%parallel_loop3A_732, %parallel_loop3A_733, %parallel_loop3A_734], %parallel_loop3A_737 {strides = array<i32>} : memref<10x64x128xf32, #tpu.memory_space<vmem>>, vector<1x1x16xf32>,
        %parallel_loop3A_738 = arith.constant 4 : i32
        %parallel_loop3A_739 = arith.index_cast %parallel_loop3A_738 : i32 to index
        %parallel_loop3A_740 = arith.index_cast %parallel_loop3A_625 : i32 to index
        %parallel_loop3A_741 = arith.constant 112 : index
        %parallel_loop3A_742 = tpu.vector_load %arg6[%parallel_loop3A_739, %parallel_loop3A_740, %parallel_loop3A_741] {strides = array<i32>} : memref<10x64x128xf32, #tpu.memory_space<vmem>>, vector<1x1x16xf32>,
        %parallel_loop3A_743 = vector.shape_cast %parallel_loop3A_742 : vector<1x1x16xf32> to vector<16xf32>
        %parallel_loop3A_744 = arith.constant 11.3137083 : f32
        %parallel_loop3A_745 = vector.broadcast %parallel_loop3A_744 : f32 to vector<16xf32>
        %parallel_loop3A_746 = arith.mulf %parallel_loop3A_743, %parallel_loop3A_745 : vector<16xf32>
        %parallel_loop3A_747 = arith.constant 4 : i32
        %parallel_loop3A_748 = arith.index_cast %parallel_loop3A_747 : i32 to index
        %parallel_loop3A_749 = arith.index_cast %parallel_loop3A_625 : i32 to index
        %parallel_loop3A_750 = arith.constant 112 : index
        %parallel_loop3A_751 = tpu.vector_load %arg6[%parallel_loop3A_748, %parallel_loop3A_749, %parallel_loop3A_750] {strides = array<i32>} : memref<10x64x128xf32, #tpu.memory_space<vmem>>, vector<1x1x16xf32>,
        %parallel_loop3A_752 = vector.shape_cast %parallel_loop3A_751 : vector<1x1x16xf32> to vector<16xf32>
        %parallel_loop3A_753 = vector.shape_cast %parallel_loop3A_746 : vector<16xf32> to vector<1x1x16xf32>
        tpu.vector_store %arg6[%parallel_loop3A_748, %parallel_loop3A_749, %parallel_loop3A_750], %parallel_loop3A_753 {strides = array<i32>} : memref<10x64x128xf32, #tpu.memory_space<vmem>>, vector<1x1x16xf32>,
      } {sc.loop_unroll_factor = 2 : i64, sc.parallel_access}
      %mul3A_407 = arith.constant 64 : i32
      %mul3A_408 = arith.muli %add3A_392, %mul3A_407 : i32
      %add3A_409 = arith.addi %mul3A_2, %mul3A_408 : i32
      %dma_start3A_410 = arith.constant 4 : i32
      %dma_start3A_411 = arith.constant 0 : i32
      %dma_start3A_412 = arith.constant 0 : i32
      %dma_start3A_413 = tpu.memref_slice %arg6[%dma_start3A_410, %dma_start3A_411, %dma_start3A_412] : memref<10x64x128xf32, #tpu.memory_space<vmem>> -> memref<1x64x128xf32, #tpu.memory_space<vmem>>
      %dma_start3A_414 = tpu.memref_squeeze %dma_start3A_413 : memref<1x64x128xf32, #tpu.memory_space<vmem>> -> memref<64x128xf32, #tpu.memory_space<vmem>>
      %dma_start3A_415 = arith.constant 0 : i32
      %dma_start3A_416 = tpu.memref_slice %arg4[%add3A_409, %dma_start3A_415] : memref<204800x128xf32, #tpu.memory_space<hbm>> -> memref<64x128xf32, #tpu.memory_space<hbm>>
      %dma_start3A_417 = arith.constant 0 : i32
      %dma_start3A_418 = tpu.memref_slice %arg4[%add3A_409, %dma_start3A_417] : memref<204800x128xf32, #tpu.memory_space<hbm>> -> memref<64x128xf32, #tpu.memory_space<hbm>>
      %dma_start3A_419 = arith.constant 0 : i32
      %dma_start3A_420 = arith.constant 0 : i32
      %dma_start3A_421 = tpu.memref_slice %arg6[%dma_start3A_410, %dma_start3A_419, %dma_start3A_420] : memref<10x64x128xf32, #tpu.memory_space<vmem>> -> memref<1x64x128xf32, #tpu.memory_space<vmem>>
      %dma_start3A_422 = tpu.memref_squeeze %dma_start3A_421 : memref<1x64x128xf32, #tpu.memory_space<vmem>> -> memref<64x128xf32, #tpu.memory_space<vmem>>
      tpu.enqueue_dma source(%dma_start3A_422 : memref<64x128xf32, #tpu.memory_space<vmem>>) target(%dma_start3A_418 : memref<64x128xf32, #tpu.memory_space<hbm>>) target_semaphore(%arg21 : memref<!tpu.dma_semaphore, #tpu.memory_space<semaphore_mem>>)
      %add3A_423 = arith.constant 8 : i32
      %add3A_424 = arith.addi %add3A_392, %add3A_423 : i32
      %lt3A_425 = arith.constant 100 : i32
      %lt3A_426 = arith.cmpi slt, %add3A_424, %lt3A_425 : i32
      %convert_element_type3A_427 = arith.extui %lt3A_426 : i1 to i32
      %cond3A_428 = arith.constant 0 : i32
      %cond3A_429 = arith.cmpi ne, %convert_element_type3A_427, %cond3A_428 : i32
      scf.if %cond3A_429 {
        %ge3A = arith.constant 2 : i32
        %ge3A_625 = arith.cmpi sge, %add3A_392, %ge3A : i32
        %convert_element_type3A_626 = arith.extui %ge3A_625 : i1 to i32
        %cond3A_627 = arith.constant 0 : i32
        %cond3A_628 = arith.cmpi ne, %convert_element_type3A_626, %cond3A_627 : i32
        scf.if %cond3A_628 {
          %sub3A = arith.constant 10 : i32
          %sub3A_640 = arith.subi %add3A_424, %sub3A : i32
          %mul3A_641 = arith.constant 64 : i32
          %mul3A_642 = arith.muli %sub3A_640, %mul3A_641 : i32
          %add3A_643 = arith.addi %mul3A_2, %mul3A_642 : i32
          %dma_wait3A_644 = arith.constant 2 : i32
          %dma_wait3A_645 = arith.constant 0 : i32
          %dma_wait3A_646 = arith.constant 0 : i32
          %dma_wait3A_647 = tpu.memref_slice %arg6[%dma_wait3A_644, %dma_wait3A_645, %dma_wait3A_646] : memref<10x64x128xf32, #tpu.memory_space<vmem>> -> memref<1x64x128xf32, #tpu.memory_space<vmem>>
          %dma_wait3A_648 = tpu.memref_squeeze %dma_wait3A_647 : memref<1x64x128xf32, #tpu.memory_space<vmem>> -> memref<64x128xf32, #tpu.memory_space<vmem>>
          %dma_wait3A_649 = arith.constant 0 : i32
          %dma_wait3A_650 = tpu.memref_slice %arg4[%add3A_643, %dma_wait3A_649] : memref<204800x128xf32, #tpu.memory_space<hbm>> -> memref<64x128xf32, #tpu.memory_space<hbm>>
          %dma_wait3A_651 = arith.constant 0 : i32
          %dma_wait3A_652 = tpu.memref_slice %arg4[%add3A_643, %dma_wait3A_651] : memref<204800x128xf32, #tpu.memory_space<hbm>> -> memref<64x128xf32, #tpu.memory_space<hbm>>
          %dma_wait3A_653 = arith.constant 0 : i32
          %dma_wait3A_654 = arith.constant 0 : i32
          %dma_wait3A_655 = tpu.memref_slice %arg6[%dma_wait3A_644, %dma_wait3A_653, %dma_wait3A_654] : memref<10x64x128xf32, #tpu.memory_space<vmem>> -> memref<1x64x128xf32, #tpu.memory_space<vmem>>
          %dma_wait3A_656 = tpu.memref_squeeze %dma_wait3A_655 : memref<1x64x128xf32, #tpu.memory_space<vmem>> -> memref<64x128xf32, #tpu.memory_space<vmem>>
          tpu.wait_dma2 semaphore(%arg19 : memref<!tpu.dma_semaphore, #tpu.memory_space<semaphore_mem>>) src(%dma_wait3A_656 : memref<64x128xf32, #tpu.memory_space<vmem>>) dst(%dma_wait3A_652 : memref<64x128xf32, #tpu.memory_space<hbm>>)
        } else {
        }
        %mul3A_629 = arith.constant 64 : i32
        %mul3A_630 = arith.muli %add3A_424, %mul3A_629 : i32
        %dma_start3A_631 = arith.constant 2 : i32
        %dma_start3A_632 = arith.constant 0 : i32
        %dma_start3A_633 = arith.constant 0 : i32
        %dma_start3A_634 = tpu.memref_slice %arg6[%dma_start3A_631, %dma_start3A_632, %dma_start3A_633] : memref<10x64x128xf32, #tpu.memory_space<vmem>> -> memref<1x64x128xf32, #tpu.memory_space<vmem>>
        %dma_start3A_635 = tpu.memref_squeeze %dma_start3A_634 : memref<1x64x128xf32, #tpu.memory_space<vmem>> -> memref<64x128xf32, #tpu.memory_space<vmem>>
        %dma_start3A_636 = tpu.memref_slice %arg5[%mul3A_630] : memref<6400xi32, #tpu.memory_space<vmem>> -> memref<64xi32, #tpu.memory_space<vmem>>
        %dma_start3A_637 = arith.constant 0 : i32
        %dma_start3A_638 = arith.constant 0 : i32
        %dma_start3A_639 = tpu.memref_slice %arg2[%dma_start3A_637, %dma_start3A_638] : memref<1000000x128xf32, #tpu.memory_space<hbm>> -> memref<1000000x128xf32, #tpu.memory_space<hbm>>
        tpu.enqueue_indirect_dma source(%dma_start3A_639 : memref<1000000x128xf32, #tpu.memory_space<hbm>>) target(%dma_start3A_635 : memref<64x128xf32, #tpu.memory_space<vmem>>) offsets(%dma_start3A_636 : memref<64xi32, #tpu.memory_space<vmem>>) semaphore(%arg9 : memref<!tpu.dma_semaphore, #tpu.memory_space<semaphore_mem>>)
      } else {
      }
      %add3A_430 = arith.constant 5 : i32
      %add3A_431 = arith.addi %mul3A_238, %add3A_430 : i32
      %mul3A_432 = arith.constant 64 : i32
      %mul3A_433 = arith.muli %add3A_431, %mul3A_432 : i32
      %dma_wait3A_434 = arith.constant 5 : i32
      %dma_wait3A_435 = arith.constant 0 : i32
      %dma_wait3A_436 = arith.constant 0 : i32
      %dma_wait3A_437 = tpu.memref_slice %arg6[%dma_wait3A_434, %dma_wait3A_435, %dma_wait3A_436] : memref<10x64x128xf32, #tpu.memory_space<vmem>> -> memref<1x64x128xf32, #tpu.memory_space<vmem>>
      %dma_wait3A_438 = tpu.memref_squeeze %dma_wait3A_437 : memref<1x64x128xf32, #tpu.memory_space<vmem>> -> memref<64x128xf32, #tpu.memory_space<vmem>>
      %dma_wait3A_439 = tpu.memref_slice %arg5[%mul3A_433] : memref<6400xi32, #tpu.memory_space<vmem>> -> memref<64xi32, #tpu.memory_space<vmem>>
      %dma_wait3A_440 = arith.constant 0 : i32
      %dma_wait3A_441 = arith.constant 0 : i32
      %dma_wait3A_442 = tpu.memref_slice %arg2[%dma_wait3A_440, %dma_wait3A_441] : memref<1000000x128xf32, #tpu.memory_space<hbm>> -> memref<1000000x128xf32, #tpu.memory_space<hbm>>
      tpu.wait_indirect_dma semaphore(%arg12 : memref<!tpu.dma_semaphore, #tpu.memory_space<semaphore_mem>>) src(%dma_wait3A_442 : memref<1000000x128xf32, #tpu.memory_space<hbm>>) dst(%dma_wait3A_438 : memref<64x128xf32, #tpu.memory_space<vmem>>)
      %parallel_loop3A_443 = arith.constant 0 : i32
      %parallel_loop3A_444 = arith.constant 64 : i32
      %parallel_loop3A_445 = arith.constant 1 : i32
      scf.for %parallel_loop3A_625 = %parallel_loop3A_443 to %parallel_loop3A_444 step %parallel_loop3A_445  : i32 {
        %parallel_loop3A_626 = arith.constant 5 : i32
        %parallel_loop3A_627 = arith.index_cast %parallel_loop3A_626 : i32 to index
        %parallel_loop3A_628 = arith.index_cast %parallel_loop3A_625 : i32 to index
        %parallel_loop3A_629 = arith.constant 0 : index
        %parallel_loop3A_630 = tpu.vector_load %arg6[%parallel_loop3A_627, %parallel_loop3A_628, %parallel_loop3A_629] {strides = array<i32>} : memref<10x64x128xf32, #tpu.memory_space<vmem>>, vector<1x1x16xf32>,
        %parallel_loop3A_631 = vector.shape_cast %parallel_loop3A_630 : vector<1x1x16xf32> to vector<16xf32>
        %parallel_loop3A_632 = arith.constant 11.3137083 : f32
        %parallel_loop3A_633 = vector.broadcast %parallel_loop3A_632 : f32 to vector<16xf32>
        %parallel_loop3A_634 = arith.mulf %parallel_loop3A_631, %parallel_loop3A_633 : vector<16xf32>
        %parallel_loop3A_635 = arith.constant 5 : i32
        %parallel_loop3A_636 = arith.index_cast %parallel_loop3A_635 : i32 to index
        %parallel_loop3A_637 = arith.index_cast %parallel_loop3A_625 : i32 to index
        %parallel_loop3A_638 = arith.constant 0 : index
        %parallel_loop3A_639 = tpu.vector_load %arg6[%parallel_loop3A_636, %parallel_loop3A_637, %parallel_loop3A_638] {strides = array<i32>} : memref<10x64x128xf32, #tpu.memory_space<vmem>>, vector<1x1x16xf32>,
        %parallel_loop3A_640 = vector.shape_cast %parallel_loop3A_639 : vector<1x1x16xf32> to vector<16xf32>
        %parallel_loop3A_641 = vector.shape_cast %parallel_loop3A_634 : vector<16xf32> to vector<1x1x16xf32>
        tpu.vector_store %arg6[%parallel_loop3A_636, %parallel_loop3A_637, %parallel_loop3A_638], %parallel_loop3A_641 {strides = array<i32>} : memref<10x64x128xf32, #tpu.memory_space<vmem>>, vector<1x1x16xf32>,
        %parallel_loop3A_642 = arith.constant 5 : i32
        %parallel_loop3A_643 = arith.index_cast %parallel_loop3A_642 : i32 to index
        %parallel_loop3A_644 = arith.index_cast %parallel_loop3A_625 : i32 to index
        %parallel_loop3A_645 = arith.constant 16 : index
        %parallel_loop3A_646 = tpu.vector_load %arg6[%parallel_loop3A_643, %parallel_loop3A_644, %parallel_loop3A_645] {strides = array<i32>} : memref<10x64x128xf32, #tpu.memory_space<vmem>>, vector<1x1x16xf32>,
        %parallel_loop3A_647 = vector.shape_cast %parallel_loop3A_646 : vector<1x1x16xf32> to vector<16xf32>
        %parallel_loop3A_648 = arith.constant 11.3137083 : f32
        %parallel_loop3A_649 = vector.broadcast %parallel_loop3A_648 : f32 to vector<16xf32>
        %parallel_loop3A_650 = arith.mulf %parallel_loop3A_647, %parallel_loop3A_649 : vector<16xf32>
        %parallel_loop3A_651 = arith.constant 5 : i32
        %parallel_loop3A_652 = arith.index_cast %parallel_loop3A_651 : i32 to index
        %parallel_loop3A_653 = arith.index_cast %parallel_loop3A_625 : i32 to index
        %parallel_loop3A_654 = arith.constant 16 : index
        %parallel_loop3A_655 = tpu.vector_load %arg6[%parallel_loop3A_652, %parallel_loop3A_653, %parallel_loop3A_654] {strides = array<i32>} : memref<10x64x128xf32, #tpu.memory_space<vmem>>, vector<1x1x16xf32>,
        %parallel_loop3A_656 = vector.shape_cast %parallel_loop3A_655 : vector<1x1x16xf32> to vector<16xf32>
        %parallel_loop3A_657 = vector.shape_cast %parallel_loop3A_650 : vector<16xf32> to vector<1x1x16xf32>
        tpu.vector_store %arg6[%parallel_loop3A_652, %parallel_loop3A_653, %parallel_loop3A_654], %parallel_loop3A_657 {strides = array<i32>} : memref<10x64x128xf32, #tpu.memory_space<vmem>>, vector<1x1x16xf32>,
        %parallel_loop3A_658 = arith.constant 5 : i32
        %parallel_loop3A_659 = arith.index_cast %parallel_loop3A_658 : i32 to index
        %parallel_loop3A_660 = arith.index_cast %parallel_loop3A_625 : i32 to index
        %parallel_loop3A_661 = arith.constant 32 : index
        %parallel_loop3A_662 = tpu.vector_load %arg6[%parallel_loop3A_659, %parallel_loop3A_660, %parallel_loop3A_661] {strides = array<i32>} : memref<10x64x128xf32, #tpu.memory_space<vmem>>, vector<1x1x16xf32>,
        %parallel_loop3A_663 = vector.shape_cast %parallel_loop3A_662 : vector<1x1x16xf32> to vector<16xf32>
        %parallel_loop3A_664 = arith.constant 11.3137083 : f32
        %parallel_loop3A_665 = vector.broadcast %parallel_loop3A_664 : f32 to vector<16xf32>
        %parallel_loop3A_666 = arith.mulf %parallel_loop3A_663, %parallel_loop3A_665 : vector<16xf32>
        %parallel_loop3A_667 = arith.constant 5 : i32
        %parallel_loop3A_668 = arith.index_cast %parallel_loop3A_667 : i32 to index
        %parallel_loop3A_669 = arith.index_cast %parallel_loop3A_625 : i32 to index
        %parallel_loop3A_670 = arith.constant 32 : index
        %parallel_loop3A_671 = tpu.vector_load %arg6[%parallel_loop3A_668, %parallel_loop3A_669, %parallel_loop3A_670] {strides = array<i32>} : memref<10x64x128xf32, #tpu.memory_space<vmem>>, vector<1x1x16xf32>,
        %parallel_loop3A_672 = vector.shape_cast %parallel_loop3A_671 : vector<1x1x16xf32> to vector<16xf32>
        %parallel_loop3A_673 = vector.shape_cast %parallel_loop3A_666 : vector<16xf32> to vector<1x1x16xf32>
        tpu.vector_store %arg6[%parallel_loop3A_668, %parallel_loop3A_669, %parallel_loop3A_670], %parallel_loop3A_673 {strides = array<i32>} : memref<10x64x128xf32, #tpu.memory_space<vmem>>, vector<1x1x16xf32>,
        %parallel_loop3A_674 = arith.constant 5 : i32
        %parallel_loop3A_675 = arith.index_cast %parallel_loop3A_674 : i32 to index
        %parallel_loop3A_676 = arith.index_cast %parallel_loop3A_625 : i32 to index
        %parallel_loop3A_677 = arith.constant 48 : index
        %parallel_loop3A_678 = tpu.vector_load %arg6[%parallel_loop3A_675, %parallel_loop3A_676, %parallel_loop3A_677] {strides = array<i32>} : memref<10x64x128xf32, #tpu.memory_space<vmem>>, vector<1x1x16xf32>,
        %parallel_loop3A_679 = vector.shape_cast %parallel_loop3A_678 : vector<1x1x16xf32> to vector<16xf32>
        %parallel_loop3A_680 = arith.constant 11.3137083 : f32
        %parallel_loop3A_681 = vector.broadcast %parallel_loop3A_680 : f32 to vector<16xf32>
        %parallel_loop3A_682 = arith.mulf %parallel_loop3A_679, %parallel_loop3A_681 : vector<16xf32>
        %parallel_loop3A_683 = arith.constant 5 : i32
        %parallel_loop3A_684 = arith.index_cast %parallel_loop3A_683 : i32 to index
        %parallel_loop3A_685 = arith.index_cast %parallel_loop3A_625 : i32 to index
        %parallel_loop3A_686 = arith.constant 48 : index
        %parallel_loop3A_687 = tpu.vector_load %arg6[%parallel_loop3A_684, %parallel_loop3A_685, %parallel_loop3A_686] {strides = array<i32>} : memref<10x64x128xf32, #tpu.memory_space<vmem>>, vector<1x1x16xf32>,
        %parallel_loop3A_688 = vector.shape_cast %parallel_loop3A_687 : vector<1x1x16xf32> to vector<16xf32>
        %parallel_loop3A_689 = vector.shape_cast %parallel_loop3A_682 : vector<16xf32> to vector<1x1x16xf32>
        tpu.vector_store %arg6[%parallel_loop3A_684, %parallel_loop3A_685, %parallel_loop3A_686], %parallel_loop3A_689 {strides = array<i32>} : memref<10x64x128xf32, #tpu.memory_space<vmem>>, vector<1x1x16xf32>,
        %parallel_loop3A_690 = arith.constant 5 : i32
        %parallel_loop3A_691 = arith.index_cast %parallel_loop3A_690 : i32 to index
        %parallel_loop3A_692 = arith.index_cast %parallel_loop3A_625 : i32 to index
        %parallel_loop3A_693 = arith.constant 64 : index
        %parallel_loop3A_694 = tpu.vector_load %arg6[%parallel_loop3A_691, %parallel_loop3A_692, %parallel_loop3A_693] {strides = array<i32>} : memref<10x64x128xf32, #tpu.memory_space<vmem>>, vector<1x1x16xf32>,
        %parallel_loop3A_695 = vector.shape_cast %parallel_loop3A_694 : vector<1x1x16xf32> to vector<16xf32>
        %parallel_loop3A_696 = arith.constant 11.3137083 : f32
        %parallel_loop3A_697 = vector.broadcast %parallel_loop3A_696 : f32 to vector<16xf32>
        %parallel_loop3A_698 = arith.mulf %parallel_loop3A_695, %parallel_loop3A_697 : vector<16xf32>
        %parallel_loop3A_699 = arith.constant 5 : i32
        %parallel_loop3A_700 = arith.index_cast %parallel_loop3A_699 : i32 to index
        %parallel_loop3A_701 = arith.index_cast %parallel_loop3A_625 : i32 to index
        %parallel_loop3A_702 = arith.constant 64 : index
        %parallel_loop3A_703 = tpu.vector_load %arg6[%parallel_loop3A_700, %parallel_loop3A_701, %parallel_loop3A_702] {strides = array<i32>} : memref<10x64x128xf32, #tpu.memory_space<vmem>>, vector<1x1x16xf32>,
        %parallel_loop3A_704 = vector.shape_cast %parallel_loop3A_703 : vector<1x1x16xf32> to vector<16xf32>
        %parallel_loop3A_705 = vector.shape_cast %parallel_loop3A_698 : vector<16xf32> to vector<1x1x16xf32>
        tpu.vector_store %arg6[%parallel_loop3A_700, %parallel_loop3A_701, %parallel_loop3A_702], %parallel_loop3A_705 {strides = array<i32>} : memref<10x64x128xf32, #tpu.memory_space<vmem>>, vector<1x1x16xf32>,
        %parallel_loop3A_706 = arith.constant 5 : i32
        %parallel_loop3A_707 = arith.index_cast %parallel_loop3A_706 : i32 to index
        %parallel_loop3A_708 = arith.index_cast %parallel_loop3A_625 : i32 to index
        %parallel_loop3A_709 = arith.constant 80 : index
        %parallel_loop3A_710 = tpu.vector_load %arg6[%parallel_loop3A_707, %parallel_loop3A_708, %parallel_loop3A_709] {strides = array<i32>} : memref<10x64x128xf32, #tpu.memory_space<vmem>>, vector<1x1x16xf32>,
        %parallel_loop3A_711 = vector.shape_cast %parallel_loop3A_710 : vector<1x1x16xf32> to vector<16xf32>
        %parallel_loop3A_712 = arith.constant 11.3137083 : f32
        %parallel_loop3A_713 = vector.broadcast %parallel_loop3A_712 : f32 to vector<16xf32>
        %parallel_loop3A_714 = arith.mulf %parallel_loop3A_711, %parallel_loop3A_713 : vector<16xf32>
        %parallel_loop3A_715 = arith.constant 5 : i32
        %parallel_loop3A_716 = arith.index_cast %parallel_loop3A_715 : i32 to index
        %parallel_loop3A_717 = arith.index_cast %parallel_loop3A_625 : i32 to index
        %parallel_loop3A_718 = arith.constant 80 : index
        %parallel_loop3A_719 = tpu.vector_load %arg6[%parallel_loop3A_716, %parallel_loop3A_717, %parallel_loop3A_718] {strides = array<i32>} : memref<10x64x128xf32, #tpu.memory_space<vmem>>, vector<1x1x16xf32>,
        %parallel_loop3A_720 = vector.shape_cast %parallel_loop3A_719 : vector<1x1x16xf32> to vector<16xf32>
        %parallel_loop3A_721 = vector.shape_cast %parallel_loop3A_714 : vector<16xf32> to vector<1x1x16xf32>
        tpu.vector_store %arg6[%parallel_loop3A_716, %parallel_loop3A_717, %parallel_loop3A_718], %parallel_loop3A_721 {strides = array<i32>} : memref<10x64x128xf32, #tpu.memory_space<vmem>>, vector<1x1x16xf32>,
        %parallel_loop3A_722 = arith.constant 5 : i32
        %parallel_loop3A_723 = arith.index_cast %parallel_loop3A_722 : i32 to index
        %parallel_loop3A_724 = arith.index_cast %parallel_loop3A_625 : i32 to index
        %parallel_loop3A_725 = arith.constant 96 : index
        %parallel_loop3A_726 = tpu.vector_load %arg6[%parallel_loop3A_723, %parallel_loop3A_724, %parallel_loop3A_725] {strides = array<i32>} : memref<10x64x128xf32, #tpu.memory_space<vmem>>, vector<1x1x16xf32>,
        %parallel_loop3A_727 = vector.shape_cast %parallel_loop3A_726 : vector<1x1x16xf32> to vector<16xf32>
        %parallel_loop3A_728 = arith.constant 11.3137083 : f32
        %parallel_loop3A_729 = vector.broadcast %parallel_loop3A_728 : f32 to vector<16xf32>
        %parallel_loop3A_730 = arith.mulf %parallel_loop3A_727, %parallel_loop3A_729 : vector<16xf32>
        %parallel_loop3A_731 = arith.constant 5 : i32
        %parallel_loop3A_732 = arith.index_cast %parallel_loop3A_731 : i32 to index
        %parallel_loop3A_733 = arith.index_cast %parallel_loop3A_625 : i32 to index
        %parallel_loop3A_734 = arith.constant 96 : index
        %parallel_loop3A_735 = tpu.vector_load %arg6[%parallel_loop3A_732, %parallel_loop3A_733, %parallel_loop3A_734] {strides = array<i32>} : memref<10x64x128xf32, #tpu.memory_space<vmem>>, vector<1x1x16xf32>,
        %parallel_loop3A_736 = vector.shape_cast %parallel_loop3A_735 : vector<1x1x16xf32> to vector<16xf32>
        %parallel_loop3A_737 = vector.shape_cast %parallel_loop3A_730 : vector<16xf32> to vector<1x1x16xf32>
        tpu.vector_store %arg6[%parallel_loop3A_732, %parallel_loop3A_733, %parallel_loop3A_734], %parallel_loop3A_737 {strides = array<i32>} : memref<10x64x128xf32, #tpu.memory_space<vmem>>, vector<1x1x16xf32>,
        %parallel_loop3A_738 = arith.constant 5 : i32
        %parallel_loop3A_739 = arith.index_cast %parallel_loop3A_738 : i32 to index
        %parallel_loop3A_740 = arith.index_cast %parallel_loop3A_625 : i32 to index
        %parallel_loop3A_741 = arith.constant 112 : index
        %parallel_loop3A_742 = tpu.vector_load %arg6[%parallel_loop3A_739, %parallel_loop3A_740, %parallel_loop3A_741] {strides = array<i32>} : memref<10x64x128xf32, #tpu.memory_space<vmem>>, vector<1x1x16xf32>,
        %parallel_loop3A_743 = vector.shape_cast %parallel_loop3A_742 : vector<1x1x16xf32> to vector<16xf32>
        %parallel_loop3A_744 = arith.constant 11.3137083 : f32
        %parallel_loop3A_745 = vector.broadcast %parallel_loop3A_744 : f32 to vector<16xf32>
        %parallel_loop3A_746 = arith.mulf %parallel_loop3A_743, %parallel_loop3A_745 : vector<16xf32>
        %parallel_loop3A_747 = arith.constant 5 : i32
        %parallel_loop3A_748 = arith.index_cast %parallel_loop3A_747 : i32 to index
        %parallel_loop3A_749 = arith.index_cast %parallel_loop3A_625 : i32 to index
        %parallel_loop3A_750 = arith.constant 112 : index
        %parallel_loop3A_751 = tpu.vector_load %arg6[%parallel_loop3A_748, %parallel_loop3A_749, %parallel_loop3A_750] {strides = array<i32>} : memref<10x64x128xf32, #tpu.memory_space<vmem>>, vector<1x1x16xf32>,
        %parallel_loop3A_752 = vector.shape_cast %parallel_loop3A_751 : vector<1x1x16xf32> to vector<16xf32>
        %parallel_loop3A_753 = vector.shape_cast %parallel_loop3A_746 : vector<16xf32> to vector<1x1x16xf32>
        tpu.vector_store %arg6[%parallel_loop3A_748, %parallel_loop3A_749, %parallel_loop3A_750], %parallel_loop3A_753 {strides = array<i32>} : memref<10x64x128xf32, #tpu.memory_space<vmem>>, vector<1x1x16xf32>,
      } {sc.loop_unroll_factor = 2 : i64, sc.parallel_access}
      %mul3A_446 = arith.constant 64 : i32
      %mul3A_447 = arith.muli %add3A_431, %mul3A_446 : i32
      %add3A_448 = arith.addi %mul3A_2, %mul3A_447 : i32
      %dma_start3A_449 = arith.constant 5 : i32
      %dma_start3A_450 = arith.constant 0 : i32
      %dma_start3A_451 = arith.constant 0 : i32
      %dma_start3A_452 = tpu.memref_slice %arg6[%dma_start3A_449, %dma_start3A_450, %dma_start3A_451] : memref<10x64x128xf32, #tpu.memory_space<vmem>> -> memref<1x64x128xf32, #tpu.memory_space<vmem>>
      %dma_start3A_453 = tpu.memref_squeeze %dma_start3A_452 : memref<1x64x128xf32, #tpu.memory_space<vmem>> -> memref<64x128xf32, #tpu.memory_space<vmem>>
      %dma_start3A_454 = arith.constant 0 : i32
      %dma_start3A_455 = tpu.memref_slice %arg4[%add3A_448, %dma_start3A_454] : memref<204800x128xf32, #tpu.memory_space<hbm>> -> memref<64x128xf32, #tpu.memory_space<hbm>>
      %dma_start3A_456 = arith.constant 0 : i32
      %dma_start3A_457 = tpu.memref_slice %arg4[%add3A_448, %dma_start3A_456] : memref<204800x128xf32, #tpu.memory_space<hbm>> -> memref<64x128xf32, #tpu.memory_space<hbm>>
      %dma_start3A_458 = arith.constant 0 : i32
      %dma_start3A_459 = arith.constant 0 : i32
      %dma_start3A_460 = tpu.memref_slice %arg6[%dma_start3A_449, %dma_start3A_458, %dma_start3A_459] : memref<10x64x128xf32, #tpu.memory_space<vmem>> -> memref<1x64x128xf32, #tpu.memory_space<vmem>>
      %dma_start3A_461 = tpu.memref_squeeze %dma_start3A_460 : memref<1x64x128xf32, #tpu.memory_space<vmem>> -> memref<64x128xf32, #tpu.memory_space<vmem>>
      tpu.enqueue_dma source(%dma_start3A_461 : memref<64x128xf32, #tpu.memory_space<vmem>>) target(%dma_start3A_457 : memref<64x128xf32, #tpu.memory_space<hbm>>) target_semaphore(%arg22 : memref<!tpu.dma_semaphore, #tpu.memory_space<semaphore_mem>>)
      %add3A_462 = arith.constant 8 : i32
      %add3A_463 = arith.addi %add3A_431, %add3A_462 : i32
      %lt3A_464 = arith.constant 100 : i32
      %lt3A_465 = arith.cmpi slt, %add3A_463, %lt3A_464 : i32
      %convert_element_type3A_466 = arith.extui %lt3A_465 : i1 to i32
      %cond3A_467 = arith.constant 0 : i32
      %cond3A_468 = arith.cmpi ne, %convert_element_type3A_466, %cond3A_467 : i32
      scf.if %cond3A_468 {
        %ge3A = arith.constant 2 : i32
        %ge3A_625 = arith.cmpi sge, %add3A_431, %ge3A : i32
        %convert_element_type3A_626 = arith.extui %ge3A_625 : i1 to i32
        %cond3A_627 = arith.constant 0 : i32
        %cond3A_628 = arith.cmpi ne, %convert_element_type3A_626, %cond3A_627 : i32
        scf.if %cond3A_628 {
          %sub3A = arith.constant 10 : i32
          %sub3A_640 = arith.subi %add3A_463, %sub3A : i32
          %mul3A_641 = arith.constant 64 : i32
          %mul3A_642 = arith.muli %sub3A_640, %mul3A_641 : i32
          %add3A_643 = arith.addi %mul3A_2, %mul3A_642 : i32
          %dma_wait3A_644 = arith.constant 3 : i32
          %dma_wait3A_645 = arith.constant 0 : i32
          %dma_wait3A_646 = arith.constant 0 : i32
          %dma_wait3A_647 = tpu.memref_slice %arg6[%dma_wait3A_644, %dma_wait3A_645, %dma_wait3A_646] : memref<10x64x128xf32, #tpu.memory_space<vmem>> -> memref<1x64x128xf32, #tpu.memory_space<vmem>>
          %dma_wait3A_648 = tpu.memref_squeeze %dma_wait3A_647 : memref<1x64x128xf32, #tpu.memory_space<vmem>> -> memref<64x128xf32, #tpu.memory_space<vmem>>
          %dma_wait3A_649 = arith.constant 0 : i32
          %dma_wait3A_650 = tpu.memref_slice %arg4[%add3A_643, %dma_wait3A_649] : memref<204800x128xf32, #tpu.memory_space<hbm>> -> memref<64x128xf32, #tpu.memory_space<hbm>>
          %dma_wait3A_651 = arith.constant 0 : i32
          %dma_wait3A_652 = tpu.memref_slice %arg4[%add3A_643, %dma_wait3A_651] : memref<204800x128xf32, #tpu.memory_space<hbm>> -> memref<64x128xf32, #tpu.memory_space<hbm>>
          %dma_wait3A_653 = arith.constant 0 : i32
          %dma_wait3A_654 = arith.constant 0 : i32
          %dma_wait3A_655 = tpu.memref_slice %arg6[%dma_wait3A_644, %dma_wait3A_653, %dma_wait3A_654] : memref<10x64x128xf32, #tpu.memory_space<vmem>> -> memref<1x64x128xf32, #tpu.memory_space<vmem>>
          %dma_wait3A_656 = tpu.memref_squeeze %dma_wait3A_655 : memref<1x64x128xf32, #tpu.memory_space<vmem>> -> memref<64x128xf32, #tpu.memory_space<vmem>>
          tpu.wait_dma2 semaphore(%arg20 : memref<!tpu.dma_semaphore, #tpu.memory_space<semaphore_mem>>) src(%dma_wait3A_656 : memref<64x128xf32, #tpu.memory_space<vmem>>) dst(%dma_wait3A_652 : memref<64x128xf32, #tpu.memory_space<hbm>>)
        } else {
        }
        %mul3A_629 = arith.constant 64 : i32
        %mul3A_630 = arith.muli %add3A_463, %mul3A_629 : i32
        %dma_start3A_631 = arith.constant 3 : i32
        %dma_start3A_632 = arith.constant 0 : i32
        %dma_start3A_633 = arith.constant 0 : i32
        %dma_start3A_634 = tpu.memref_slice %arg6[%dma_start3A_631, %dma_start3A_632, %dma_start3A_633] : memref<10x64x128xf32, #tpu.memory_space<vmem>> -> memref<1x64x128xf32, #tpu.memory_space<vmem>>
        %dma_start3A_635 = tpu.memref_squeeze %dma_start3A_634 : memref<1x64x128xf32, #tpu.memory_space<vmem>> -> memref<64x128xf32, #tpu.memory_space<vmem>>
        %dma_start3A_636 = tpu.memref_slice %arg5[%mul3A_630] : memref<6400xi32, #tpu.memory_space<vmem>> -> memref<64xi32, #tpu.memory_space<vmem>>
        %dma_start3A_637 = arith.constant 0 : i32
        %dma_start3A_638 = arith.constant 0 : i32
        %dma_start3A_639 = tpu.memref_slice %arg2[%dma_start3A_637, %dma_start3A_638] : memref<1000000x128xf32, #tpu.memory_space<hbm>> -> memref<1000000x128xf32, #tpu.memory_space<hbm>>
        tpu.enqueue_indirect_dma source(%dma_start3A_639 : memref<1000000x128xf32, #tpu.memory_space<hbm>>) target(%dma_start3A_635 : memref<64x128xf32, #tpu.memory_space<vmem>>) offsets(%dma_start3A_636 : memref<64xi32, #tpu.memory_space<vmem>>) semaphore(%arg10 : memref<!tpu.dma_semaphore, #tpu.memory_space<semaphore_mem>>)
      } else {
      }
      %add3A_469 = arith.constant 6 : i32
      %add3A_470 = arith.addi %mul3A_238, %add3A_469 : i32
      %mul3A_471 = arith.constant 64 : i32
      %mul3A_472 = arith.muli %add3A_470, %mul3A_471 : i32
      %dma_wait3A_473 = arith.constant 6 : i32
      %dma_wait3A_474 = arith.constant 0 : i32
      %dma_wait3A_475 = arith.constant 0 : i32
      %dma_wait3A_476 = tpu.memref_slice %arg6[%dma_wait3A_473, %dma_wait3A_474, %dma_wait3A_475] : memref<10x64x128xf32, #tpu.memory_space<vmem>> -> memref<1x64x128xf32, #tpu.memory_space<vmem>>
      %dma_wait3A_477 = tpu.memref_squeeze %dma_wait3A_476 : memref<1x64x128xf32, #tpu.memory_space<vmem>> -> memref<64x128xf32, #tpu.memory_space<vmem>>
      %dma_wait3A_478 = tpu.memref_slice %arg5[%mul3A_472] : memref<6400xi32, #tpu.memory_space<vmem>> -> memref<64xi32, #tpu.memory_space<vmem>>
      %dma_wait3A_479 = arith.constant 0 : i32
      %dma_wait3A_480 = arith.constant 0 : i32
      %dma_wait3A_481 = tpu.memref_slice %arg2[%dma_wait3A_479, %dma_wait3A_480] : memref<1000000x128xf32, #tpu.memory_space<hbm>> -> memref<1000000x128xf32, #tpu.memory_space<hbm>>
      tpu.wait_indirect_dma semaphore(%arg13 : memref<!tpu.dma_semaphore, #tpu.memory_space<semaphore_mem>>) src(%dma_wait3A_481 : memref<1000000x128xf32, #tpu.memory_space<hbm>>) dst(%dma_wait3A_477 : memref<64x128xf32, #tpu.memory_space<vmem>>)
      %parallel_loop3A_482 = arith.constant 0 : i32
      %parallel_loop3A_483 = arith.constant 64 : i32
      %parallel_loop3A_484 = arith.constant 1 : i32
      scf.for %parallel_loop3A_625 = %parallel_loop3A_482 to %parallel_loop3A_483 step %parallel_loop3A_484  : i32 {
        %parallel_loop3A_626 = arith.constant 6 : i32
        %parallel_loop3A_627 = arith.index_cast %parallel_loop3A_626 : i32 to index
        %parallel_loop3A_628 = arith.index_cast %parallel_loop3A_625 : i32 to index
        %parallel_loop3A_629 = arith.constant 0 : index
        %parallel_loop3A_630 = tpu.vector_load %arg6[%parallel_loop3A_627, %parallel_loop3A_628, %parallel_loop3A_629] {strides = array<i32>} : memref<10x64x128xf32, #tpu.memory_space<vmem>>, vector<1x1x16xf32>,
        %parallel_loop3A_631 = vector.shape_cast %parallel_loop3A_630 : vector<1x1x16xf32> to vector<16xf32>
        %parallel_loop3A_632 = arith.constant 11.3137083 : f32
        %parallel_loop3A_633 = vector.broadcast %parallel_loop3A_632 : f32 to vector<16xf32>
        %parallel_loop3A_634 = arith.mulf %parallel_loop3A_631, %parallel_loop3A_633 : vector<16xf32>
        %parallel_loop3A_635 = arith.constant 6 : i32
        %parallel_loop3A_636 = arith.index_cast %parallel_loop3A_635 : i32 to index
        %parallel_loop3A_637 = arith.index_cast %parallel_loop3A_625 : i32 to index
        %parallel_loop3A_638 = arith.constant 0 : index
        %parallel_loop3A_639 = tpu.vector_load %arg6[%parallel_loop3A_636, %parallel_loop3A_637, %parallel_loop3A_638] {strides = array<i32>} : memref<10x64x128xf32, #tpu.memory_space<vmem>>, vector<1x1x16xf32>,
        %parallel_loop3A_640 = vector.shape_cast %parallel_loop3A_639 : vector<1x1x16xf32> to vector<16xf32>
        %parallel_loop3A_641 = vector.shape_cast %parallel_loop3A_634 : vector<16xf32> to vector<1x1x16xf32>
        tpu.vector_store %arg6[%parallel_loop3A_636, %parallel_loop3A_637, %parallel_loop3A_638], %parallel_loop3A_641 {strides = array<i32>} : memref<10x64x128xf32, #tpu.memory_space<vmem>>, vector<1x1x16xf32>,
        %parallel_loop3A_642 = arith.constant 6 : i32
        %parallel_loop3A_643 = arith.index_cast %parallel_loop3A_642 : i32 to index
        %parallel_loop3A_644 = arith.index_cast %parallel_loop3A_625 : i32 to index
        %parallel_loop3A_645 = arith.constant 16 : index
        %parallel_loop3A_646 = tpu.vector_load %arg6[%parallel_loop3A_643, %parallel_loop3A_644, %parallel_loop3A_645] {strides = array<i32>} : memref<10x64x128xf32, #tpu.memory_space<vmem>>, vector<1x1x16xf32>,
        %parallel_loop3A_647 = vector.shape_cast %parallel_loop3A_646 : vector<1x1x16xf32> to vector<16xf32>
        %parallel_loop3A_648 = arith.constant 11.3137083 : f32
        %parallel_loop3A_649 = vector.broadcast %parallel_loop3A_648 : f32 to vector<16xf32>
        %parallel_loop3A_650 = arith.mulf %parallel_loop3A_647, %parallel_loop3A_649 : vector<16xf32>
        %parallel_loop3A_651 = arith.constant 6 : i32
        %parallel_loop3A_652 = arith.index_cast %parallel_loop3A_651 : i32 to index
        %parallel_loop3A_653 = arith.index_cast %parallel_loop3A_625 : i32 to index
        %parallel_loop3A_654 = arith.constant 16 : index
        %parallel_loop3A_655 = tpu.vector_load %arg6[%parallel_loop3A_652, %parallel_loop3A_653, %parallel_loop3A_654] {strides = array<i32>} : memref<10x64x128xf32, #tpu.memory_space<vmem>>, vector<1x1x16xf32>,
        %parallel_loop3A_656 = vector.shape_cast %parallel_loop3A_655 : vector<1x1x16xf32> to vector<16xf32>
        %parallel_loop3A_657 = vector.shape_cast %parallel_loop3A_650 : vector<16xf32> to vector<1x1x16xf32>
        tpu.vector_store %arg6[%parallel_loop3A_652, %parallel_loop3A_653, %parallel_loop3A_654], %parallel_loop3A_657 {strides = array<i32>} : memref<10x64x128xf32, #tpu.memory_space<vmem>>, vector<1x1x16xf32>,
        %parallel_loop3A_658 = arith.constant 6 : i32
        %parallel_loop3A_659 = arith.index_cast %parallel_loop3A_658 : i32 to index
        %parallel_loop3A_660 = arith.index_cast %parallel_loop3A_625 : i32 to index
        %parallel_loop3A_661 = arith.constant 32 : index
        %parallel_loop3A_662 = tpu.vector_load %arg6[%parallel_loop3A_659, %parallel_loop3A_660, %parallel_loop3A_661] {strides = array<i32>} : memref<10x64x128xf32, #tpu.memory_space<vmem>>, vector<1x1x16xf32>,
        %parallel_loop3A_663 = vector.shape_cast %parallel_loop3A_662 : vector<1x1x16xf32> to vector<16xf32>
        %parallel_loop3A_664 = arith.constant 11.3137083 : f32
        %parallel_loop3A_665 = vector.broadcast %parallel_loop3A_664 : f32 to vector<16xf32>
        %parallel_loop3A_666 = arith.mulf %parallel_loop3A_663, %parallel_loop3A_665 : vector<16xf32>
        %parallel_loop3A_667 = arith.constant 6 : i32
        %parallel_loop3A_668 = arith.index_cast %parallel_loop3A_667 : i32 to index
        %parallel_loop3A_669 = arith.index_cast %parallel_loop3A_625 : i32 to index
        %parallel_loop3A_670 = arith.constant 32 : index
        %parallel_loop3A_671 = tpu.vector_load %arg6[%parallel_loop3A_668, %parallel_loop3A_669, %parallel_loop3A_670] {strides = array<i32>} : memref<10x64x128xf32, #tpu.memory_space<vmem>>, vector<1x1x16xf32>,
        %parallel_loop3A_672 = vector.shape_cast %parallel_loop3A_671 : vector<1x1x16xf32> to vector<16xf32>
        %parallel_loop3A_673 = vector.shape_cast %parallel_loop3A_666 : vector<16xf32> to vector<1x1x16xf32>
        tpu.vector_store %arg6[%parallel_loop3A_668, %parallel_loop3A_669, %parallel_loop3A_670], %parallel_loop3A_673 {strides = array<i32>} : memref<10x64x128xf32, #tpu.memory_space<vmem>>, vector<1x1x16xf32>,
        %parallel_loop3A_674 = arith.constant 6 : i32
        %parallel_loop3A_675 = arith.index_cast %parallel_loop3A_674 : i32 to index
        %parallel_loop3A_676 = arith.index_cast %parallel_loop3A_625 : i32 to index
        %parallel_loop3A_677 = arith.constant 48 : index
        %parallel_loop3A_678 = tpu.vector_load %arg6[%parallel_loop3A_675, %parallel_loop3A_676, %parallel_loop3A_677] {strides = array<i32>} : memref<10x64x128xf32, #tpu.memory_space<vmem>>, vector<1x1x16xf32>,
        %parallel_loop3A_679 = vector.shape_cast %parallel_loop3A_678 : vector<1x1x16xf32> to vector<16xf32>
        %parallel_loop3A_680 = arith.constant 11.3137083 : f32
        %parallel_loop3A_681 = vector.broadcast %parallel_loop3A_680 : f32 to vector<16xf32>
        %parallel_loop3A_682 = arith.mulf %parallel_loop3A_679, %parallel_loop3A_681 : vector<16xf32>
        %parallel_loop3A_683 = arith.constant 6 : i32
        %parallel_loop3A_684 = arith.index_cast %parallel_loop3A_683 : i32 to index
        %parallel_loop3A_685 = arith.index_cast %parallel_loop3A_625 : i32 to index
        %parallel_loop3A_686 = arith.constant 48 : index
        %parallel_loop3A_687 = tpu.vector_load %arg6[%parallel_loop3A_684, %parallel_loop3A_685, %parallel_loop3A_686] {strides = array<i32>} : memref<10x64x128xf32, #tpu.memory_space<vmem>>, vector<1x1x16xf32>,
        %parallel_loop3A_688 = vector.shape_cast %parallel_loop3A_687 : vector<1x1x16xf32> to vector<16xf32>
        %parallel_loop3A_689 = vector.shape_cast %parallel_loop3A_682 : vector<16xf32> to vector<1x1x16xf32>
        tpu.vector_store %arg6[%parallel_loop3A_684, %parallel_loop3A_685, %parallel_loop3A_686], %parallel_loop3A_689 {strides = array<i32>} : memref<10x64x128xf32, #tpu.memory_space<vmem>>, vector<1x1x16xf32>,
        %parallel_loop3A_690 = arith.constant 6 : i32
        %parallel_loop3A_691 = arith.index_cast %parallel_loop3A_690 : i32 to index
        %parallel_loop3A_692 = arith.index_cast %parallel_loop3A_625 : i32 to index
        %parallel_loop3A_693 = arith.constant 64 : index
        %parallel_loop3A_694 = tpu.vector_load %arg6[%parallel_loop3A_691, %parallel_loop3A_692, %parallel_loop3A_693] {strides = array<i32>} : memref<10x64x128xf32, #tpu.memory_space<vmem>>, vector<1x1x16xf32>,
        %parallel_loop3A_695 = vector.shape_cast %parallel_loop3A_694 : vector<1x1x16xf32> to vector<16xf32>
        %parallel_loop3A_696 = arith.constant 11.3137083 : f32
        %parallel_loop3A_697 = vector.broadcast %parallel_loop3A_696 : f32 to vector<16xf32>
        %parallel_loop3A_698 = arith.mulf %parallel_loop3A_695, %parallel_loop3A_697 : vector<16xf32>
        %parallel_loop3A_699 = arith.constant 6 : i32
        %parallel_loop3A_700 = arith.index_cast %parallel_loop3A_699 : i32 to index
        %parallel_loop3A_701 = arith.index_cast %parallel_loop3A_625 : i32 to index
        %parallel_loop3A_702 = arith.constant 64 : index
        %parallel_loop3A_703 = tpu.vector_load %arg6[%parallel_loop3A_700, %parallel_loop3A_701, %parallel_loop3A_702] {strides = array<i32>} : memref<10x64x128xf32, #tpu.memory_space<vmem>>, vector<1x1x16xf32>,
        %parallel_loop3A_704 = vector.shape_cast %parallel_loop3A_703 : vector<1x1x16xf32> to vector<16xf32>
        %parallel_loop3A_705 = vector.shape_cast %parallel_loop3A_698 : vector<16xf32> to vector<1x1x16xf32>
        tpu.vector_store %arg6[%parallel_loop3A_700, %parallel_loop3A_701, %parallel_loop3A_702], %parallel_loop3A_705 {strides = array<i32>} : memref<10x64x128xf32, #tpu.memory_space<vmem>>, vector<1x1x16xf32>,
        %parallel_loop3A_706 = arith.constant 6 : i32
        %parallel_loop3A_707 = arith.index_cast %parallel_loop3A_706 : i32 to index
        %parallel_loop3A_708 = arith.index_cast %parallel_loop3A_625 : i32 to index
        %parallel_loop3A_709 = arith.constant 80 : index
        %parallel_loop3A_710 = tpu.vector_load %arg6[%parallel_loop3A_707, %parallel_loop3A_708, %parallel_loop3A_709] {strides = array<i32>} : memref<10x64x128xf32, #tpu.memory_space<vmem>>, vector<1x1x16xf32>,
        %parallel_loop3A_711 = vector.shape_cast %parallel_loop3A_710 : vector<1x1x16xf32> to vector<16xf32>
        %parallel_loop3A_712 = arith.constant 11.3137083 : f32
        %parallel_loop3A_713 = vector.broadcast %parallel_loop3A_712 : f32 to vector<16xf32>
        %parallel_loop3A_714 = arith.mulf %parallel_loop3A_711, %parallel_loop3A_713 : vector<16xf32>
        %parallel_loop3A_715 = arith.constant 6 : i32
        %parallel_loop3A_716 = arith.index_cast %parallel_loop3A_715 : i32 to index
        %parallel_loop3A_717 = arith.index_cast %parallel_loop3A_625 : i32 to index
        %parallel_loop3A_718 = arith.constant 80 : index
        %parallel_loop3A_719 = tpu.vector_load %arg6[%parallel_loop3A_716, %parallel_loop3A_717, %parallel_loop3A_718] {strides = array<i32>} : memref<10x64x128xf32, #tpu.memory_space<vmem>>, vector<1x1x16xf32>,
        %parallel_loop3A_720 = vector.shape_cast %parallel_loop3A_719 : vector<1x1x16xf32> to vector<16xf32>
        %parallel_loop3A_721 = vector.shape_cast %parallel_loop3A_714 : vector<16xf32> to vector<1x1x16xf32>
        tpu.vector_store %arg6[%parallel_loop3A_716, %parallel_loop3A_717, %parallel_loop3A_718], %parallel_loop3A_721 {strides = array<i32>} : memref<10x64x128xf32, #tpu.memory_space<vmem>>, vector<1x1x16xf32>,
        %parallel_loop3A_722 = arith.constant 6 : i32
        %parallel_loop3A_723 = arith.index_cast %parallel_loop3A_722 : i32 to index
        %parallel_loop3A_724 = arith.index_cast %parallel_loop3A_625 : i32 to index
        %parallel_loop3A_725 = arith.constant 96 : index
        %parallel_loop3A_726 = tpu.vector_load %arg6[%parallel_loop3A_723, %parallel_loop3A_724, %parallel_loop3A_725] {strides = array<i32>} : memref<10x64x128xf32, #tpu.memory_space<vmem>>, vector<1x1x16xf32>,
        %parallel_loop3A_727 = vector.shape_cast %parallel_loop3A_726 : vector<1x1x16xf32> to vector<16xf32>
        %parallel_loop3A_728 = arith.constant 11.3137083 : f32
        %parallel_loop3A_729 = vector.broadcast %parallel_loop3A_728 : f32 to vector<16xf32>
        %parallel_loop3A_730 = arith.mulf %parallel_loop3A_727, %parallel_loop3A_729 : vector<16xf32>
        %parallel_loop3A_731 = arith.constant 6 : i32
        %parallel_loop3A_732 = arith.index_cast %parallel_loop3A_731 : i32 to index
        %parallel_loop3A_733 = arith.index_cast %parallel_loop3A_625 : i32 to index
        %parallel_loop3A_734 = arith.constant 96 : index
        %parallel_loop3A_735 = tpu.vector_load %arg6[%parallel_loop3A_732, %parallel_loop3A_733, %parallel_loop3A_734] {strides = array<i32>} : memref<10x64x128xf32, #tpu.memory_space<vmem>>, vector<1x1x16xf32>,
        %parallel_loop3A_736 = vector.shape_cast %parallel_loop3A_735 : vector<1x1x16xf32> to vector<16xf32>
        %parallel_loop3A_737 = vector.shape_cast %parallel_loop3A_730 : vector<16xf32> to vector<1x1x16xf32>
        tpu.vector_store %arg6[%parallel_loop3A_732, %parallel_loop3A_733, %parallel_loop3A_734], %parallel_loop3A_737 {strides = array<i32>} : memref<10x64x128xf32, #tpu.memory_space<vmem>>, vector<1x1x16xf32>,
        %parallel_loop3A_738 = arith.constant 6 : i32
        %parallel_loop3A_739 = arith.index_cast %parallel_loop3A_738 : i32 to index
        %parallel_loop3A_740 = arith.index_cast %parallel_loop3A_625 : i32 to index
        %parallel_loop3A_741 = arith.constant 112 : index
        %parallel_loop3A_742 = tpu.vector_load %arg6[%parallel_loop3A_739, %parallel_loop3A_740, %parallel_loop3A_741] {strides = array<i32>} : memref<10x64x128xf32, #tpu.memory_space<vmem>>, vector<1x1x16xf32>,
        %parallel_loop3A_743 = vector.shape_cast %parallel_loop3A_742 : vector<1x1x16xf32> to vector<16xf32>
        %parallel_loop3A_744 = arith.constant 11.3137083 : f32
        %parallel_loop3A_745 = vector.broadcast %parallel_loop3A_744 : f32 to vector<16xf32>
        %parallel_loop3A_746 = arith.mulf %parallel_loop3A_743, %parallel_loop3A_745 : vector<16xf32>
        %parallel_loop3A_747 = arith.constant 6 : i32
        %parallel_loop3A_748 = arith.index_cast %parallel_loop3A_747 : i32 to index
        %parallel_loop3A_749 = arith.index_cast %parallel_loop3A_625 : i32 to index
        %parallel_loop3A_750 = arith.constant 112 : index
        %parallel_loop3A_751 = tpu.vector_load %arg6[%parallel_loop3A_748, %parallel_loop3A_749, %parallel_loop3A_750] {strides = array<i32>} : memref<10x64x128xf32, #tpu.memory_space<vmem>>, vector<1x1x16xf32>,
        %parallel_loop3A_752 = vector.shape_cast %parallel_loop3A_751 : vector<1x1x16xf32> to vector<16xf32>
        %parallel_loop3A_753 = vector.shape_cast %parallel_loop3A_746 : vector<16xf32> to vector<1x1x16xf32>
        tpu.vector_store %arg6[%parallel_loop3A_748, %parallel_loop3A_749, %parallel_loop3A_750], %parallel_loop3A_753 {strides = array<i32>} : memref<10x64x128xf32, #tpu.memory_space<vmem>>, vector<1x1x16xf32>,
      } {sc.loop_unroll_factor = 2 : i64, sc.parallel_access}
      %mul3A_485 = arith.constant 64 : i32
      %mul3A_486 = arith.muli %add3A_470, %mul3A_485 : i32
      %add3A_487 = arith.addi %mul3A_2, %mul3A_486 : i32
      %dma_start3A_488 = arith.constant 6 : i32
      %dma_start3A_489 = arith.constant 0 : i32
      %dma_start3A_490 = arith.constant 0 : i32
      %dma_start3A_491 = tpu.memref_slice %arg6[%dma_start3A_488, %dma_start3A_489, %dma_start3A_490] : memref<10x64x128xf32, #tpu.memory_space<vmem>> -> memref<1x64x128xf32, #tpu.memory_space<vmem>>
      %dma_start3A_492 = tpu.memref_squeeze %dma_start3A_491 : memref<1x64x128xf32, #tpu.memory_space<vmem>> -> memref<64x128xf32, #tpu.memory_space<vmem>>
      %dma_start3A_493 = arith.constant 0 : i32
      %dma_start3A_494 = tpu.memref_slice %arg4[%add3A_487, %dma_start3A_493] : memref<204800x128xf32, #tpu.memory_space<hbm>> -> memref<64x128xf32, #tpu.memory_space<hbm>>
      %dma_start3A_495 = arith.constant 0 : i32
      %dma_start3A_496 = tpu.memref_slice %arg4[%add3A_487, %dma_start3A_495] : memref<204800x128xf32, #tpu.memory_space<hbm>> -> memref<64x128xf32, #tpu.memory_space<hbm>>
      %dma_start3A_497 = arith.constant 0 : i32
      %dma_start3A_498 = arith.constant 0 : i32
      %dma_start3A_499 = tpu.memref_slice %arg6[%dma_start3A_488, %dma_start3A_497, %dma_start3A_498] : memref<10x64x128xf32, #tpu.memory_space<vmem>> -> memref<1x64x128xf32, #tpu.memory_space<vmem>>
      %dma_start3A_500 = tpu.memref_squeeze %dma_start3A_499 : memref<1x64x128xf32, #tpu.memory_space<vmem>> -> memref<64x128xf32, #tpu.memory_space<vmem>>
      tpu.enqueue_dma source(%dma_start3A_500 : memref<64x128xf32, #tpu.memory_space<vmem>>) target(%dma_start3A_496 : memref<64x128xf32, #tpu.memory_space<hbm>>) target_semaphore(%arg23 : memref<!tpu.dma_semaphore, #tpu.memory_space<semaphore_mem>>)
      %add3A_501 = arith.constant 8 : i32
      %add3A_502 = arith.addi %add3A_470, %add3A_501 : i32
      %lt3A_503 = arith.constant 100 : i32
      %lt3A_504 = arith.cmpi slt, %add3A_502, %lt3A_503 : i32
      %convert_element_type3A_505 = arith.extui %lt3A_504 : i1 to i32
      %cond3A_506 = arith.constant 0 : i32
      %cond3A_507 = arith.cmpi ne, %convert_element_type3A_505, %cond3A_506 : i32
      scf.if %cond3A_507 {
        %ge3A = arith.constant 2 : i32
        %ge3A_625 = arith.cmpi sge, %add3A_470, %ge3A : i32
        %convert_element_type3A_626 = arith.extui %ge3A_625 : i1 to i32
        %cond3A_627 = arith.constant 0 : i32
        %cond3A_628 = arith.cmpi ne, %convert_element_type3A_626, %cond3A_627 : i32
        scf.if %cond3A_628 {
          %sub3A = arith.constant 10 : i32
          %sub3A_640 = arith.subi %add3A_502, %sub3A : i32
          %mul3A_641 = arith.constant 64 : i32
          %mul3A_642 = arith.muli %sub3A_640, %mul3A_641 : i32
          %add3A_643 = arith.addi %mul3A_2, %mul3A_642 : i32
          %dma_wait3A_644 = arith.constant 4 : i32
          %dma_wait3A_645 = arith.constant 0 : i32
          %dma_wait3A_646 = arith.constant 0 : i32
          %dma_wait3A_647 = tpu.memref_slice %arg6[%dma_wait3A_644, %dma_wait3A_645, %dma_wait3A_646] : memref<10x64x128xf32, #tpu.memory_space<vmem>> -> memref<1x64x128xf32, #tpu.memory_space<vmem>>
          %dma_wait3A_648 = tpu.memref_squeeze %dma_wait3A_647 : memref<1x64x128xf32, #tpu.memory_space<vmem>> -> memref<64x128xf32, #tpu.memory_space<vmem>>
          %dma_wait3A_649 = arith.constant 0 : i32
          %dma_wait3A_650 = tpu.memref_slice %arg4[%add3A_643, %dma_wait3A_649] : memref<204800x128xf32, #tpu.memory_space<hbm>> -> memref<64x128xf32, #tpu.memory_space<hbm>>
          %dma_wait3A_651 = arith.constant 0 : i32
          %dma_wait3A_652 = tpu.memref_slice %arg4[%add3A_643, %dma_wait3A_651] : memref<204800x128xf32, #tpu.memory_space<hbm>> -> memref<64x128xf32, #tpu.memory_space<hbm>>
          %dma_wait3A_653 = arith.constant 0 : i32
          %dma_wait3A_654 = arith.constant 0 : i32
          %dma_wait3A_655 = tpu.memref_slice %arg6[%dma_wait3A_644, %dma_wait3A_653, %dma_wait3A_654] : memref<10x64x128xf32, #tpu.memory_space<vmem>> -> memref<1x64x128xf32, #tpu.memory_space<vmem>>
          %dma_wait3A_656 = tpu.memref_squeeze %dma_wait3A_655 : memref<1x64x128xf32, #tpu.memory_space<vmem>> -> memref<64x128xf32, #tpu.memory_space<vmem>>
          tpu.wait_dma2 semaphore(%arg21 : memref<!tpu.dma_semaphore, #tpu.memory_space<semaphore_mem>>) src(%dma_wait3A_656 : memref<64x128xf32, #tpu.memory_space<vmem>>) dst(%dma_wait3A_652 : memref<64x128xf32, #tpu.memory_space<hbm>>)
        } else {
        }
        %mul3A_629 = arith.constant 64 : i32
        %mul3A_630 = arith.muli %add3A_502, %mul3A_629 : i32
        %dma_start3A_631 = arith.constant 4 : i32
        %dma_start3A_632 = arith.constant 0 : i32
        %dma_start3A_633 = arith.constant 0 : i32
        %dma_start3A_634 = tpu.memref_slice %arg6[%dma_start3A_631, %dma_start3A_632, %dma_start3A_633] : memref<10x64x128xf32, #tpu.memory_space<vmem>> -> memref<1x64x128xf32, #tpu.memory_space<vmem>>
        %dma_start3A_635 = tpu.memref_squeeze %dma_start3A_634 : memref<1x64x128xf32, #tpu.memory_space<vmem>> -> memref<64x128xf32, #tpu.memory_space<vmem>>
        %dma_start3A_636 = tpu.memref_slice %arg5[%mul3A_630] : memref<6400xi32, #tpu.memory_space<vmem>> -> memref<64xi32, #tpu.memory_space<vmem>>
        %dma_start3A_637 = arith.constant 0 : i32
        %dma_start3A_638 = arith.constant 0 : i32
        %dma_start3A_639 = tpu.memref_slice %arg2[%dma_start3A_637, %dma_start3A_638] : memref<1000000x128xf32, #tpu.memory_space<hbm>> -> memref<1000000x128xf32, #tpu.memory_space<hbm>>
        tpu.enqueue_indirect_dma source(%dma_start3A_639 : memref<1000000x128xf32, #tpu.memory_space<hbm>>) target(%dma_start3A_635 : memref<64x128xf32, #tpu.memory_space<vmem>>) offsets(%dma_start3A_636 : memref<64xi32, #tpu.memory_space<vmem>>) semaphore(%arg11 : memref<!tpu.dma_semaphore, #tpu.memory_space<semaphore_mem>>)
      } else {
      }
      %add3A_508 = arith.constant 7 : i32
      %add3A_509 = arith.addi %mul3A_238, %add3A_508 : i32
      %mul3A_510 = arith.constant 64 : i32
      %mul3A_511 = arith.muli %add3A_509, %mul3A_510 : i32
      %dma_wait3A_512 = arith.constant 7 : i32
      %dma_wait3A_513 = arith.constant 0 : i32
      %dma_wait3A_514 = arith.constant 0 : i32
      %dma_wait3A_515 = tpu.memref_slice %arg6[%dma_wait3A_512, %dma_wait3A_513, %dma_wait3A_514] : memref<10x64x128xf32, #tpu.memory_space<vmem>> -> memref<1x64x128xf32, #tpu.memory_space<vmem>>
      %dma_wait3A_516 = tpu.memref_squeeze %dma_wait3A_515 : memref<1x64x128xf32, #tpu.memory_space<vmem>> -> memref<64x128xf32, #tpu.memory_space<vmem>>
      %dma_wait3A_517 = tpu.memref_slice %arg5[%mul3A_511] : memref<6400xi32, #tpu.memory_space<vmem>> -> memref<64xi32, #tpu.memory_space<vmem>>
      %dma_wait3A_518 = arith.constant 0 : i32
      %dma_wait3A_519 = arith.constant 0 : i32
      %dma_wait3A_520 = tpu.memref_slice %arg2[%dma_wait3A_518, %dma_wait3A_519] : memref<1000000x128xf32, #tpu.memory_space<hbm>> -> memref<1000000x128xf32, #tpu.memory_space<hbm>>
      tpu.wait_indirect_dma semaphore(%arg14 : memref<!tpu.dma_semaphore, #tpu.memory_space<semaphore_mem>>) src(%dma_wait3A_520 : memref<1000000x128xf32, #tpu.memory_space<hbm>>) dst(%dma_wait3A_516 : memref<64x128xf32, #tpu.memory_space<vmem>>)
      %parallel_loop3A_521 = arith.constant 0 : i32
      %parallel_loop3A_522 = arith.constant 64 : i32
      %parallel_loop3A_523 = arith.constant 1 : i32
      scf.for %parallel_loop3A_625 = %parallel_loop3A_521 to %parallel_loop3A_522 step %parallel_loop3A_523  : i32 {
        %parallel_loop3A_626 = arith.constant 7 : i32
        %parallel_loop3A_627 = arith.index_cast %parallel_loop3A_626 : i32 to index
        %parallel_loop3A_628 = arith.index_cast %parallel_loop3A_625 : i32 to index
        %parallel_loop3A_629 = arith.constant 0 : index
        %parallel_loop3A_630 = tpu.vector_load %arg6[%parallel_loop3A_627, %parallel_loop3A_628, %parallel_loop3A_629] {strides = array<i32>} : memref<10x64x128xf32, #tpu.memory_space<vmem>>, vector<1x1x16xf32>,
        %parallel_loop3A_631 = vector.shape_cast %parallel_loop3A_630 : vector<1x1x16xf32> to vector<16xf32>
        %parallel_loop3A_632 = arith.constant 11.3137083 : f32
        %parallel_loop3A_633 = vector.broadcast %parallel_loop3A_632 : f32 to vector<16xf32>
        %parallel_loop3A_634 = arith.mulf %parallel_loop3A_631, %parallel_loop3A_633 : vector<16xf32>
        %parallel_loop3A_635 = arith.constant 7 : i32
        %parallel_loop3A_636 = arith.index_cast %parallel_loop3A_635 : i32 to index
        %parallel_loop3A_637 = arith.index_cast %parallel_loop3A_625 : i32 to index
        %parallel_loop3A_638 = arith.constant 0 : index
        %parallel_loop3A_639 = tpu.vector_load %arg6[%parallel_loop3A_636, %parallel_loop3A_637, %parallel_loop3A_638] {strides = array<i32>} : memref<10x64x128xf32, #tpu.memory_space<vmem>>, vector<1x1x16xf32>,
        %parallel_loop3A_640 = vector.shape_cast %parallel_loop3A_639 : vector<1x1x16xf32> to vector<16xf32>
        %parallel_loop3A_641 = vector.shape_cast %parallel_loop3A_634 : vector<16xf32> to vector<1x1x16xf32>
        tpu.vector_store %arg6[%parallel_loop3A_636, %parallel_loop3A_637, %parallel_loop3A_638], %parallel_loop3A_641 {strides = array<i32>} : memref<10x64x128xf32, #tpu.memory_space<vmem>>, vector<1x1x16xf32>,
        %parallel_loop3A_642 = arith.constant 7 : i32
        %parallel_loop3A_643 = arith.index_cast %parallel_loop3A_642 : i32 to index
        %parallel_loop3A_644 = arith.index_cast %parallel_loop3A_625 : i32 to index
        %parallel_loop3A_645 = arith.constant 16 : index
        %parallel_loop3A_646 = tpu.vector_load %arg6[%parallel_loop3A_643, %parallel_loop3A_644, %parallel_loop3A_645] {strides = array<i32>} : memref<10x64x128xf32, #tpu.memory_space<vmem>>, vector<1x1x16xf32>,
        %parallel_loop3A_647 = vector.shape_cast %parallel_loop3A_646 : vector<1x1x16xf32> to vector<16xf32>
        %parallel_loop3A_648 = arith.constant 11.3137083 : f32
        %parallel_loop3A_649 = vector.broadcast %parallel_loop3A_648 : f32 to vector<16xf32>
        %parallel_loop3A_650 = arith.mulf %parallel_loop3A_647, %parallel_loop3A_649 : vector<16xf32>
        %parallel_loop3A_651 = arith.constant 7 : i32
        %parallel_loop3A_652 = arith.index_cast %parallel_loop3A_651 : i32 to index
        %parallel_loop3A_653 = arith.index_cast %parallel_loop3A_625 : i32 to index
        %parallel_loop3A_654 = arith.constant 16 : index
        %parallel_loop3A_655 = tpu.vector_load %arg6[%parallel_loop3A_652, %parallel_loop3A_653, %parallel_loop3A_654] {strides = array<i32>} : memref<10x64x128xf32, #tpu.memory_space<vmem>>, vector<1x1x16xf32>,
        %parallel_loop3A_656 = vector.shape_cast %parallel_loop3A_655 : vector<1x1x16xf32> to vector<16xf32>
        %parallel_loop3A_657 = vector.shape_cast %parallel_loop3A_650 : vector<16xf32> to vector<1x1x16xf32>
        tpu.vector_store %arg6[%parallel_loop3A_652, %parallel_loop3A_653, %parallel_loop3A_654], %parallel_loop3A_657 {strides = array<i32>} : memref<10x64x128xf32, #tpu.memory_space<vmem>>, vector<1x1x16xf32>,
        %parallel_loop3A_658 = arith.constant 7 : i32
        %parallel_loop3A_659 = arith.index_cast %parallel_loop3A_658 : i32 to index
        %parallel_loop3A_660 = arith.index_cast %parallel_loop3A_625 : i32 to index
        %parallel_loop3A_661 = arith.constant 32 : index
        %parallel_loop3A_662 = tpu.vector_load %arg6[%parallel_loop3A_659, %parallel_loop3A_660, %parallel_loop3A_661] {strides = array<i32>} : memref<10x64x128xf32, #tpu.memory_space<vmem>>, vector<1x1x16xf32>,
        %parallel_loop3A_663 = vector.shape_cast %parallel_loop3A_662 : vector<1x1x16xf32> to vector<16xf32>
        %parallel_loop3A_664 = arith.constant 11.3137083 : f32
        %parallel_loop3A_665 = vector.broadcast %parallel_loop3A_664 : f32 to vector<16xf32>
        %parallel_loop3A_666 = arith.mulf %parallel_loop3A_663, %parallel_loop3A_665 : vector<16xf32>
        %parallel_loop3A_667 = arith.constant 7 : i32
        %parallel_loop3A_668 = arith.index_cast %parallel_loop3A_667 : i32 to index
        %parallel_loop3A_669 = arith.index_cast %parallel_loop3A_625 : i32 to index
        %parallel_loop3A_670 = arith.constant 32 : index
        %parallel_loop3A_671 = tpu.vector_load %arg6[%parallel_loop3A_668, %parallel_loop3A_669, %parallel_loop3A_670] {strides = array<i32>} : memref<10x64x128xf32, #tpu.memory_space<vmem>>, vector<1x1x16xf32>,
        %parallel_loop3A_672 = vector.shape_cast %parallel_loop3A_671 : vector<1x1x16xf32> to vector<16xf32>
        %parallel_loop3A_673 = vector.shape_cast %parallel_loop3A_666 : vector<16xf32> to vector<1x1x16xf32>
        tpu.vector_store %arg6[%parallel_loop3A_668, %parallel_loop3A_669, %parallel_loop3A_670], %parallel_loop3A_673 {strides = array<i32>} : memref<10x64x128xf32, #tpu.memory_space<vmem>>, vector<1x1x16xf32>,
        %parallel_loop3A_674 = arith.constant 7 : i32
        %parallel_loop3A_675 = arith.index_cast %parallel_loop3A_674 : i32 to index
        %parallel_loop3A_676 = arith.index_cast %parallel_loop3A_625 : i32 to index
        %parallel_loop3A_677 = arith.constant 48 : index
        %parallel_loop3A_678 = tpu.vector_load %arg6[%parallel_loop3A_675, %parallel_loop3A_676, %parallel_loop3A_677] {strides = array<i32>} : memref<10x64x128xf32, #tpu.memory_space<vmem>>, vector<1x1x16xf32>,
        %parallel_loop3A_679 = vector.shape_cast %parallel_loop3A_678 : vector<1x1x16xf32> to vector<16xf32>
        %parallel_loop3A_680 = arith.constant 11.3137083 : f32
        %parallel_loop3A_681 = vector.broadcast %parallel_loop3A_680 : f32 to vector<16xf32>
        %parallel_loop3A_682 = arith.mulf %parallel_loop3A_679, %parallel_loop3A_681 : vector<16xf32>
        %parallel_loop3A_683 = arith.constant 7 : i32
        %parallel_loop3A_684 = arith.index_cast %parallel_loop3A_683 : i32 to index
        %parallel_loop3A_685 = arith.index_cast %parallel_loop3A_625 : i32 to index
        %parallel_loop3A_686 = arith.constant 48 : index
        %parallel_loop3A_687 = tpu.vector_load %arg6[%parallel_loop3A_684, %parallel_loop3A_685, %parallel_loop3A_686] {strides = array<i32>} : memref<10x64x128xf32, #tpu.memory_space<vmem>>, vector<1x1x16xf32>,
        %parallel_loop3A_688 = vector.shape_cast %parallel_loop3A_687 : vector<1x1x16xf32> to vector<16xf32>
        %parallel_loop3A_689 = vector.shape_cast %parallel_loop3A_682 : vector<16xf32> to vector<1x1x16xf32>
        tpu.vector_store %arg6[%parallel_loop3A_684, %parallel_loop3A_685, %parallel_loop3A_686], %parallel_loop3A_689 {strides = array<i32>} : memref<10x64x128xf32, #tpu.memory_space<vmem>>, vector<1x1x16xf32>,
        %parallel_loop3A_690 = arith.constant 7 : i32
        %parallel_loop3A_691 = arith.index_cast %parallel_loop3A_690 : i32 to index
        %parallel_loop3A_692 = arith.index_cast %parallel_loop3A_625 : i32 to index
        %parallel_loop3A_693 = arith.constant 64 : index
        %parallel_loop3A_694 = tpu.vector_load %arg6[%parallel_loop3A_691, %parallel_loop3A_692, %parallel_loop3A_693] {strides = array<i32>} : memref<10x64x128xf32, #tpu.memory_space<vmem>>, vector<1x1x16xf32>,
        %parallel_loop3A_695 = vector.shape_cast %parallel_loop3A_694 : vector<1x1x16xf32> to vector<16xf32>
        %parallel_loop3A_696 = arith.constant 11.3137083 : f32
        %parallel_loop3A_697 = vector.broadcast %parallel_loop3A_696 : f32 to vector<16xf32>
        %parallel_loop3A_698 = arith.mulf %parallel_loop3A_695, %parallel_loop3A_697 : vector<16xf32>
        %parallel_loop3A_699 = arith.constant 7 : i32
        %parallel_loop3A_700 = arith.index_cast %parallel_loop3A_699 : i32 to index
        %parallel_loop3A_701 = arith.index_cast %parallel_loop3A_625 : i32 to index
        %parallel_loop3A_702 = arith.constant 64 : index
        %parallel_loop3A_703 = tpu.vector_load %arg6[%parallel_loop3A_700, %parallel_loop3A_701, %parallel_loop3A_702] {strides = array<i32>} : memref<10x64x128xf32, #tpu.memory_space<vmem>>, vector<1x1x16xf32>,
        %parallel_loop3A_704 = vector.shape_cast %parallel_loop3A_703 : vector<1x1x16xf32> to vector<16xf32>
        %parallel_loop3A_705 = vector.shape_cast %parallel_loop3A_698 : vector<16xf32> to vector<1x1x16xf32>
        tpu.vector_store %arg6[%parallel_loop3A_700, %parallel_loop3A_701, %parallel_loop3A_702], %parallel_loop3A_705 {strides = array<i32>} : memref<10x64x128xf32, #tpu.memory_space<vmem>>, vector<1x1x16xf32>,
        %parallel_loop3A_706 = arith.constant 7 : i32
        %parallel_loop3A_707 = arith.index_cast %parallel_loop3A_706 : i32 to index
        %parallel_loop3A_708 = arith.index_cast %parallel_loop3A_625 : i32 to index
        %parallel_loop3A_709 = arith.constant 80 : index
        %parallel_loop3A_710 = tpu.vector_load %arg6[%parallel_loop3A_707, %parallel_loop3A_708, %parallel_loop3A_709] {strides = array<i32>} : memref<10x64x128xf32, #tpu.memory_space<vmem>>, vector<1x1x16xf32>,
        %parallel_loop3A_711 = vector.shape_cast %parallel_loop3A_710 : vector<1x1x16xf32> to vector<16xf32>
        %parallel_loop3A_712 = arith.constant 11.3137083 : f32
        %parallel_loop3A_713 = vector.broadcast %parallel_loop3A_712 : f32 to vector<16xf32>
        %parallel_loop3A_714 = arith.mulf %parallel_loop3A_711, %parallel_loop3A_713 : vector<16xf32>
        %parallel_loop3A_715 = arith.constant 7 : i32
        %parallel_loop3A_716 = arith.index_cast %parallel_loop3A_715 : i32 to index
        %parallel_loop3A_717 = arith.index_cast %parallel_loop3A_625 : i32 to index
        %parallel_loop3A_718 = arith.constant 80 : index
        %parallel_loop3A_719 = tpu.vector_load %arg6[%parallel_loop3A_716, %parallel_loop3A_717, %parallel_loop3A_718] {strides = array<i32>} : memref<10x64x128xf32, #tpu.memory_space<vmem>>, vector<1x1x16xf32>,
        %parallel_loop3A_720 = vector.shape_cast %parallel_loop3A_719 : vector<1x1x16xf32> to vector<16xf32>
        %parallel_loop3A_721 = vector.shape_cast %parallel_loop3A_714 : vector<16xf32> to vector<1x1x16xf32>
        tpu.vector_store %arg6[%parallel_loop3A_716, %parallel_loop3A_717, %parallel_loop3A_718], %parallel_loop3A_721 {strides = array<i32>} : memref<10x64x128xf32, #tpu.memory_space<vmem>>, vector<1x1x16xf32>,
        %parallel_loop3A_722 = arith.constant 7 : i32
        %parallel_loop3A_723 = arith.index_cast %parallel_loop3A_722 : i32 to index
        %parallel_loop3A_724 = arith.index_cast %parallel_loop3A_625 : i32 to index
        %parallel_loop3A_725 = arith.constant 96 : index
        %parallel_loop3A_726 = tpu.vector_load %arg6[%parallel_loop3A_723, %parallel_loop3A_724, %parallel_loop3A_725] {strides = array<i32>} : memref<10x64x128xf32, #tpu.memory_space<vmem>>, vector<1x1x16xf32>,
        %parallel_loop3A_727 = vector.shape_cast %parallel_loop3A_726 : vector<1x1x16xf32> to vector<16xf32>
        %parallel_loop3A_728 = arith.constant 11.3137083 : f32
        %parallel_loop3A_729 = vector.broadcast %parallel_loop3A_728 : f32 to vector<16xf32>
        %parallel_loop3A_730 = arith.mulf %parallel_loop3A_727, %parallel_loop3A_729 : vector<16xf32>
        %parallel_loop3A_731 = arith.constant 7 : i32
        %parallel_loop3A_732 = arith.index_cast %parallel_loop3A_731 : i32 to index
        %parallel_loop3A_733 = arith.index_cast %parallel_loop3A_625 : i32 to index
        %parallel_loop3A_734 = arith.constant 96 : index
        %parallel_loop3A_735 = tpu.vector_load %arg6[%parallel_loop3A_732, %parallel_loop3A_733, %parallel_loop3A_734] {strides = array<i32>} : memref<10x64x128xf32, #tpu.memory_space<vmem>>, vector<1x1x16xf32>,
        %parallel_loop3A_736 = vector.shape_cast %parallel_loop3A_735 : vector<1x1x16xf32> to vector<16xf32>
        %parallel_loop3A_737 = vector.shape_cast %parallel_loop3A_730 : vector<16xf32> to vector<1x1x16xf32>
        tpu.vector_store %arg6[%parallel_loop3A_732, %parallel_loop3A_733, %parallel_loop3A_734], %parallel_loop3A_737 {strides = array<i32>} : memref<10x64x128xf32, #tpu.memory_space<vmem>>, vector<1x1x16xf32>,
        %parallel_loop3A_738 = arith.constant 7 : i32
        %parallel_loop3A_739 = arith.index_cast %parallel_loop3A_738 : i32 to index
        %parallel_loop3A_740 = arith.index_cast %parallel_loop3A_625 : i32 to index
        %parallel_loop3A_741 = arith.constant 112 : index
        %parallel_loop3A_742 = tpu.vector_load %arg6[%parallel_loop3A_739, %parallel_loop3A_740, %parallel_loop3A_741] {strides = array<i32>} : memref<10x64x128xf32, #tpu.memory_space<vmem>>, vector<1x1x16xf32>,
        %parallel_loop3A_743 = vector.shape_cast %parallel_loop3A_742 : vector<1x1x16xf32> to vector<16xf32>
        %parallel_loop3A_744 = arith.constant 11.3137083 : f32
        %parallel_loop3A_745 = vector.broadcast %parallel_loop3A_744 : f32 to vector<16xf32>
        %parallel_loop3A_746 = arith.mulf %parallel_loop3A_743, %parallel_loop3A_745 : vector<16xf32>
        %parallel_loop3A_747 = arith.constant 7 : i32
        %parallel_loop3A_748 = arith.index_cast %parallel_loop3A_747 : i32 to index
        %parallel_loop3A_749 = arith.index_cast %parallel_loop3A_625 : i32 to index
        %parallel_loop3A_750 = arith.constant 112 : index
        %parallel_loop3A_751 = tpu.vector_load %arg6[%parallel_loop3A_748, %parallel_loop3A_749, %parallel_loop3A_750] {strides = array<i32>} : memref<10x64x128xf32, #tpu.memory_space<vmem>>, vector<1x1x16xf32>,
        %parallel_loop3A_752 = vector.shape_cast %parallel_loop3A_751 : vector<1x1x16xf32> to vector<16xf32>
        %parallel_loop3A_753 = vector.shape_cast %parallel_loop3A_746 : vector<16xf32> to vector<1x1x16xf32>
        tpu.vector_store %arg6[%parallel_loop3A_748, %parallel_loop3A_749, %parallel_loop3A_750], %parallel_loop3A_753 {strides = array<i32>} : memref<10x64x128xf32, #tpu.memory_space<vmem>>, vector<1x1x16xf32>,
      } {sc.loop_unroll_factor = 2 : i64, sc.parallel_access}
      %mul3A_524 = arith.constant 64 : i32
      %mul3A_525 = arith.muli %add3A_509, %mul3A_524 : i32
      %add3A_526 = arith.addi %mul3A_2, %mul3A_525 : i32
      %dma_start3A_527 = arith.constant 7 : i32
      %dma_start3A_528 = arith.constant 0 : i32
      %dma_start3A_529 = arith.constant 0 : i32
      %dma_start3A_530 = tpu.memref_slice %arg6[%dma_start3A_527, %dma_start3A_528, %dma_start3A_529] : memref<10x64x128xf32, #tpu.memory_space<vmem>> -> memref<1x64x128xf32, #tpu.memory_space<vmem>>
      %dma_start3A_531 = tpu.memref_squeeze %dma_start3A_530 : memref<1x64x128xf32, #tpu.memory_space<vmem>> -> memref<64x128xf32, #tpu.memory_space<vmem>>
      %dma_start3A_532 = arith.constant 0 : i32
      %dma_start3A_533 = tpu.memref_slice %arg4[%add3A_526, %dma_start3A_532] : memref<204800x128xf32, #tpu.memory_space<hbm>> -> memref<64x128xf32, #tpu.memory_space<hbm>>
      %dma_start3A_534 = arith.constant 0 : i32
      %dma_start3A_535 = tpu.memref_slice %arg4[%add3A_526, %dma_start3A_534] : memref<204800x128xf32, #tpu.memory_space<hbm>> -> memref<64x128xf32, #tpu.memory_space<hbm>>
      %dma_start3A_536 = arith.constant 0 : i32
      %dma_start3A_537 = arith.constant 0 : i32
      %dma_start3A_538 = tpu.memref_slice %arg6[%dma_start3A_527, %dma_start3A_536, %dma_start3A_537] : memref<10x64x128xf32, #tpu.memory_space<vmem>> -> memref<1x64x128xf32, #tpu.memory_space<vmem>>
      %dma_start3A_539 = tpu.memref_squeeze %dma_start3A_538 : memref<1x64x128xf32, #tpu.memory_space<vmem>> -> memref<64x128xf32, #tpu.memory_space<vmem>>
      tpu.enqueue_dma source(%dma_start3A_539 : memref<64x128xf32, #tpu.memory_space<vmem>>) target(%dma_start3A_535 : memref<64x128xf32, #tpu.memory_space<hbm>>) target_semaphore(%arg24 : memref<!tpu.dma_semaphore, #tpu.memory_space<semaphore_mem>>)
      %add3A_540 = arith.constant 8 : i32
      %add3A_541 = arith.addi %add3A_509, %add3A_540 : i32
      %lt3A_542 = arith.constant 100 : i32
      %lt3A_543 = arith.cmpi slt, %add3A_541, %lt3A_542 : i32
      %convert_element_type3A_544 = arith.extui %lt3A_543 : i1 to i32
      %cond3A_545 = arith.constant 0 : i32
      %cond3A_546 = arith.cmpi ne, %convert_element_type3A_544, %cond3A_545 : i32
      scf.if %cond3A_546 {
        %ge3A = arith.constant 2 : i32
        %ge3A_625 = arith.cmpi sge, %add3A_509, %ge3A : i32
        %convert_element_type3A_626 = arith.extui %ge3A_625 : i1 to i32
        %cond3A_627 = arith.constant 0 : i32
        %cond3A_628 = arith.cmpi ne, %convert_element_type3A_626, %cond3A_627 : i32
        scf.if %cond3A_628 {
          %sub3A = arith.constant 10 : i32
          %sub3A_640 = arith.subi %add3A_541, %sub3A : i32
          %mul3A_641 = arith.constant 64 : i32
          %mul3A_642 = arith.muli %sub3A_640, %mul3A_641 : i32
          %add3A_643 = arith.addi %mul3A_2, %mul3A_642 : i32
          %dma_wait3A_644 = arith.constant 5 : i32
          %dma_wait3A_645 = arith.constant 0 : i32
          %dma_wait3A_646 = arith.constant 0 : i32
          %dma_wait3A_647 = tpu.memref_slice %arg6[%dma_wait3A_644, %dma_wait3A_645, %dma_wait3A_646] : memref<10x64x128xf32, #tpu.memory_space<vmem>> -> memref<1x64x128xf32, #tpu.memory_space<vmem>>
          %dma_wait3A_648 = tpu.memref_squeeze %dma_wait3A_647 : memref<1x64x128xf32, #tpu.memory_space<vmem>> -> memref<64x128xf32, #tpu.memory_space<vmem>>
          %dma_wait3A_649 = arith.constant 0 : i32
          %dma_wait3A_650 = tpu.memref_slice %arg4[%add3A_643, %dma_wait3A_649] : memref<204800x128xf32, #tpu.memory_space<hbm>> -> memref<64x128xf32, #tpu.memory_space<hbm>>
          %dma_wait3A_651 = arith.constant 0 : i32
          %dma_wait3A_652 = tpu.memref_slice %arg4[%add3A_643, %dma_wait3A_651] : memref<204800x128xf32, #tpu.memory_space<hbm>> -> memref<64x128xf32, #tpu.memory_space<hbm>>
          %dma_wait3A_653 = arith.constant 0 : i32
          %dma_wait3A_654 = arith.constant 0 : i32
          %dma_wait3A_655 = tpu.memref_slice %arg6[%dma_wait3A_644, %dma_wait3A_653, %dma_wait3A_654] : memref<10x64x128xf32, #tpu.memory_space<vmem>> -> memref<1x64x128xf32, #tpu.memory_space<vmem>>
          %dma_wait3A_656 = tpu.memref_squeeze %dma_wait3A_655 : memref<1x64x128xf32, #tpu.memory_space<vmem>> -> memref<64x128xf32, #tpu.memory_space<vmem>>
          tpu.wait_dma2 semaphore(%arg22 : memref<!tpu.dma_semaphore, #tpu.memory_space<semaphore_mem>>) src(%dma_wait3A_656 : memref<64x128xf32, #tpu.memory_space<vmem>>) dst(%dma_wait3A_652 : memref<64x128xf32, #tpu.memory_space<hbm>>)
        } else {
        }
        %mul3A_629 = arith.constant 64 : i32
        %mul3A_630 = arith.muli %add3A_541, %mul3A_629 : i32
        %dma_start3A_631 = arith.constant 5 : i32
        %dma_start3A_632 = arith.constant 0 : i32
        %dma_start3A_633 = arith.constant 0 : i32
        %dma_start3A_634 = tpu.memref_slice %arg6[%dma_start3A_631, %dma_start3A_632, %dma_start3A_633] : memref<10x64x128xf32, #tpu.memory_space<vmem>> -> memref<1x64x128xf32, #tpu.memory_space<vmem>>
        %dma_start3A_635 = tpu.memref_squeeze %dma_start3A_634 : memref<1x64x128xf32, #tpu.memory_space<vmem>> -> memref<64x128xf32, #tpu.memory_space<vmem>>
        %dma_start3A_636 = tpu.memref_slice %arg5[%mul3A_630] : memref<6400xi32, #tpu.memory_space<vmem>> -> memref<64xi32, #tpu.memory_space<vmem>>
        %dma_start3A_637 = arith.constant 0 : i32
        %dma_start3A_638 = arith.constant 0 : i32
        %dma_start3A_639 = tpu.memref_slice %arg2[%dma_start3A_637, %dma_start3A_638] : memref<1000000x128xf32, #tpu.memory_space<hbm>> -> memref<1000000x128xf32, #tpu.memory_space<hbm>>
        tpu.enqueue_indirect_dma source(%dma_start3A_639 : memref<1000000x128xf32, #tpu.memory_space<hbm>>) target(%dma_start3A_635 : memref<64x128xf32, #tpu.memory_space<vmem>>) offsets(%dma_start3A_636 : memref<64xi32, #tpu.memory_space<vmem>>) semaphore(%arg12 : memref<!tpu.dma_semaphore, #tpu.memory_space<semaphore_mem>>)
      } else {
      }
      %add3A_547 = arith.constant 8 : i32
      %add3A_548 = arith.addi %mul3A_238, %add3A_547 : i32
      %mul3A_549 = arith.constant 64 : i32
      %mul3A_550 = arith.muli %add3A_548, %mul3A_549 : i32
      %dma_wait3A_551 = arith.constant 8 : i32
      %dma_wait3A_552 = arith.constant 0 : i32
      %dma_wait3A_553 = arith.constant 0 : i32
      %dma_wait3A_554 = tpu.memref_slice %arg6[%dma_wait3A_551, %dma_wait3A_552, %dma_wait3A_553] : memref<10x64x128xf32, #tpu.memory_space<vmem>> -> memref<1x64x128xf32, #tpu.memory_space<vmem>>
      %dma_wait3A_555 = tpu.memref_squeeze %dma_wait3A_554 : memref<1x64x128xf32, #tpu.memory_space<vmem>> -> memref<64x128xf32, #tpu.memory_space<vmem>>
      %dma_wait3A_556 = tpu.memref_slice %arg5[%mul3A_550] : memref<6400xi32, #tpu.memory_space<vmem>> -> memref<64xi32, #tpu.memory_space<vmem>>
      %dma_wait3A_557 = arith.constant 0 : i32
      %dma_wait3A_558 = arith.constant 0 : i32
      %dma_wait3A_559 = tpu.memref_slice %arg2[%dma_wait3A_557, %dma_wait3A_558] : memref<1000000x128xf32, #tpu.memory_space<hbm>> -> memref<1000000x128xf32, #tpu.memory_space<hbm>>
      tpu.wait_indirect_dma semaphore(%arg15 : memref<!tpu.dma_semaphore, #tpu.memory_space<semaphore_mem>>) src(%dma_wait3A_559 : memref<1000000x128xf32, #tpu.memory_space<hbm>>) dst(%dma_wait3A_555 : memref<64x128xf32, #tpu.memory_space<vmem>>)
      %parallel_loop3A_560 = arith.constant 0 : i32
      %parallel_loop3A_561 = arith.constant 64 : i32
      %parallel_loop3A_562 = arith.constant 1 : i32
      scf.for %parallel_loop3A_625 = %parallel_loop3A_560 to %parallel_loop3A_561 step %parallel_loop3A_562  : i32 {
        %parallel_loop3A_626 = arith.constant 8 : i32
        %parallel_loop3A_627 = arith.index_cast %parallel_loop3A_626 : i32 to index
        %parallel_loop3A_628 = arith.index_cast %parallel_loop3A_625 : i32 to index
        %parallel_loop3A_629 = arith.constant 0 : index
        %parallel_loop3A_630 = tpu.vector_load %arg6[%parallel_loop3A_627, %parallel_loop3A_628, %parallel_loop3A_629] {strides = array<i32>} : memref<10x64x128xf32, #tpu.memory_space<vmem>>, vector<1x1x16xf32>,
        %parallel_loop3A_631 = vector.shape_cast %parallel_loop3A_630 : vector<1x1x16xf32> to vector<16xf32>
        %parallel_loop3A_632 = arith.constant 11.3137083 : f32
        %parallel_loop3A_633 = vector.broadcast %parallel_loop3A_632 : f32 to vector<16xf32>
        %parallel_loop3A_634 = arith.mulf %parallel_loop3A_631, %parallel_loop3A_633 : vector<16xf32>
        %parallel_loop3A_635 = arith.constant 8 : i32
        %parallel_loop3A_636 = arith.index_cast %parallel_loop3A_635 : i32 to index
        %parallel_loop3A_637 = arith.index_cast %parallel_loop3A_625 : i32 to index
        %parallel_loop3A_638 = arith.constant 0 : index
        %parallel_loop3A_639 = tpu.vector_load %arg6[%parallel_loop3A_636, %parallel_loop3A_637, %parallel_loop3A_638] {strides = array<i32>} : memref<10x64x128xf32, #tpu.memory_space<vmem>>, vector<1x1x16xf32>,
        %parallel_loop3A_640 = vector.shape_cast %parallel_loop3A_639 : vector<1x1x16xf32> to vector<16xf32>
        %parallel_loop3A_641 = vector.shape_cast %parallel_loop3A_634 : vector<16xf32> to vector<1x1x16xf32>
        tpu.vector_store %arg6[%parallel_loop3A_636, %parallel_loop3A_637, %parallel_loop3A_638], %parallel_loop3A_641 {strides = array<i32>} : memref<10x64x128xf32, #tpu.memory_space<vmem>>, vector<1x1x16xf32>,
        %parallel_loop3A_642 = arith.constant 8 : i32
        %parallel_loop3A_643 = arith.index_cast %parallel_loop3A_642 : i32 to index
        %parallel_loop3A_644 = arith.index_cast %parallel_loop3A_625 : i32 to index
        %parallel_loop3A_645 = arith.constant 16 : index
        %parallel_loop3A_646 = tpu.vector_load %arg6[%parallel_loop3A_643, %parallel_loop3A_644, %parallel_loop3A_645] {strides = array<i32>} : memref<10x64x128xf32, #tpu.memory_space<vmem>>, vector<1x1x16xf32>,
        %parallel_loop3A_647 = vector.shape_cast %parallel_loop3A_646 : vector<1x1x16xf32> to vector<16xf32>
        %parallel_loop3A_648 = arith.constant 11.3137083 : f32
        %parallel_loop3A_649 = vector.broadcast %parallel_loop3A_648 : f32 to vector<16xf32>
        %parallel_loop3A_650 = arith.mulf %parallel_loop3A_647, %parallel_loop3A_649 : vector<16xf32>
        %parallel_loop3A_651 = arith.constant 8 : i32
        %parallel_loop3A_652 = arith.index_cast %parallel_loop3A_651 : i32 to index
        %parallel_loop3A_653 = arith.index_cast %parallel_loop3A_625 : i32 to index
        %parallel_loop3A_654 = arith.constant 16 : index
        %parallel_loop3A_655 = tpu.vector_load %arg6[%parallel_loop3A_652, %parallel_loop3A_653, %parallel_loop3A_654] {strides = array<i32>} : memref<10x64x128xf32, #tpu.memory_space<vmem>>, vector<1x1x16xf32>,
        %parallel_loop3A_656 = vector.shape_cast %parallel_loop3A_655 : vector<1x1x16xf32> to vector<16xf32>
        %parallel_loop3A_657 = vector.shape_cast %parallel_loop3A_650 : vector<16xf32> to vector<1x1x16xf32>
        tpu.vector_store %arg6[%parallel_loop3A_652, %parallel_loop3A_653, %parallel_loop3A_654], %parallel_loop3A_657 {strides = array<i32>} : memref<10x64x128xf32, #tpu.memory_space<vmem>>, vector<1x1x16xf32>,
        %parallel_loop3A_658 = arith.constant 8 : i32
        %parallel_loop3A_659 = arith.index_cast %parallel_loop3A_658 : i32 to index
        %parallel_loop3A_660 = arith.index_cast %parallel_loop3A_625 : i32 to index
        %parallel_loop3A_661 = arith.constant 32 : index
        %parallel_loop3A_662 = tpu.vector_load %arg6[%parallel_loop3A_659, %parallel_loop3A_660, %parallel_loop3A_661] {strides = array<i32>} : memref<10x64x128xf32, #tpu.memory_space<vmem>>, vector<1x1x16xf32>,
        %parallel_loop3A_663 = vector.shape_cast %parallel_loop3A_662 : vector<1x1x16xf32> to vector<16xf32>
        %parallel_loop3A_664 = arith.constant 11.3137083 : f32
        %parallel_loop3A_665 = vector.broadcast %parallel_loop3A_664 : f32 to vector<16xf32>
        %parallel_loop3A_666 = arith.mulf %parallel_loop3A_663, %parallel_loop3A_665 : vector<16xf32>
        %parallel_loop3A_667 = arith.constant 8 : i32
        %parallel_loop3A_668 = arith.index_cast %parallel_loop3A_667 : i32 to index
        %parallel_loop3A_669 = arith.index_cast %parallel_loop3A_625 : i32 to index
        %parallel_loop3A_670 = arith.constant 32 : index
        %parallel_loop3A_671 = tpu.vector_load %arg6[%parallel_loop3A_668, %parallel_loop3A_669, %parallel_loop3A_670] {strides = array<i32>} : memref<10x64x128xf32, #tpu.memory_space<vmem>>, vector<1x1x16xf32>,
        %parallel_loop3A_672 = vector.shape_cast %parallel_loop3A_671 : vector<1x1x16xf32> to vector<16xf32>
        %parallel_loop3A_673 = vector.shape_cast %parallel_loop3A_666 : vector<16xf32> to vector<1x1x16xf32>
        tpu.vector_store %arg6[%parallel_loop3A_668, %parallel_loop3A_669, %parallel_loop3A_670], %parallel_loop3A_673 {strides = array<i32>} : memref<10x64x128xf32, #tpu.memory_space<vmem>>, vector<1x1x16xf32>,
        %parallel_loop3A_674 = arith.constant 8 : i32
        %parallel_loop3A_675 = arith.index_cast %parallel_loop3A_674 : i32 to index
        %parallel_loop3A_676 = arith.index_cast %parallel_loop3A_625 : i32 to index
        %parallel_loop3A_677 = arith.constant 48 : index
        %parallel_loop3A_678 = tpu.vector_load %arg6[%parallel_loop3A_675, %parallel_loop3A_676, %parallel_loop3A_677] {strides = array<i32>} : memref<10x64x128xf32, #tpu.memory_space<vmem>>, vector<1x1x16xf32>,
        %parallel_loop3A_679 = vector.shape_cast %parallel_loop3A_678 : vector<1x1x16xf32> to vector<16xf32>
        %parallel_loop3A_680 = arith.constant 11.3137083 : f32
        %parallel_loop3A_681 = vector.broadcast %parallel_loop3A_680 : f32 to vector<16xf32>
        %parallel_loop3A_682 = arith.mulf %parallel_loop3A_679, %parallel_loop3A_681 : vector<16xf32>
        %parallel_loop3A_683 = arith.constant 8 : i32
        %parallel_loop3A_684 = arith.index_cast %parallel_loop3A_683 : i32 to index
        %parallel_loop3A_685 = arith.index_cast %parallel_loop3A_625 : i32 to index
        %parallel_loop3A_686 = arith.constant 48 : index
        %parallel_loop3A_687 = tpu.vector_load %arg6[%parallel_loop3A_684, %parallel_loop3A_685, %parallel_loop3A_686] {strides = array<i32>} : memref<10x64x128xf32, #tpu.memory_space<vmem>>, vector<1x1x16xf32>,
        %parallel_loop3A_688 = vector.shape_cast %parallel_loop3A_687 : vector<1x1x16xf32> to vector<16xf32>
        %parallel_loop3A_689 = vector.shape_cast %parallel_loop3A_682 : vector<16xf32> to vector<1x1x16xf32>
        tpu.vector_store %arg6[%parallel_loop3A_684, %parallel_loop3A_685, %parallel_loop3A_686], %parallel_loop3A_689 {strides = array<i32>} : memref<10x64x128xf32, #tpu.memory_space<vmem>>, vector<1x1x16xf32>,
        %parallel_loop3A_690 = arith.constant 8 : i32
        %parallel_loop3A_691 = arith.index_cast %parallel_loop3A_690 : i32 to index
        %parallel_loop3A_692 = arith.index_cast %parallel_loop3A_625 : i32 to index
        %parallel_loop3A_693 = arith.constant 64 : index
        %parallel_loop3A_694 = tpu.vector_load %arg6[%parallel_loop3A_691, %parallel_loop3A_692, %parallel_loop3A_693] {strides = array<i32>} : memref<10x64x128xf32, #tpu.memory_space<vmem>>, vector<1x1x16xf32>,
        %parallel_loop3A_695 = vector.shape_cast %parallel_loop3A_694 : vector<1x1x16xf32> to vector<16xf32>
        %parallel_loop3A_696 = arith.constant 11.3137083 : f32
        %parallel_loop3A_697 = vector.broadcast %parallel_loop3A_696 : f32 to vector<16xf32>
        %parallel_loop3A_698 = arith.mulf %parallel_loop3A_695, %parallel_loop3A_697 : vector<16xf32>
        %parallel_loop3A_699 = arith.constant 8 : i32
        %parallel_loop3A_700 = arith.index_cast %parallel_loop3A_699 : i32 to index
        %parallel_loop3A_701 = arith.index_cast %parallel_loop3A_625 : i32 to index
        %parallel_loop3A_702 = arith.constant 64 : index
        %parallel_loop3A_703 = tpu.vector_load %arg6[%parallel_loop3A_700, %parallel_loop3A_701, %parallel_loop3A_702] {strides = array<i32>} : memref<10x64x128xf32, #tpu.memory_space<vmem>>, vector<1x1x16xf32>,
        %parallel_loop3A_704 = vector.shape_cast %parallel_loop3A_703 : vector<1x1x16xf32> to vector<16xf32>
        %parallel_loop3A_705 = vector.shape_cast %parallel_loop3A_698 : vector<16xf32> to vector<1x1x16xf32>
        tpu.vector_store %arg6[%parallel_loop3A_700, %parallel_loop3A_701, %parallel_loop3A_702], %parallel_loop3A_705 {strides = array<i32>} : memref<10x64x128xf32, #tpu.memory_space<vmem>>, vector<1x1x16xf32>,
        %parallel_loop3A_706 = arith.constant 8 : i32
        %parallel_loop3A_707 = arith.index_cast %parallel_loop3A_706 : i32 to index
        %parallel_loop3A_708 = arith.index_cast %parallel_loop3A_625 : i32 to index
        %parallel_loop3A_709 = arith.constant 80 : index
        %parallel_loop3A_710 = tpu.vector_load %arg6[%parallel_loop3A_707, %parallel_loop3A_708, %parallel_loop3A_709] {strides = array<i32>} : memref<10x64x128xf32, #tpu.memory_space<vmem>>, vector<1x1x16xf32>,
        %parallel_loop3A_711 = vector.shape_cast %parallel_loop3A_710 : vector<1x1x16xf32> to vector<16xf32>
        %parallel_loop3A_712 = arith.constant 11.3137083 : f32
        %parallel_loop3A_713 = vector.broadcast %parallel_loop3A_712 : f32 to vector<16xf32>
        %parallel_loop3A_714 = arith.mulf %parallel_loop3A_711, %parallel_loop3A_713 : vector<16xf32>
        %parallel_loop3A_715 = arith.constant 8 : i32
        %parallel_loop3A_716 = arith.index_cast %parallel_loop3A_715 : i32 to index
        %parallel_loop3A_717 = arith.index_cast %parallel_loop3A_625 : i32 to index
        %parallel_loop3A_718 = arith.constant 80 : index
        %parallel_loop3A_719 = tpu.vector_load %arg6[%parallel_loop3A_716, %parallel_loop3A_717, %parallel_loop3A_718] {strides = array<i32>} : memref<10x64x128xf32, #tpu.memory_space<vmem>>, vector<1x1x16xf32>,
        %parallel_loop3A_720 = vector.shape_cast %parallel_loop3A_719 : vector<1x1x16xf32> to vector<16xf32>
        %parallel_loop3A_721 = vector.shape_cast %parallel_loop3A_714 : vector<16xf32> to vector<1x1x16xf32>
        tpu.vector_store %arg6[%parallel_loop3A_716, %parallel_loop3A_717, %parallel_loop3A_718], %parallel_loop3A_721 {strides = array<i32>} : memref<10x64x128xf32, #tpu.memory_space<vmem>>, vector<1x1x16xf32>,
        %parallel_loop3A_722 = arith.constant 8 : i32
        %parallel_loop3A_723 = arith.index_cast %parallel_loop3A_722 : i32 to index
        %parallel_loop3A_724 = arith.index_cast %parallel_loop3A_625 : i32 to index
        %parallel_loop3A_725 = arith.constant 96 : index
        %parallel_loop3A_726 = tpu.vector_load %arg6[%parallel_loop3A_723, %parallel_loop3A_724, %parallel_loop3A_725] {strides = array<i32>} : memref<10x64x128xf32, #tpu.memory_space<vmem>>, vector<1x1x16xf32>,
        %parallel_loop3A_727 = vector.shape_cast %parallel_loop3A_726 : vector<1x1x16xf32> to vector<16xf32>
        %parallel_loop3A_728 = arith.constant 11.3137083 : f32
        %parallel_loop3A_729 = vector.broadcast %parallel_loop3A_728 : f32 to vector<16xf32>
        %parallel_loop3A_730 = arith.mulf %parallel_loop3A_727, %parallel_loop3A_729 : vector<16xf32>
        %parallel_loop3A_731 = arith.constant 8 : i32
        %parallel_loop3A_732 = arith.index_cast %parallel_loop3A_731 : i32 to index
        %parallel_loop3A_733 = arith.index_cast %parallel_loop3A_625 : i32 to index
        %parallel_loop3A_734 = arith.constant 96 : index
        %parallel_loop3A_735 = tpu.vector_load %arg6[%parallel_loop3A_732, %parallel_loop3A_733, %parallel_loop3A_734] {strides = array<i32>} : memref<10x64x128xf32, #tpu.memory_space<vmem>>, vector<1x1x16xf32>,
        %parallel_loop3A_736 = vector.shape_cast %parallel_loop3A_735 : vector<1x1x16xf32> to vector<16xf32>
        %parallel_loop3A_737 = vector.shape_cast %parallel_loop3A_730 : vector<16xf32> to vector<1x1x16xf32>
        tpu.vector_store %arg6[%parallel_loop3A_732, %parallel_loop3A_733, %parallel_loop3A_734], %parallel_loop3A_737 {strides = array<i32>} : memref<10x64x128xf32, #tpu.memory_space<vmem>>, vector<1x1x16xf32>,
        %parallel_loop3A_738 = arith.constant 8 : i32
        %parallel_loop3A_739 = arith.index_cast %parallel_loop3A_738 : i32 to index
        %parallel_loop3A_740 = arith.index_cast %parallel_loop3A_625 : i32 to index
        %parallel_loop3A_741 = arith.constant 112 : index
        %parallel_loop3A_742 = tpu.vector_load %arg6[%parallel_loop3A_739, %parallel_loop3A_740, %parallel_loop3A_741] {strides = array<i32>} : memref<10x64x128xf32, #tpu.memory_space<vmem>>, vector<1x1x16xf32>,
        %parallel_loop3A_743 = vector.shape_cast %parallel_loop3A_742 : vector<1x1x16xf32> to vector<16xf32>
        %parallel_loop3A_744 = arith.constant 11.3137083 : f32
        %parallel_loop3A_745 = vector.broadcast %parallel_loop3A_744 : f32 to vector<16xf32>
        %parallel_loop3A_746 = arith.mulf %parallel_loop3A_743, %parallel_loop3A_745 : vector<16xf32>
        %parallel_loop3A_747 = arith.constant 8 : i32
        %parallel_loop3A_748 = arith.index_cast %parallel_loop3A_747 : i32 to index
        %parallel_loop3A_749 = arith.index_cast %parallel_loop3A_625 : i32 to index
        %parallel_loop3A_750 = arith.constant 112 : index
        %parallel_loop3A_751 = tpu.vector_load %arg6[%parallel_loop3A_748, %parallel_loop3A_749, %parallel_loop3A_750] {strides = array<i32>} : memref<10x64x128xf32, #tpu.memory_space<vmem>>, vector<1x1x16xf32>,
        %parallel_loop3A_752 = vector.shape_cast %parallel_loop3A_751 : vector<1x1x16xf32> to vector<16xf32>
        %parallel_loop3A_753 = vector.shape_cast %parallel_loop3A_746 : vector<16xf32> to vector<1x1x16xf32>
        tpu.vector_store %arg6[%parallel_loop3A_748, %parallel_loop3A_749, %parallel_loop3A_750], %parallel_loop3A_753 {strides = array<i32>} : memref<10x64x128xf32, #tpu.memory_space<vmem>>, vector<1x1x16xf32>,
      } {sc.loop_unroll_factor = 2 : i64, sc.parallel_access}
      %mul3A_563 = arith.constant 64 : i32
      %mul3A_564 = arith.muli %add3A_548, %mul3A_563 : i32
      %add3A_565 = arith.addi %mul3A_2, %mul3A_564 : i32
      %dma_start3A_566 = arith.constant 8 : i32
      %dma_start3A_567 = arith.constant 0 : i32
      %dma_start3A_568 = arith.constant 0 : i32
      %dma_start3A_569 = tpu.memref_slice %arg6[%dma_start3A_566, %dma_start3A_567, %dma_start3A_568] : memref<10x64x128xf32, #tpu.memory_space<vmem>> -> memref<1x64x128xf32, #tpu.memory_space<vmem>>
      %dma_start3A_570 = tpu.memref_squeeze %dma_start3A_569 : memref<1x64x128xf32, #tpu.memory_space<vmem>> -> memref<64x128xf32, #tpu.memory_space<vmem>>
      %dma_start3A_571 = arith.constant 0 : i32
      %dma_start3A_572 = tpu.memref_slice %arg4[%add3A_565, %dma_start3A_571] : memref<204800x128xf32, #tpu.memory_space<hbm>> -> memref<64x128xf32, #tpu.memory_space<hbm>>
      %dma_start3A_573 = arith.constant 0 : i32
      %dma_start3A_574 = tpu.memref_slice %arg4[%add3A_565, %dma_start3A_573] : memref<204800x128xf32, #tpu.memory_space<hbm>> -> memref<64x128xf32, #tpu.memory_space<hbm>>
      %dma_start3A_575 = arith.constant 0 : i32
      %dma_start3A_576 = arith.constant 0 : i32
      %dma_start3A_577 = tpu.memref_slice %arg6[%dma_start3A_566, %dma_start3A_575, %dma_start3A_576] : memref<10x64x128xf32, #tpu.memory_space<vmem>> -> memref<1x64x128xf32, #tpu.memory_space<vmem>>
      %dma_start3A_578 = tpu.memref_squeeze %dma_start3A_577 : memref<1x64x128xf32, #tpu.memory_space<vmem>> -> memref<64x128xf32, #tpu.memory_space<vmem>>
      tpu.enqueue_dma source(%dma_start3A_578 : memref<64x128xf32, #tpu.memory_space<vmem>>) target(%dma_start3A_574 : memref<64x128xf32, #tpu.memory_space<hbm>>) target_semaphore(%arg25 : memref<!tpu.dma_semaphore, #tpu.memory_space<semaphore_mem>>)
      %add3A_579 = arith.constant 8 : i32
      %add3A_580 = arith.addi %add3A_548, %add3A_579 : i32
      %lt3A_581 = arith.constant 100 : i32
      %lt3A_582 = arith.cmpi slt, %add3A_580, %lt3A_581 : i32
      %convert_element_type3A_583 = arith.extui %lt3A_582 : i1 to i32
      %cond3A_584 = arith.constant 0 : i32
      %cond3A_585 = arith.cmpi ne, %convert_element_type3A_583, %cond3A_584 : i32
      scf.if %cond3A_585 {
        %ge3A = arith.constant 2 : i32
        %ge3A_625 = arith.cmpi sge, %add3A_548, %ge3A : i32
        %convert_element_type3A_626 = arith.extui %ge3A_625 : i1 to i32
        %cond3A_627 = arith.constant 0 : i32
        %cond3A_628 = arith.cmpi ne, %convert_element_type3A_626, %cond3A_627 : i32
        scf.if %cond3A_628 {
          %sub3A = arith.constant 10 : i32
          %sub3A_640 = arith.subi %add3A_580, %sub3A : i32
          %mul3A_641 = arith.constant 64 : i32
          %mul3A_642 = arith.muli %sub3A_640, %mul3A_641 : i32
          %add3A_643 = arith.addi %mul3A_2, %mul3A_642 : i32
          %dma_wait3A_644 = arith.constant 6 : i32
          %dma_wait3A_645 = arith.constant 0 : i32
          %dma_wait3A_646 = arith.constant 0 : i32
          %dma_wait3A_647 = tpu.memref_slice %arg6[%dma_wait3A_644, %dma_wait3A_645, %dma_wait3A_646] : memref<10x64x128xf32, #tpu.memory_space<vmem>> -> memref<1x64x128xf32, #tpu.memory_space<vmem>>
          %dma_wait3A_648 = tpu.memref_squeeze %dma_wait3A_647 : memref<1x64x128xf32, #tpu.memory_space<vmem>> -> memref<64x128xf32, #tpu.memory_space<vmem>>
          %dma_wait3A_649 = arith.constant 0 : i32
          %dma_wait3A_650 = tpu.memref_slice %arg4[%add3A_643, %dma_wait3A_649] : memref<204800x128xf32, #tpu.memory_space<hbm>> -> memref<64x128xf32, #tpu.memory_space<hbm>>
          %dma_wait3A_651 = arith.constant 0 : i32
          %dma_wait3A_652 = tpu.memref_slice %arg4[%add3A_643, %dma_wait3A_651] : memref<204800x128xf32, #tpu.memory_space<hbm>> -> memref<64x128xf32, #tpu.memory_space<hbm>>
          %dma_wait3A_653 = arith.constant 0 : i32
          %dma_wait3A_654 = arith.constant 0 : i32
          %dma_wait3A_655 = tpu.memref_slice %arg6[%dma_wait3A_644, %dma_wait3A_653, %dma_wait3A_654] : memref<10x64x128xf32, #tpu.memory_space<vmem>> -> memref<1x64x128xf32, #tpu.memory_space<vmem>>
          %dma_wait3A_656 = tpu.memref_squeeze %dma_wait3A_655 : memref<1x64x128xf32, #tpu.memory_space<vmem>> -> memref<64x128xf32, #tpu.memory_space<vmem>>
          tpu.wait_dma2 semaphore(%arg23 : memref<!tpu.dma_semaphore, #tpu.memory_space<semaphore_mem>>) src(%dma_wait3A_656 : memref<64x128xf32, #tpu.memory_space<vmem>>) dst(%dma_wait3A_652 : memref<64x128xf32, #tpu.memory_space<hbm>>)
        } else {
        }
        %mul3A_629 = arith.constant 64 : i32
        %mul3A_630 = arith.muli %add3A_580, %mul3A_629 : i32
        %dma_start3A_631 = arith.constant 6 : i32
        %dma_start3A_632 = arith.constant 0 : i32
        %dma_start3A_633 = arith.constant 0 : i32
        %dma_start3A_634 = tpu.memref_slice %arg6[%dma_start3A_631, %dma_start3A_632, %dma_start3A_633] : memref<10x64x128xf32, #tpu.memory_space<vmem>> -> memref<1x64x128xf32, #tpu.memory_space<vmem>>
        %dma_start3A_635 = tpu.memref_squeeze %dma_start3A_634 : memref<1x64x128xf32, #tpu.memory_space<vmem>> -> memref<64x128xf32, #tpu.memory_space<vmem>>
        %dma_start3A_636 = tpu.memref_slice %arg5[%mul3A_630] : memref<6400xi32, #tpu.memory_space<vmem>> -> memref<64xi32, #tpu.memory_space<vmem>>
        %dma_start3A_637 = arith.constant 0 : i32
        %dma_start3A_638 = arith.constant 0 : i32
        %dma_start3A_639 = tpu.memref_slice %arg2[%dma_start3A_637, %dma_start3A_638] : memref<1000000x128xf32, #tpu.memory_space<hbm>> -> memref<1000000x128xf32, #tpu.memory_space<hbm>>
        tpu.enqueue_indirect_dma source(%dma_start3A_639 : memref<1000000x128xf32, #tpu.memory_space<hbm>>) target(%dma_start3A_635 : memref<64x128xf32, #tpu.memory_space<vmem>>) offsets(%dma_start3A_636 : memref<64xi32, #tpu.memory_space<vmem>>) semaphore(%arg13 : memref<!tpu.dma_semaphore, #tpu.memory_space<semaphore_mem>>)
      } else {
      }
      %add3A_586 = arith.constant 9 : i32
      %add3A_587 = arith.addi %mul3A_238, %add3A_586 : i32
      %mul3A_588 = arith.constant 64 : i32
      %mul3A_589 = arith.muli %add3A_587, %mul3A_588 : i32
      %dma_wait3A_590 = arith.constant 9 : i32
      %dma_wait3A_591 = arith.constant 0 : i32
      %dma_wait3A_592 = arith.constant 0 : i32
      %dma_wait3A_593 = tpu.memref_slice %arg6[%dma_wait3A_590, %dma_wait3A_591, %dma_wait3A_592] : memref<10x64x128xf32, #tpu.memory_space<vmem>> -> memref<1x64x128xf32, #tpu.memory_space<vmem>>
      %dma_wait3A_594 = tpu.memref_squeeze %dma_wait3A_593 : memref<1x64x128xf32, #tpu.memory_space<vmem>> -> memref<64x128xf32, #tpu.memory_space<vmem>>
      %dma_wait3A_595 = tpu.memref_slice %arg5[%mul3A_589] : memref<6400xi32, #tpu.memory_space<vmem>> -> memref<64xi32, #tpu.memory_space<vmem>>
      %dma_wait3A_596 = arith.constant 0 : i32
      %dma_wait3A_597 = arith.constant 0 : i32
      %dma_wait3A_598 = tpu.memref_slice %arg2[%dma_wait3A_596, %dma_wait3A_597] : memref<1000000x128xf32, #tpu.memory_space<hbm>> -> memref<1000000x128xf32, #tpu.memory_space<hbm>>
      tpu.wait_indirect_dma semaphore(%arg16 : memref<!tpu.dma_semaphore, #tpu.memory_space<semaphore_mem>>) src(%dma_wait3A_598 : memref<1000000x128xf32, #tpu.memory_space<hbm>>) dst(%dma_wait3A_594 : memref<64x128xf32, #tpu.memory_space<vmem>>)
      %parallel_loop3A_599 = arith.constant 0 : i32
      %parallel_loop3A_600 = arith.constant 64 : i32
      %parallel_loop3A_601 = arith.constant 1 : i32
      scf.for %parallel_loop3A_625 = %parallel_loop3A_599 to %parallel_loop3A_600 step %parallel_loop3A_601  : i32 {
        %parallel_loop3A_626 = arith.constant 9 : i32
        %parallel_loop3A_627 = arith.index_cast %parallel_loop3A_626 : i32 to index
        %parallel_loop3A_628 = arith.index_cast %parallel_loop3A_625 : i32 to index
        %parallel_loop3A_629 = arith.constant 0 : index
        %parallel_loop3A_630 = tpu.vector_load %arg6[%parallel_loop3A_627, %parallel_loop3A_628, %parallel_loop3A_629] {strides = array<i32>} : memref<10x64x128xf32, #tpu.memory_space<vmem>>, vector<1x1x16xf32>,
        %parallel_loop3A_631 = vector.shape_cast %parallel_loop3A_630 : vector<1x1x16xf32> to vector<16xf32>
        %parallel_loop3A_632 = arith.constant 11.3137083 : f32
        %parallel_loop3A_633 = vector.broadcast %parallel_loop3A_632 : f32 to vector<16xf32>
        %parallel_loop3A_634 = arith.mulf %parallel_loop3A_631, %parallel_loop3A_633 : vector<16xf32>
        %parallel_loop3A_635 = arith.constant 9 : i32
        %parallel_loop3A_636 = arith.index_cast %parallel_loop3A_635 : i32 to index
        %parallel_loop3A_637 = arith.index_cast %parallel_loop3A_625 : i32 to index
        %parallel_loop3A_638 = arith.constant 0 : index
        %parallel_loop3A_639 = tpu.vector_load %arg6[%parallel_loop3A_636, %parallel_loop3A_637, %parallel_loop3A_638] {strides = array<i32>} : memref<10x64x128xf32, #tpu.memory_space<vmem>>, vector<1x1x16xf32>,
        %parallel_loop3A_640 = vector.shape_cast %parallel_loop3A_639 : vector<1x1x16xf32> to vector<16xf32>
        %parallel_loop3A_641 = vector.shape_cast %parallel_loop3A_634 : vector<16xf32> to vector<1x1x16xf32>
        tpu.vector_store %arg6[%parallel_loop3A_636, %parallel_loop3A_637, %parallel_loop3A_638], %parallel_loop3A_641 {strides = array<i32>} : memref<10x64x128xf32, #tpu.memory_space<vmem>>, vector<1x1x16xf32>,
        %parallel_loop3A_642 = arith.constant 9 : i32
        %parallel_loop3A_643 = arith.index_cast %parallel_loop3A_642 : i32 to index
        %parallel_loop3A_644 = arith.index_cast %parallel_loop3A_625 : i32 to index
        %parallel_loop3A_645 = arith.constant 16 : index
        %parallel_loop3A_646 = tpu.vector_load %arg6[%parallel_loop3A_643, %parallel_loop3A_644, %parallel_loop3A_645] {strides = array<i32>} : memref<10x64x128xf32, #tpu.memory_space<vmem>>, vector<1x1x16xf32>,
        %parallel_loop3A_647 = vector.shape_cast %parallel_loop3A_646 : vector<1x1x16xf32> to vector<16xf32>
        %parallel_loop3A_648 = arith.constant 11.3137083 : f32
        %parallel_loop3A_649 = vector.broadcast %parallel_loop3A_648 : f32 to vector<16xf32>
        %parallel_loop3A_650 = arith.mulf %parallel_loop3A_647, %parallel_loop3A_649 : vector<16xf32>
        %parallel_loop3A_651 = arith.constant 9 : i32
        %parallel_loop3A_652 = arith.index_cast %parallel_loop3A_651 : i32 to index
        %parallel_loop3A_653 = arith.index_cast %parallel_loop3A_625 : i32 to index
        %parallel_loop3A_654 = arith.constant 16 : index
        %parallel_loop3A_655 = tpu.vector_load %arg6[%parallel_loop3A_652, %parallel_loop3A_653, %parallel_loop3A_654] {strides = array<i32>} : memref<10x64x128xf32, #tpu.memory_space<vmem>>, vector<1x1x16xf32>,
        %parallel_loop3A_656 = vector.shape_cast %parallel_loop3A_655 : vector<1x1x16xf32> to vector<16xf32>
        %parallel_loop3A_657 = vector.shape_cast %parallel_loop3A_650 : vector<16xf32> to vector<1x1x16xf32>
        tpu.vector_store %arg6[%parallel_loop3A_652, %parallel_loop3A_653, %parallel_loop3A_654], %parallel_loop3A_657 {strides = array<i32>} : memref<10x64x128xf32, #tpu.memory_space<vmem>>, vector<1x1x16xf32>,
        %parallel_loop3A_658 = arith.constant 9 : i32
        %parallel_loop3A_659 = arith.index_cast %parallel_loop3A_658 : i32 to index
        %parallel_loop3A_660 = arith.index_cast %parallel_loop3A_625 : i32 to index
        %parallel_loop3A_661 = arith.constant 32 : index
        %parallel_loop3A_662 = tpu.vector_load %arg6[%parallel_loop3A_659, %parallel_loop3A_660, %parallel_loop3A_661] {strides = array<i32>} : memref<10x64x128xf32, #tpu.memory_space<vmem>>, vector<1x1x16xf32>,
        %parallel_loop3A_663 = vector.shape_cast %parallel_loop3A_662 : vector<1x1x16xf32> to vector<16xf32>
        %parallel_loop3A_664 = arith.constant 11.3137083 : f32
        %parallel_loop3A_665 = vector.broadcast %parallel_loop3A_664 : f32 to vector<16xf32>
        %parallel_loop3A_666 = arith.mulf %parallel_loop3A_663, %parallel_loop3A_665 : vector<16xf32>
        %parallel_loop3A_667 = arith.constant 9 : i32
        %parallel_loop3A_668 = arith.index_cast %parallel_loop3A_667 : i32 to index
        %parallel_loop3A_669 = arith.index_cast %parallel_loop3A_625 : i32 to index
        %parallel_loop3A_670 = arith.constant 32 : index
        %parallel_loop3A_671 = tpu.vector_load %arg6[%parallel_loop3A_668, %parallel_loop3A_669, %parallel_loop3A_670] {strides = array<i32>} : memref<10x64x128xf32, #tpu.memory_space<vmem>>, vector<1x1x16xf32>,
        %parallel_loop3A_672 = vector.shape_cast %parallel_loop3A_671 : vector<1x1x16xf32> to vector<16xf32>
        %parallel_loop3A_673 = vector.shape_cast %parallel_loop3A_666 : vector<16xf32> to vector<1x1x16xf32>
        tpu.vector_store %arg6[%parallel_loop3A_668, %parallel_loop3A_669, %parallel_loop3A_670], %parallel_loop3A_673 {strides = array<i32>} : memref<10x64x128xf32, #tpu.memory_space<vmem>>, vector<1x1x16xf32>,
        %parallel_loop3A_674 = arith.constant 9 : i32
        %parallel_loop3A_675 = arith.index_cast %parallel_loop3A_674 : i32 to index
        %parallel_loop3A_676 = arith.index_cast %parallel_loop3A_625 : i32 to index
        %parallel_loop3A_677 = arith.constant 48 : index
        %parallel_loop3A_678 = tpu.vector_load %arg6[%parallel_loop3A_675, %parallel_loop3A_676, %parallel_loop3A_677] {strides = array<i32>} : memref<10x64x128xf32, #tpu.memory_space<vmem>>, vector<1x1x16xf32>,
        %parallel_loop3A_679 = vector.shape_cast %parallel_loop3A_678 : vector<1x1x16xf32> to vector<16xf32>
        %parallel_loop3A_680 = arith.constant 11.3137083 : f32
        %parallel_loop3A_681 = vector.broadcast %parallel_loop3A_680 : f32 to vector<16xf32>
        %parallel_loop3A_682 = arith.mulf %parallel_loop3A_679, %parallel_loop3A_681 : vector<16xf32>
        %parallel_loop3A_683 = arith.constant 9 : i32
        %parallel_loop3A_684 = arith.index_cast %parallel_loop3A_683 : i32 to index
        %parallel_loop3A_685 = arith.index_cast %parallel_loop3A_625 : i32 to index
        %parallel_loop3A_686 = arith.constant 48 : index
        %parallel_loop3A_687 = tpu.vector_load %arg6[%parallel_loop3A_684, %parallel_loop3A_685, %parallel_loop3A_686] {strides = array<i32>} : memref<10x64x128xf32, #tpu.memory_space<vmem>>, vector<1x1x16xf32>,
        %parallel_loop3A_688 = vector.shape_cast %parallel_loop3A_687 : vector<1x1x16xf32> to vector<16xf32>
        %parallel_loop3A_689 = vector.shape_cast %parallel_loop3A_682 : vector<16xf32> to vector<1x1x16xf32>
        tpu.vector_store %arg6[%parallel_loop3A_684, %parallel_loop3A_685, %parallel_loop3A_686], %parallel_loop3A_689 {strides = array<i32>} : memref<10x64x128xf32, #tpu.memory_space<vmem>>, vector<1x1x16xf32>,
        %parallel_loop3A_690 = arith.constant 9 : i32
        %parallel_loop3A_691 = arith.index_cast %parallel_loop3A_690 : i32 to index
        %parallel_loop3A_692 = arith.index_cast %parallel_loop3A_625 : i32 to index
        %parallel_loop3A_693 = arith.constant 64 : index
        %parallel_loop3A_694 = tpu.vector_load %arg6[%parallel_loop3A_691, %parallel_loop3A_692, %parallel_loop3A_693] {strides = array<i32>} : memref<10x64x128xf32, #tpu.memory_space<vmem>>, vector<1x1x16xf32>,
        %parallel_loop3A_695 = vector.shape_cast %parallel_loop3A_694 : vector<1x1x16xf32> to vector<16xf32>
        %parallel_loop3A_696 = arith.constant 11.3137083 : f32
        %parallel_loop3A_697 = vector.broadcast %parallel_loop3A_696 : f32 to vector<16xf32>
        %parallel_loop3A_698 = arith.mulf %parallel_loop3A_695, %parallel_loop3A_697 : vector<16xf32>
        %parallel_loop3A_699 = arith.constant 9 : i32
        %parallel_loop3A_700 = arith.index_cast %parallel_loop3A_699 : i32 to index
        %parallel_loop3A_701 = arith.index_cast %parallel_loop3A_625 : i32 to index
        %parallel_loop3A_702 = arith.constant 64 : index
        %parallel_loop3A_703 = tpu.vector_load %arg6[%parallel_loop3A_700, %parallel_loop3A_701, %parallel_loop3A_702] {strides = array<i32>} : memref<10x64x128xf32, #tpu.memory_space<vmem>>, vector<1x1x16xf32>,
        %parallel_loop3A_704 = vector.shape_cast %parallel_loop3A_703 : vector<1x1x16xf32> to vector<16xf32>
        %parallel_loop3A_705 = vector.shape_cast %parallel_loop3A_698 : vector<16xf32> to vector<1x1x16xf32>
        tpu.vector_store %arg6[%parallel_loop3A_700, %parallel_loop3A_701, %parallel_loop3A_702], %parallel_loop3A_705 {strides = array<i32>} : memref<10x64x128xf32, #tpu.memory_space<vmem>>, vector<1x1x16xf32>,
        %parallel_loop3A_706 = arith.constant 9 : i32
        %parallel_loop3A_707 = arith.index_cast %parallel_loop3A_706 : i32 to index
        %parallel_loop3A_708 = arith.index_cast %parallel_loop3A_625 : i32 to index
        %parallel_loop3A_709 = arith.constant 80 : index
        %parallel_loop3A_710 = tpu.vector_load %arg6[%parallel_loop3A_707, %parallel_loop3A_708, %parallel_loop3A_709] {strides = array<i32>} : memref<10x64x128xf32, #tpu.memory_space<vmem>>, vector<1x1x16xf32>,
        %parallel_loop3A_711 = vector.shape_cast %parallel_loop3A_710 : vector<1x1x16xf32> to vector<16xf32>
        %parallel_loop3A_712 = arith.constant 11.3137083 : f32
        %parallel_loop3A_713 = vector.broadcast %parallel_loop3A_712 : f32 to vector<16xf32>
        %parallel_loop3A_714 = arith.mulf %parallel_loop3A_711, %parallel_loop3A_713 : vector<16xf32>
        %parallel_loop3A_715 = arith.constant 9 : i32
        %parallel_loop3A_716 = arith.index_cast %parallel_loop3A_715 : i32 to index
        %parallel_loop3A_717 = arith.index_cast %parallel_loop3A_625 : i32 to index
        %parallel_loop3A_718 = arith.constant 80 : index
        %parallel_loop3A_719 = tpu.vector_load %arg6[%parallel_loop3A_716, %parallel_loop3A_717, %parallel_loop3A_718] {strides = array<i32>} : memref<10x64x128xf32, #tpu.memory_space<vmem>>, vector<1x1x16xf32>,
        %parallel_loop3A_720 = vector.shape_cast %parallel_loop3A_719 : vector<1x1x16xf32> to vector<16xf32>
        %parallel_loop3A_721 = vector.shape_cast %parallel_loop3A_714 : vector<16xf32> to vector<1x1x16xf32>
        tpu.vector_store %arg6[%parallel_loop3A_716, %parallel_loop3A_717, %parallel_loop3A_718], %parallel_loop3A_721 {strides = array<i32>} : memref<10x64x128xf32, #tpu.memory_space<vmem>>, vector<1x1x16xf32>,
        %parallel_loop3A_722 = arith.constant 9 : i32
        %parallel_loop3A_723 = arith.index_cast %parallel_loop3A_722 : i32 to index
        %parallel_loop3A_724 = arith.index_cast %parallel_loop3A_625 : i32 to index
        %parallel_loop3A_725 = arith.constant 96 : index
        %parallel_loop3A_726 = tpu.vector_load %arg6[%parallel_loop3A_723, %parallel_loop3A_724, %parallel_loop3A_725] {strides = array<i32>} : memref<10x64x128xf32, #tpu.memory_space<vmem>>, vector<1x1x16xf32>,
        %parallel_loop3A_727 = vector.shape_cast %parallel_loop3A_726 : vector<1x1x16xf32> to vector<16xf32>
        %parallel_loop3A_728 = arith.constant 11.3137083 : f32
        %parallel_loop3A_729 = vector.broadcast %parallel_loop3A_728 : f32 to vector<16xf32>
        %parallel_loop3A_730 = arith.mulf %parallel_loop3A_727, %parallel_loop3A_729 : vector<16xf32>
        %parallel_loop3A_731 = arith.constant 9 : i32
        %parallel_loop3A_732 = arith.index_cast %parallel_loop3A_731 : i32 to index
        %parallel_loop3A_733 = arith.index_cast %parallel_loop3A_625 : i32 to index
        %parallel_loop3A_734 = arith.constant 96 : index
        %parallel_loop3A_735 = tpu.vector_load %arg6[%parallel_loop3A_732, %parallel_loop3A_733, %parallel_loop3A_734] {strides = array<i32>} : memref<10x64x128xf32, #tpu.memory_space<vmem>>, vector<1x1x16xf32>,
        %parallel_loop3A_736 = vector.shape_cast %parallel_loop3A_735 : vector<1x1x16xf32> to vector<16xf32>
        %parallel_loop3A_737 = vector.shape_cast %parallel_loop3A_730 : vector<16xf32> to vector<1x1x16xf32>
        tpu.vector_store %arg6[%parallel_loop3A_732, %parallel_loop3A_733, %parallel_loop3A_734], %parallel_loop3A_737 {strides = array<i32>} : memref<10x64x128xf32, #tpu.memory_space<vmem>>, vector<1x1x16xf32>,
        %parallel_loop3A_738 = arith.constant 9 : i32
        %parallel_loop3A_739 = arith.index_cast %parallel_loop3A_738 : i32 to index
        %parallel_loop3A_740 = arith.index_cast %parallel_loop3A_625 : i32 to index
        %parallel_loop3A_741 = arith.constant 112 : index
        %parallel_loop3A_742 = tpu.vector_load %arg6[%parallel_loop3A_739, %parallel_loop3A_740, %parallel_loop3A_741] {strides = array<i32>} : memref<10x64x128xf32, #tpu.memory_space<vmem>>, vector<1x1x16xf32>,
        %parallel_loop3A_743 = vector.shape_cast %parallel_loop3A_742 : vector<1x1x16xf32> to vector<16xf32>
        %parallel_loop3A_744 = arith.constant 11.3137083 : f32
        %parallel_loop3A_745 = vector.broadcast %parallel_loop3A_744 : f32 to vector<16xf32>
        %parallel_loop3A_746 = arith.mulf %parallel_loop3A_743, %parallel_loop3A_745 : vector<16xf32>
        %parallel_loop3A_747 = arith.constant 9 : i32
        %parallel_loop3A_748 = arith.index_cast %parallel_loop3A_747 : i32 to index
        %parallel_loop3A_749 = arith.index_cast %parallel_loop3A_625 : i32 to index
        %parallel_loop3A_750 = arith.constant 112 : index
        %parallel_loop3A_751 = tpu.vector_load %arg6[%parallel_loop3A_748, %parallel_loop3A_749, %parallel_loop3A_750] {strides = array<i32>} : memref<10x64x128xf32, #tpu.memory_space<vmem>>, vector<1x1x16xf32>,
        %parallel_loop3A_752 = vector.shape_cast %parallel_loop3A_751 : vector<1x1x16xf32> to vector<16xf32>
        %parallel_loop3A_753 = vector.shape_cast %parallel_loop3A_746 : vector<16xf32> to vector<1x1x16xf32>
        tpu.vector_store %arg6[%parallel_loop3A_748, %parallel_loop3A_749, %parallel_loop3A_750], %parallel_loop3A_753 {strides = array<i32>} : memref<10x64x128xf32, #tpu.memory_space<vmem>>, vector<1x1x16xf32>,
      } {sc.loop_unroll_factor = 2 : i64, sc.parallel_access}
      %mul3A_602 = arith.constant 64 : i32
      %mul3A_603 = arith.muli %add3A_587, %mul3A_602 : i32
      %add3A_604 = arith.addi %mul3A_2, %mul3A_603 : i32
      %dma_start3A_605 = arith.constant 9 : i32
      %dma_start3A_606 = arith.constant 0 : i32
      %dma_start3A_607 = arith.constant 0 : i32
      %dma_start3A_608 = tpu.memref_slice %arg6[%dma_start3A_605, %dma_start3A_606, %dma_start3A_607] : memref<10x64x128xf32, #tpu.memory_space<vmem>> -> memref<1x64x128xf32, #tpu.memory_space<vmem>>
      %dma_start3A_609 = tpu.memref_squeeze %dma_start3A_608 : memref<1x64x128xf32, #tpu.memory_space<vmem>> -> memref<64x128xf32, #tpu.memory_space<vmem>>
      %dma_start3A_610 = arith.constant 0 : i32
      %dma_start3A_611 = tpu.memref_slice %arg4[%add3A_604, %dma_start3A_610] : memref<204800x128xf32, #tpu.memory_space<hbm>> -> memref<64x128xf32, #tpu.memory_space<hbm>>
      %dma_start3A_612 = arith.constant 0 : i32
      %dma_start3A_613 = tpu.memref_slice %arg4[%add3A_604, %dma_start3A_612] : memref<204800x128xf32, #tpu.memory_space<hbm>> -> memref<64x128xf32, #tpu.memory_space<hbm>>
      %dma_start3A_614 = arith.constant 0 : i32
      %dma_start3A_615 = arith.constant 0 : i32
      %dma_start3A_616 = tpu.memref_slice %arg6[%dma_start3A_605, %dma_start3A_614, %dma_start3A_615] : memref<10x64x128xf32, #tpu.memory_space<vmem>> -> memref<1x64x128xf32, #tpu.memory_space<vmem>>
      %dma_start3A_617 = tpu.memref_squeeze %dma_start3A_616 : memref<1x64x128xf32, #tpu.memory_space<vmem>> -> memref<64x128xf32, #tpu.memory_space<vmem>>
      tpu.enqueue_dma source(%dma_start3A_617 : memref<64x128xf32, #tpu.memory_space<vmem>>) target(%dma_start3A_613 : memref<64x128xf32, #tpu.memory_space<hbm>>) target_semaphore(%arg26 : memref<!tpu.dma_semaphore, #tpu.memory_space<semaphore_mem>>)
      %add3A_618 = arith.constant 8 : i32
      %add3A_619 = arith.addi %add3A_587, %add3A_618 : i32
      %lt3A_620 = arith.constant 100 : i32
      %lt3A_621 = arith.cmpi slt, %add3A_619, %lt3A_620 : i32
      %convert_element_type3A_622 = arith.extui %lt3A_621 : i1 to i32
      %cond3A_623 = arith.constant 0 : i32
      %cond3A_624 = arith.cmpi ne, %convert_element_type3A_622, %cond3A_623 : i32
      scf.if %cond3A_624 {
        %ge3A = arith.constant 2 : i32
        %ge3A_625 = arith.cmpi sge, %add3A_587, %ge3A : i32
        %convert_element_type3A_626 = arith.extui %ge3A_625 : i1 to i32
        %cond3A_627 = arith.constant 0 : i32
        %cond3A_628 = arith.cmpi ne, %convert_element_type3A_626, %cond3A_627 : i32
        scf.if %cond3A_628 {
          %sub3A = arith.constant 10 : i32
          %sub3A_640 = arith.subi %add3A_619, %sub3A : i32
          %mul3A_641 = arith.constant 64 : i32
          %mul3A_642 = arith.muli %sub3A_640, %mul3A_641 : i32
          %add3A_643 = arith.addi %mul3A_2, %mul3A_642 : i32
          %dma_wait3A_644 = arith.constant 7 : i32
          %dma_wait3A_645 = arith.constant 0 : i32
          %dma_wait3A_646 = arith.constant 0 : i32
          %dma_wait3A_647 = tpu.memref_slice %arg6[%dma_wait3A_644, %dma_wait3A_645, %dma_wait3A_646] : memref<10x64x128xf32, #tpu.memory_space<vmem>> -> memref<1x64x128xf32, #tpu.memory_space<vmem>>
          %dma_wait3A_648 = tpu.memref_squeeze %dma_wait3A_647 : memref<1x64x128xf32, #tpu.memory_space<vmem>> -> memref<64x128xf32, #tpu.memory_space<vmem>>
          %dma_wait3A_649 = arith.constant 0 : i32
          %dma_wait3A_650 = tpu.memref_slice %arg4[%add3A_643, %dma_wait3A_649] : memref<204800x128xf32, #tpu.memory_space<hbm>> -> memref<64x128xf32, #tpu.memory_space<hbm>>
          %dma_wait3A_651 = arith.constant 0 : i32
          %dma_wait3A_652 = tpu.memref_slice %arg4[%add3A_643, %dma_wait3A_651] : memref<204800x128xf32, #tpu.memory_space<hbm>> -> memref<64x128xf32, #tpu.memory_space<hbm>>
          %dma_wait3A_653 = arith.constant 0 : i32
          %dma_wait3A_654 = arith.constant 0 : i32
          %dma_wait3A_655 = tpu.memref_slice %arg6[%dma_wait3A_644, %dma_wait3A_653, %dma_wait3A_654] : memref<10x64x128xf32, #tpu.memory_space<vmem>> -> memref<1x64x128xf32, #tpu.memory_space<vmem>>
          %dma_wait3A_656 = tpu.memref_squeeze %dma_wait3A_655 : memref<1x64x128xf32, #tpu.memory_space<vmem>> -> memref<64x128xf32, #tpu.memory_space<vmem>>
          tpu.wait_dma2 semaphore(%arg24 : memref<!tpu.dma_semaphore, #tpu.memory_space<semaphore_mem>>) src(%dma_wait3A_656 : memref<64x128xf32, #tpu.memory_space<vmem>>) dst(%dma_wait3A_652 : memref<64x128xf32, #tpu.memory_space<hbm>>)
        } else {
        }
        %mul3A_629 = arith.constant 64 : i32
        %mul3A_630 = arith.muli %add3A_619, %mul3A_629 : i32
        %dma_start3A_631 = arith.constant 7 : i32
        %dma_start3A_632 = arith.constant 0 : i32
        %dma_start3A_633 = arith.constant 0 : i32
        %dma_start3A_634 = tpu.memref_slice %arg6[%dma_start3A_631, %dma_start3A_632, %dma_start3A_633] : memref<10x64x128xf32, #tpu.memory_space<vmem>> -> memref<1x64x128xf32, #tpu.memory_space<vmem>>
        %dma_start3A_635 = tpu.memref_squeeze %dma_start3A_634 : memref<1x64x128xf32, #tpu.memory_space<vmem>> -> memref<64x128xf32, #tpu.memory_space<vmem>>
        %dma_start3A_636 = tpu.memref_slice %arg5[%mul3A_630] : memref<6400xi32, #tpu.memory_space<vmem>> -> memref<64xi32, #tpu.memory_space<vmem>>
        %dma_start3A_637 = arith.constant 0 : i32
        %dma_start3A_638 = arith.constant 0 : i32
        %dma_start3A_639 = tpu.memref_slice %arg2[%dma_start3A_637, %dma_start3A_638] : memref<1000000x128xf32, #tpu.memory_space<hbm>> -> memref<1000000x128xf32, #tpu.memory_space<hbm>>
        tpu.enqueue_indirect_dma source(%dma_start3A_639 : memref<1000000x128xf32, #tpu.memory_space<hbm>>) target(%dma_start3A_635 : memref<64x128xf32, #tpu.memory_space<vmem>>) offsets(%dma_start3A_636 : memref<64xi32, #tpu.memory_space<vmem>>) semaphore(%arg14 : memref<!tpu.dma_semaphore, #tpu.memory_space<semaphore_mem>>)
      } else {
      }
    }
    %scan3A_86 = arith.constant 10 : i32
    %add3A_87 = arith.constant 5760 : i32
    %add3A_88 = arith.addi %mul3A_2, %add3A_87 : i32
    %dma_wait3A = arith.constant 0 : i32
    %dma_wait3A_89 = arith.constant 0 : i32
    %dma_wait3A_90 = arith.constant 0 : i32
    %dma_wait3A_91 = tpu.memref_slice %arg6[%dma_wait3A, %dma_wait3A_89, %dma_wait3A_90] : memref<10x64x128xf32, #tpu.memory_space<vmem>> -> memref<1x64x128xf32, #tpu.memory_space<vmem>>
    %dma_wait3A_92 = tpu.memref_squeeze %dma_wait3A_91 : memref<1x64x128xf32, #tpu.memory_space<vmem>> -> memref<64x128xf32, #tpu.memory_space<vmem>>
    %dma_wait3A_93 = arith.constant 0 : i32
    %dma_wait3A_94 = tpu.memref_slice %arg4[%add3A_88, %dma_wait3A_93] : memref<204800x128xf32, #tpu.memory_space<hbm>> -> memref<64x128xf32, #tpu.memory_space<hbm>>
    %dma_wait3A_95 = arith.constant 0 : i32
    %dma_wait3A_96 = tpu.memref_slice %arg4[%add3A_88, %dma_wait3A_95] : memref<204800x128xf32, #tpu.memory_space<hbm>> -> memref<64x128xf32, #tpu.memory_space<hbm>>
    %dma_wait3A_97 = arith.constant 0 : i32
    %dma_wait3A_98 = arith.constant 0 : i32
    %dma_wait3A_99 = tpu.memref_slice %arg6[%dma_wait3A, %dma_wait3A_97, %dma_wait3A_98] : memref<10x64x128xf32, #tpu.memory_space<vmem>> -> memref<1x64x128xf32, #tpu.memory_space<vmem>>
    %dma_wait3A_100 = tpu.memref_squeeze %dma_wait3A_99 : memref<1x64x128xf32, #tpu.memory_space<vmem>> -> memref<64x128xf32, #tpu.memory_space<vmem>>
    tpu.wait_dma2 semaphore(%arg17 : memref<!tpu.dma_semaphore, #tpu.memory_space<semaphore_mem>>) src(%dma_wait3A_100 : memref<64x128xf32, #tpu.memory_space<vmem>>) dst(%dma_wait3A_96 : memref<64x128xf32, #tpu.memory_space<hbm>>)
    %add3A_101 = arith.constant 5824 : i32
    %add3A_102 = arith.addi %mul3A_2, %add3A_101 : i32
    %dma_wait3A_103 = arith.constant 1 : i32
    %dma_wait3A_104 = arith.constant 0 : i32
    %dma_wait3A_105 = arith.constant 0 : i32
    %dma_wait3A_106 = tpu.memref_slice %arg6[%dma_wait3A_103, %dma_wait3A_104, %dma_wait3A_105] : memref<10x64x128xf32, #tpu.memory_space<vmem>> -> memref<1x64x128xf32, #tpu.memory_space<vmem>>
    %dma_wait3A_107 = tpu.memref_squeeze %dma_wait3A_106 : memref<1x64x128xf32, #tpu.memory_space<vmem>> -> memref<64x128xf32, #tpu.memory_space<vmem>>
    %dma_wait3A_108 = arith.constant 0 : i32
    %dma_wait3A_109 = tpu.memref_slice %arg4[%add3A_102, %dma_wait3A_108] : memref<204800x128xf32, #tpu.memory_space<hbm>> -> memref<64x128xf32, #tpu.memory_space<hbm>>
    %dma_wait3A_110 = arith.constant 0 : i32
    %dma_wait3A_111 = tpu.memref_slice %arg4[%add3A_102, %dma_wait3A_110] : memref<204800x128xf32, #tpu.memory_space<hbm>> -> memref<64x128xf32, #tpu.memory_space<hbm>>
    %dma_wait3A_112 = arith.constant 0 : i32
    %dma_wait3A_113 = arith.constant 0 : i32
    %dma_wait3A_114 = tpu.memref_slice %arg6[%dma_wait3A_103, %dma_wait3A_112, %dma_wait3A_113] : memref<10x64x128xf32, #tpu.memory_space<vmem>> -> memref<1x64x128xf32, #tpu.memory_space<vmem>>
    %dma_wait3A_115 = tpu.memref_squeeze %dma_wait3A_114 : memref<1x64x128xf32, #tpu.memory_space<vmem>> -> memref<64x128xf32, #tpu.memory_space<vmem>>
    tpu.wait_dma2 semaphore(%arg18 : memref<!tpu.dma_semaphore, #tpu.memory_space<semaphore_mem>>) src(%dma_wait3A_115 : memref<64x128xf32, #tpu.memory_space<vmem>>) dst(%dma_wait3A_111 : memref<64x128xf32, #tpu.memory_space<hbm>>)
    %add3A_116 = arith.constant 5888 : i32
    %add3A_117 = arith.addi %mul3A_2, %add3A_116 : i32
    %dma_wait3A_118 = arith.constant 2 : i32
    %dma_wait3A_119 = arith.constant 0 : i32
    %dma_wait3A_120 = arith.constant 0 : i32
    %dma_wait3A_121 = tpu.memref_slice %arg6[%dma_wait3A_118, %dma_wait3A_119, %dma_wait3A_120] : memref<10x64x128xf32, #tpu.memory_space<vmem>> -> memref<1x64x128xf32, #tpu.memory_space<vmem>>
    %dma_wait3A_122 = tpu.memref_squeeze %dma_wait3A_121 : memref<1x64x128xf32, #tpu.memory_space<vmem>> -> memref<64x128xf32, #tpu.memory_space<vmem>>
    %dma_wait3A_123 = arith.constant 0 : i32
    %dma_wait3A_124 = tpu.memref_slice %arg4[%add3A_117, %dma_wait3A_123] : memref<204800x128xf32, #tpu.memory_space<hbm>> -> memref<64x128xf32, #tpu.memory_space<hbm>>
    %dma_wait3A_125 = arith.constant 0 : i32
    %dma_wait3A_126 = tpu.memref_slice %arg4[%add3A_117, %dma_wait3A_125] : memref<204800x128xf32, #tpu.memory_space<hbm>> -> memref<64x128xf32, #tpu.memory_space<hbm>>
    %dma_wait3A_127 = arith.constant 0 : i32
    %dma_wait3A_128 = arith.constant 0 : i32
    %dma_wait3A_129 = tpu.memref_slice %arg6[%dma_wait3A_118, %dma_wait3A_127, %dma_wait3A_128] : memref<10x64x128xf32, #tpu.memory_space<vmem>> -> memref<1x64x128xf32, #tpu.memory_space<vmem>>
    %dma_wait3A_130 = tpu.memref_squeeze %dma_wait3A_129 : memref<1x64x128xf32, #tpu.memory_space<vmem>> -> memref<64x128xf32, #tpu.memory_space<vmem>>
    tpu.wait_dma2 semaphore(%arg19 : memref<!tpu.dma_semaphore, #tpu.memory_space<semaphore_mem>>) src(%dma_wait3A_130 : memref<64x128xf32, #tpu.memory_space<vmem>>) dst(%dma_wait3A_126 : memref<64x128xf32, #tpu.memory_space<hbm>>)
    %add3A_131 = arith.constant 5952 : i32
    %add3A_132 = arith.addi %mul3A_2, %add3A_131 : i32
    %dma_wait3A_133 = arith.constant 3 : i32
    %dma_wait3A_134 = arith.constant 0 : i32
    %dma_wait3A_135 = arith.constant 0 : i32
    %dma_wait3A_136 = tpu.memref_slice %arg6[%dma_wait3A_133, %dma_wait3A_134, %dma_wait3A_135] : memref<10x64x128xf32, #tpu.memory_space<vmem>> -> memref<1x64x128xf32, #tpu.memory_space<vmem>>
    %dma_wait3A_137 = tpu.memref_squeeze %dma_wait3A_136 : memref<1x64x128xf32, #tpu.memory_space<vmem>> -> memref<64x128xf32, #tpu.memory_space<vmem>>
    %dma_wait3A_138 = arith.constant 0 : i32
    %dma_wait3A_139 = tpu.memref_slice %arg4[%add3A_132, %dma_wait3A_138] : memref<204800x128xf32, #tpu.memory_space<hbm>> -> memref<64x128xf32, #tpu.memory_space<hbm>>
    %dma_wait3A_140 = arith.constant 0 : i32
    %dma_wait3A_141 = tpu.memref_slice %arg4[%add3A_132, %dma_wait3A_140] : memref<204800x128xf32, #tpu.memory_space<hbm>> -> memref<64x128xf32, #tpu.memory_space<hbm>>
    %dma_wait3A_142 = arith.constant 0 : i32
    %dma_wait3A_143 = arith.constant 0 : i32
    %dma_wait3A_144 = tpu.memref_slice %arg6[%dma_wait3A_133, %dma_wait3A_142, %dma_wait3A_143] : memref<10x64x128xf32, #tpu.memory_space<vmem>> -> memref<1x64x128xf32, #tpu.memory_space<vmem>>
    %dma_wait3A_145 = tpu.memref_squeeze %dma_wait3A_144 : memref<1x64x128xf32, #tpu.memory_space<vmem>> -> memref<64x128xf32, #tpu.memory_space<vmem>>
    tpu.wait_dma2 semaphore(%arg20 : memref<!tpu.dma_semaphore, #tpu.memory_space<semaphore_mem>>) src(%dma_wait3A_145 : memref<64x128xf32, #tpu.memory_space<vmem>>) dst(%dma_wait3A_141 : memref<64x128xf32, #tpu.memory_space<hbm>>)
    %add3A_146 = arith.constant 6016 : i32
    %add3A_147 = arith.addi %mul3A_2, %add3A_146 : i32
    %dma_wait3A_148 = arith.constant 4 : i32
    %dma_wait3A_149 = arith.constant 0 : i32
    %dma_wait3A_150 = arith.constant 0 : i32
    %dma_wait3A_151 = tpu.memref_slice %arg6[%dma_wait3A_148, %dma_wait3A_149, %dma_wait3A_150] : memref<10x64x128xf32, #tpu.memory_space<vmem>> -> memref<1x64x128xf32, #tpu.memory_space<vmem>>
    %dma_wait3A_152 = tpu.memref_squeeze %dma_wait3A_151 : memref<1x64x128xf32, #tpu.memory_space<vmem>> -> memref<64x128xf32, #tpu.memory_space<vmem>>
    %dma_wait3A_153 = arith.constant 0 : i32
    %dma_wait3A_154 = tpu.memref_slice %arg4[%add3A_147, %dma_wait3A_153] : memref<204800x128xf32, #tpu.memory_space<hbm>> -> memref<64x128xf32, #tpu.memory_space<hbm>>
    %dma_wait3A_155 = arith.constant 0 : i32
    %dma_wait3A_156 = tpu.memref_slice %arg4[%add3A_147, %dma_wait3A_155] : memref<204800x128xf32, #tpu.memory_space<hbm>> -> memref<64x128xf32, #tpu.memory_space<hbm>>
    %dma_wait3A_157 = arith.constant 0 : i32
    %dma_wait3A_158 = arith.constant 0 : i32
    %dma_wait3A_159 = tpu.memref_slice %arg6[%dma_wait3A_148, %dma_wait3A_157, %dma_wait3A_158] : memref<10x64x128xf32, #tpu.memory_space<vmem>> -> memref<1x64x128xf32, #tpu.memory_space<vmem>>
    %dma_wait3A_160 = tpu.memref_squeeze %dma_wait3A_159 : memref<1x64x128xf32, #tpu.memory_space<vmem>> -> memref<64x128xf32, #tpu.memory_space<vmem>>
    tpu.wait_dma2 semaphore(%arg21 : memref<!tpu.dma_semaphore, #tpu.memory_space<semaphore_mem>>) src(%dma_wait3A_160 : memref<64x128xf32, #tpu.memory_space<vmem>>) dst(%dma_wait3A_156 : memref<64x128xf32, #tpu.memory_space<hbm>>)
    %add3A_161 = arith.constant 6080 : i32
    %add3A_162 = arith.addi %mul3A_2, %add3A_161 : i32
    %dma_wait3A_163 = arith.constant 5 : i32
    %dma_wait3A_164 = arith.constant 0 : i32
    %dma_wait3A_165 = arith.constant 0 : i32
    %dma_wait3A_166 = tpu.memref_slice %arg6[%dma_wait3A_163, %dma_wait3A_164, %dma_wait3A_165] : memref<10x64x128xf32, #tpu.memory_space<vmem>> -> memref<1x64x128xf32, #tpu.memory_space<vmem>>
    %dma_wait3A_167 = tpu.memref_squeeze %dma_wait3A_166 : memref<1x64x128xf32, #tpu.memory_space<vmem>> -> memref<64x128xf32, #tpu.memory_space<vmem>>
    %dma_wait3A_168 = arith.constant 0 : i32
    %dma_wait3A_169 = tpu.memref_slice %arg4[%add3A_162, %dma_wait3A_168] : memref<204800x128xf32, #tpu.memory_space<hbm>> -> memref<64x128xf32, #tpu.memory_space<hbm>>
    %dma_wait3A_170 = arith.constant 0 : i32
    %dma_wait3A_171 = tpu.memref_slice %arg4[%add3A_162, %dma_wait3A_170] : memref<204800x128xf32, #tpu.memory_space<hbm>> -> memref<64x128xf32, #tpu.memory_space<hbm>>
    %dma_wait3A_172 = arith.constant 0 : i32
    %dma_wait3A_173 = arith.constant 0 : i32
    %dma_wait3A_174 = tpu.memref_slice %arg6[%dma_wait3A_163, %dma_wait3A_172, %dma_wait3A_173] : memref<10x64x128xf32, #tpu.memory_space<vmem>> -> memref<1x64x128xf32, #tpu.memory_space<vmem>>
    %dma_wait3A_175 = tpu.memref_squeeze %dma_wait3A_174 : memref<1x64x128xf32, #tpu.memory_space<vmem>> -> memref<64x128xf32, #tpu.memory_space<vmem>>
    tpu.wait_dma2 semaphore(%arg22 : memref<!tpu.dma_semaphore, #tpu.memory_space<semaphore_mem>>) src(%dma_wait3A_175 : memref<64x128xf32, #tpu.memory_space<vmem>>) dst(%dma_wait3A_171 : memref<64x128xf32, #tpu.memory_space<hbm>>)
    %add3A_176 = arith.constant 6144 : i32
    %add3A_177 = arith.addi %mul3A_2, %add3A_176 : i32
    %dma_wait3A_178 = arith.constant 6 : i32
    %dma_wait3A_179 = arith.constant 0 : i32
    %dma_wait3A_180 = arith.constant 0 : i32
    %dma_wait3A_181 = tpu.memref_slice %arg6[%dma_wait3A_178, %dma_wait3A_179, %dma_wait3A_180] : memref<10x64x128xf32, #tpu.memory_space<vmem>> -> memref<1x64x128xf32, #tpu.memory_space<vmem>>
    %dma_wait3A_182 = tpu.memref_squeeze %dma_wait3A_181 : memref<1x64x128xf32, #tpu.memory_space<vmem>> -> memref<64x128xf32, #tpu.memory_space<vmem>>
    %dma_wait3A_183 = arith.constant 0 : i32
    %dma_wait3A_184 = tpu.memref_slice %arg4[%add3A_177, %dma_wait3A_183] : memref<204800x128xf32, #tpu.memory_space<hbm>> -> memref<64x128xf32, #tpu.memory_space<hbm>>
    %dma_wait3A_185 = arith.constant 0 : i32
    %dma_wait3A_186 = tpu.memref_slice %arg4[%add3A_177, %dma_wait3A_185] : memref<204800x128xf32, #tpu.memory_space<hbm>> -> memref<64x128xf32, #tpu.memory_space<hbm>>
    %dma_wait3A_187 = arith.constant 0 : i32
    %dma_wait3A_188 = arith.constant 0 : i32
    %dma_wait3A_189 = tpu.memref_slice %arg6[%dma_wait3A_178, %dma_wait3A_187, %dma_wait3A_188] : memref<10x64x128xf32, #tpu.memory_space<vmem>> -> memref<1x64x128xf32, #tpu.memory_space<vmem>>
    %dma_wait3A_190 = tpu.memref_squeeze %dma_wait3A_189 : memref<1x64x128xf32, #tpu.memory_space<vmem>> -> memref<64x128xf32, #tpu.memory_space<vmem>>
    tpu.wait_dma2 semaphore(%arg23 : memref<!tpu.dma_semaphore, #tpu.memory_space<semaphore_mem>>) src(%dma_wait3A_190 : memref<64x128xf32, #tpu.memory_space<vmem>>) dst(%dma_wait3A_186 : memref<64x128xf32, #tpu.memory_space<hbm>>)
    %add3A_191 = arith.constant 6208 : i32
    %add3A_192 = arith.addi %mul3A_2, %add3A_191 : i32
    %dma_wait3A_193 = arith.constant 7 : i32
    %dma_wait3A_194 = arith.constant 0 : i32
    %dma_wait3A_195 = arith.constant 0 : i32
    %dma_wait3A_196 = tpu.memref_slice %arg6[%dma_wait3A_193, %dma_wait3A_194, %dma_wait3A_195] : memref<10x64x128xf32, #tpu.memory_space<vmem>> -> memref<1x64x128xf32, #tpu.memory_space<vmem>>
    %dma_wait3A_197 = tpu.memref_squeeze %dma_wait3A_196 : memref<1x64x128xf32, #tpu.memory_space<vmem>> -> memref<64x128xf32, #tpu.memory_space<vmem>>
    %dma_wait3A_198 = arith.constant 0 : i32
    %dma_wait3A_199 = tpu.memref_slice %arg4[%add3A_192, %dma_wait3A_198] : memref<204800x128xf32, #tpu.memory_space<hbm>> -> memref<64x128xf32, #tpu.memory_space<hbm>>
    %dma_wait3A_200 = arith.constant 0 : i32
    %dma_wait3A_201 = tpu.memref_slice %arg4[%add3A_192, %dma_wait3A_200] : memref<204800x128xf32, #tpu.memory_space<hbm>> -> memref<64x128xf32, #tpu.memory_space<hbm>>
    %dma_wait3A_202 = arith.constant 0 : i32
    %dma_wait3A_203 = arith.constant 0 : i32
    %dma_wait3A_204 = tpu.memref_slice %arg6[%dma_wait3A_193, %dma_wait3A_202, %dma_wait3A_203] : memref<10x64x128xf32, #tpu.memory_space<vmem>> -> memref<1x64x128xf32, #tpu.memory_space<vmem>>
    %dma_wait3A_205 = tpu.memref_squeeze %dma_wait3A_204 : memref<1x64x128xf32, #tpu.memory_space<vmem>> -> memref<64x128xf32, #tpu.memory_space<vmem>>
    tpu.wait_dma2 semaphore(%arg24 : memref<!tpu.dma_semaphore, #tpu.memory_space<semaphore_mem>>) src(%dma_wait3A_205 : memref<64x128xf32, #tpu.memory_space<vmem>>) dst(%dma_wait3A_201 : memref<64x128xf32, #tpu.memory_space<hbm>>)
    %add3A_206 = arith.constant 6272 : i32
    %add3A_207 = arith.addi %mul3A_2, %add3A_206 : i32
    %dma_wait3A_208 = arith.constant 8 : i32
    %dma_wait3A_209 = arith.constant 0 : i32
    %dma_wait3A_210 = arith.constant 0 : i32
    %dma_wait3A_211 = tpu.memref_slice %arg6[%dma_wait3A_208, %dma_wait3A_209, %dma_wait3A_210] : memref<10x64x128xf32, #tpu.memory_space<vmem>> -> memref<1x64x128xf32, #tpu.memory_space<vmem>>
    %dma_wait3A_212 = tpu.memref_squeeze %dma_wait3A_211 : memref<1x64x128xf32, #tpu.memory_space<vmem>> -> memref<64x128xf32, #tpu.memory_space<vmem>>
    %dma_wait3A_213 = arith.constant 0 : i32
    %dma_wait3A_214 = tpu.memref_slice %arg4[%add3A_207, %dma_wait3A_213] : memref<204800x128xf32, #tpu.memory_space<hbm>> -> memref<64x128xf32, #tpu.memory_space<hbm>>
    %dma_wait3A_215 = arith.constant 0 : i32
    %dma_wait3A_216 = tpu.memref_slice %arg4[%add3A_207, %dma_wait3A_215] : memref<204800x128xf32, #tpu.memory_space<hbm>> -> memref<64x128xf32, #tpu.memory_space<hbm>>
    %dma_wait3A_217 = arith.constant 0 : i32
    %dma_wait3A_218 = arith.constant 0 : i32
    %dma_wait3A_219 = tpu.memref_slice %arg6[%dma_wait3A_208, %dma_wait3A_217, %dma_wait3A_218] : memref<10x64x128xf32, #tpu.memory_space<vmem>> -> memref<1x64x128xf32, #tpu.memory_space<vmem>>
    %dma_wait3A_220 = tpu.memref_squeeze %dma_wait3A_219 : memref<1x64x128xf32, #tpu.memory_space<vmem>> -> memref<64x128xf32, #tpu.memory_space<vmem>>
    tpu.wait_dma2 semaphore(%arg25 : memref<!tpu.dma_semaphore, #tpu.memory_space<semaphore_mem>>) src(%dma_wait3A_220 : memref<64x128xf32, #tpu.memory_space<vmem>>) dst(%dma_wait3A_216 : memref<64x128xf32, #tpu.memory_space<hbm>>)
    %add3A_221 = arith.constant 6336 : i32
    %add3A_222 = arith.addi %mul3A_2, %add3A_221 : i32
    %dma_wait3A_223 = arith.constant 9 : i32
    %dma_wait3A_224 = arith.constant 0 : i32
    %dma_wait3A_225 = arith.constant 0 : i32
    %dma_wait3A_226 = tpu.memref_slice %arg6[%dma_wait3A_223, %dma_wait3A_224, %dma_wait3A_225] : memref<10x64x128xf32, #tpu.memory_space<vmem>> -> memref<1x64x128xf32, #tpu.memory_space<vmem>>
    %dma_wait3A_227 = tpu.memref_squeeze %dma_wait3A_226 : memref<1x64x128xf32, #tpu.memory_space<vmem>> -> memref<64x128xf32, #tpu.memory_space<vmem>>
    %dma_wait3A_228 = arith.constant 0 : i32
    %dma_wait3A_229 = tpu.memref_slice %arg4[%add3A_222, %dma_wait3A_228] : memref<204800x128xf32, #tpu.memory_space<hbm>> -> memref<64x128xf32, #tpu.memory_space<hbm>>
    %dma_wait3A_230 = arith.constant 0 : i32
    %dma_wait3A_231 = tpu.memref_slice %arg4[%add3A_222, %dma_wait3A_230] : memref<204800x128xf32, #tpu.memory_space<hbm>> -> memref<64x128xf32, #tpu.memory_space<hbm>>
    %dma_wait3A_232 = arith.constant 0 : i32
    %dma_wait3A_233 = arith.constant 0 : i32
    %dma_wait3A_234 = tpu.memref_slice %arg6[%dma_wait3A_223, %dma_wait3A_232, %dma_wait3A_233] : memref<10x64x128xf32, #tpu.memory_space<vmem>> -> memref<1x64x128xf32, #tpu.memory_space<vmem>>
    %dma_wait3A_235 = tpu.memref_squeeze %dma_wait3A_234 : memref<1x64x128xf32, #tpu.memory_space<vmem>> -> memref<64x128xf32, #tpu.memory_space<vmem>>
    tpu.wait_dma2 semaphore(%arg26 : memref<!tpu.dma_semaphore, #tpu.memory_space<semaphore_mem>>) src(%dma_wait3A_235 : memref<64x128xf32, #tpu.memory_space<vmem>>) dst(%dma_wait3A_231 : memref<64x128xf32, #tpu.memory_space<hbm>>)
    return
  }
}

</mosaic_0001>

<sc_bundles>
// kernel: kernel.3.cloned.1.call-start
scs
__scs_entry_jumppad:
0x0: {  	(pc) =	sbr.rel $0x88, $3  }
0x1: {  	(tag) =	ssettag $0x0;
	lr =	simm.s32 $0x1  }
0x2: {  	[smem:$0x3F9F] =	sst lr;
	_ =	strace $0xD0000000  }
0x3: {  	_ = 	snop  }
0x4: {  	_ = 	snop  }
0x5: {  	_ = 	snop  }
0x6: {  	_ = 	snop  }
0x7: {  	_ = 	snop  }
__scs_overlays_trampoline_lowered:
0x8: {  	[smem:$0x3FAE] =	sst s0  }
0x9: {  	[smem:$0x3FAF] =	sst s1  }
0xa: {  	[smem:$0x3FB0] =	sst s2  }
0xb: {  	[smem:$0x3FB1] =	sst s3  }
0xc: {  	[smem:$0x3FB2] =	sst s4  }
0xd: {  	[smem:$0x3FB3] =	sst s5  }
0xe: {  	[smem:$0x3FB4] =	sst s6  }
0xf: {  	[smem:$0x3FB5] =	sst s7  }
0x10: {  	[smem:$0x3FB6] =	sst s8  }
0x11: {  	[smem:$0x3FB7] =	sst s9;
	s0 =	simm.s32 @!p0 $0x0  }
0x12: {  	s1 =	sld [smem:$0x3F9D];
	s0 =	simm.s32 @p0 $0x1  }
0x13: {  	[smem:$0x3FB8] =	sst s0;
	s0 =	simm.s32 @!p1 $0x0  }
0x14: {  	s2 =	sld [smem:$0x3F9C];
	s0 =	simm.s32 @p1 $0x1  }
0x15: {  	[smem:$0x3FB9] =	sst s0;
	s0 =	simm.s32 @!p2 $0x0  }
0x16: {  	s3 =	sld [smem:$0x3FDB];
	s0 =	simm.s32 @p2 $0x1  }
0x17: {  	s4 =	simm.s32 $0x1BF5;
	[smem:$0x3FBB] =	sst s0  }
0x18: {  	s0 =	sld [smem:$0x3F9E];
	_ =	swait.ge [sflag:s4], $0x0  }
0x19: {  	s7 =	sld [smem:$0x3F9F]  }
0x1a: {  	s8 =	sadd.s32 $0xFFFFE003, lr  }
0x1b: {  	s9 =	sadd.s32 $0xFFFFFEF7, lr;
	s5 =	simm.s32 $0xFFFFFFFF;
	p2 =	slt.u32 s8, $0xFFFFF086  }
0x1c: {  	p1 =	slt.u32 s9, $0xF7A;
	s5 =	simm.s32 @!p2 $0x0  }
0x1d: {  	s5 =	simm.s32 @p1 $0x1;
	p0 =	seq.s32 s7, s2  }
0x1e: {  	s7 =	smul.u32 @!p0 $0xF7A, s2;
	p2 =	seq.s32 @!p0 s5, $0x0  }
0x1f: {  	s9 =	smul.u32 $0xF7A, s1;
	s8 =	simm.s32 @!p0 $0x1BF5;
	p2 =	por !p2, p0  }
0x20: {  	[sflag:s8] =	ssyncset.s32 @!p0 $0xFFFFF086;
	s6 =	sadd.s32 @!p0 s3, s7;
	s7 =	simm.s32 @!p0 $0x108  }
0x21: {  	s3 =	sadd.s32 s3, s9;
	s6 =	sadd.s32 @!p0 $0x88, s6;
	s7 =	simm.s32 @p2 $0x1082  }
0x22: {  	[simem:s7], [sflag:s8] =	dma.local @!p0 [hbm:s6], $0xF7A  }
0x23: {  	s9 =	sor.u32 $0xD0000000, s2;
	s6 =	simm.s32 $0x108;
	_ =	swait.ge @!p0 [sflag:s8], $0x0  }
0x24: {  	s3 =	sadd.s32 $0x88, s3;
	s6 =	simm.s32 @!p1 $0x1082;
	[sflag:s4] =	ssyncset.s32 $0xFFFFF086  }
0x25: {  	[simem:s6], [sflag:s4] =	dma.local [hbm:s3], $0xF7A  }
0x26: {  	[smem:$0x3F9F] =	sst s1;
	(tag) =	ssettag s2;
	_ =	strace s9  }
0x27: {  	s1 =	sld [smem:$0x3FAF]  }
0x28: {  	s2 =	sld [smem:$0x3FB0]  }
0x29: {  	s4 =	sld [smem:$0x3FB2]  }
0x2a: {  	p0 =	seq.s32 s5, $0x0;
	s5 =	sld [smem:$0x3FB3]  }
0x2b: {  	s6 =	sld [smem:$0x3FB4]  }
0x2c: {  	s7 =	sld [smem:$0x3FB5]  }
0x2d: {  	s3 =	simm.s32 $0x108;
	s8 =	sld [smem:$0x3FB6]  }
0x2e: {  	s3 =	simm.s32 @!p0 $0x1082;
	s9 =	sld [smem:$0x3FB7]  }
0x2f: {  	lr =	sadd.s32 s0, s3;
	s0 =	sld [smem:$0x3FAE]  }
0x30: {  	s3 =	sld [smem:$0x3FB1]  }
0x31: {  	[smem:$0x3FBA] =	sst s10  }
0x32: {  	s10 =	sld [smem:$0x3FB8];
	_ =	sdelay $0x3  }
0x33: {  	p0 =	seq.s32 s10, $0x1;
	s10 =	sld [smem:$0x3FBA];
	_ =	sdelay $0x3  }
0x34: {  	[smem:$0x3FBA] =	sst s10  }
0x35: {  	s10 =	sld [smem:$0x3FB9];
	_ =	sdelay $0x3  }
0x36: {  	p1 =	seq.s32 s10, $0x1;
	s10 =	sld [smem:$0x3FBA];
	_ =	sdelay $0x3  }
0x37: {  	[smem:$0x3FBA] =	sst s10  }
0x38: {  	s10 =	sld [smem:$0x3FBB]  }
0x39: {  	_ = 	snop;
	(pc) =	sbr.ind lr, $3  }
0x3a: {  	_ = 	snop  }
0x3b: {  	_ = 	snop  }
0x3c: {  	p2 =	seq.s32 s10, $0x1;
	s10 =	sld [smem:$0x3FBA]  }
0x3d: {  	_ =	shalt  }
0x3e: {  	_ =	shalt  }
0x3f: {  	_ =	shalt  }
0x40: {  	_ =	shalt  }
0x41: {  	_ =	shalt  }
0x42: {  	_ =	shalt  }
0x43: {  	_ =	shalt  }
0x44: {  	_ =	shalt  }
0x45: {  	_ =	shalt  }
0x46: {  	_ =	shalt  }
0x47: {  	_ =	shalt  }
0x48: {  	_ =	shalt  }
0x49: {  	_ =	shalt  }
0x4a: {  	_ =	shalt  }
0x4b: {  	_ =	shalt  }
0x4c: {  	_ =	shalt  }
0x4d: {  	_ =	shalt  }
0x4e: {  	_ =	shalt  }
0x4f: {  	_ =	shalt  }
0x50: {  	_ =	shalt  }
0x51: {  	_ =	shalt  }
0x52: {  	_ =	shalt  }
0x53: {  	_ =	shalt  }
0x54: {  	_ =	shalt  }
0x55: {  	_ =	shalt  }
0x56: {  	_ =	shalt  }
0x57: {  	_ =	shalt  }
0x58: {  	_ =	shalt  }
0x59: {  	_ =	shalt  }
0x5a: {  	_ =	shalt  }
0x5b: {  	_ =	shalt  }
0x5c: {  	_ =	shalt  }
0x5d: {  	_ =	shalt  }
0x5e: {  	_ =	shalt  }
0x5f: {  	_ =	shalt  }
0x60: {  	_ =	shalt  }
0x61: {  	_ =	shalt  }
0x62: {  	_ =	shalt  }
0x63: {  	_ =	shalt  }
0x64: {  	_ =	shalt  }
0x65: {  	_ =	shalt  }
0x66: {  	_ =	shalt  }
0x67: {  	_ =	shalt  }
0x68: {  	_ =	shalt  }
0x69: {  	_ =	shalt  }
0x6a: {  	_ =	shalt  }
0x6b: {  	_ =	shalt  }
0x6c: {  	_ =	shalt  }
0x6d: {  	_ =	shalt  }
0x6e: {  	_ =	shalt  }
0x6f: {  	_ =	shalt  }
0x70: {  	_ =	shalt  }
0x71: {  	_ =	shalt  }
0x72: {  	_ =	shalt  }
0x73: {  	_ =	shalt  }
0x74: {  	_ =	shalt  }
0x75: {  	_ =	shalt  }
0x76: {  	_ =	shalt  }
0x77: {  	_ =	shalt  }
0x78: {  	_ =	shalt  }
0x79: {  	_ =	shalt  }
0x7a: {  	_ =	shalt  }
0x7b: {  	_ =	shalt  }
0x7c: {  	_ =	shalt  }
0x7d: {  	_ =	shalt  }
0x7e: {  	_ =	shalt  }
0x7f: {  	_ =	shalt  }
0x80: {  	_ =	shalt  }
0x81: {  	_ =	shalt  }
0x82: {  	_ =	shalt  }
0x83: {  	_ =	shalt  }
0x84: {  	_ =	shalt  }
0x85: {  	_ =	shalt  }
0x86: {  	_ =	shalt  }
0x87: {  	_ =	shalt  }
.Lfunc_end0:
.L_simem_size_0:
called_computation_lowered:
.L_overlay_start_0:
0x88: {  	s2 =	sld [smem:$0x3FD9]  }
0x89: {  	s3 =	sld [smem:$0x3FFE];
	_ =	sdelay $0x1  }
0x8a: {  	s1 =	srdreg.scid  }
0x8b: {  	s0 =	sand.u32 $0x1, s1  }
0x8c: {  	s17 =	sshll.u32 s0, $0xA;
	s2 =	sadd.s32 s3, s2  }
0x8d: {  	s2 =	sadd.s32 s2, s17  }
0x8e: {  	[smem:$0x3FC6] =	sst s2  }
0x8f: {  	_ = 	snop  }
0x90: {  	s2 =	sld [smem:$0x3FC8]  }
0x91: {  	s18 =	sld [smem:$0x3FD0];
	(tm) =	ssettm $0x1  }
0x92: {  	s4 =	sld [smem:$0x3FFB];
	_ =	sdelay $0x3  }
0x93: {  	_ =	strace s4  }
0x94: {  	s4 =	sld [smem:$0x3FFC];
	_ =	sdelay $0x3  }
0x95: {  	_ =	strace s4  }
0x96: {  	s4 =	sld [smem:$0x3FFD];
	_ =	sdelay $0x3  }
0x97: {  	_ =	strace s4  }
0x98: {  	_ =	strace $0x8FFFFFFF  }
0x99: {  	s19 =	sld [smem:$0x3FDB];
	_ =	sdelay $0x1  }
0x9a: {  	s5 =	simm.s32 $_scs_section_size  }
0x9b: {  	s6 =	simm.s32 $_size__tile_overlayer_lowered;
	s7 =	simm.s32 $_tile_overlayer_lowered  }
0x9c: {  	s22 =	simm.s32 $0x1BFF;
	s21 =	sshll.u32 s7, $0x1;
	s4 =	sadd.s32 s5, s19  }
0x9d: {  	s8 =	simm.s32 $0x0;
	s20 =	sshll.u32 s6, $0x1;
	s6 =	sadd.s32 s21, s4  }
0x9e: {  	[timem:s8], [sflag:s22] =	dma.local [hbm:s6], s20  }
0x9f: {  	_ =	swait.ge [sflag:s22], s20  }
0xa0: {  	s5 =	ssub.s32 $0x0, s20;
	[sflag:s22] =	ssyncset.done $0x0  }
0xa1: {  	[sflag:s22] =	ssyncadd.s32 s5;
	_ =	sdelay $0x1  }
0xa2: {  	s23 =	simm.s32 $0x1B8B  }
0xa3: {  	_ =	swait.ge [sflag:s23], $0x1  }
0xa4: {  	[sflag:s23] =	ssyncset.done $0x0  }
0xa5: {  	s25 =	simm.s32 $0x1B8E;
	s24 =	sld [smem:$0x3FFE];
	[sflag:s23] =	ssyncadd.s32 $0xFFFFFFFF  }
0xa6: {  	s26 =	simm.s32 $execute0_lowered;
	[smem:$0x3FD2] =	sst s25  }
0xa7: {  	s6 =	sshll.u32 s26, $0x1;
	_ =	strace $0x80000046;
	[dreg:$0x1] =	wrdreg $0xFFFFFFFF  }
0xa8: {  	s28 =	simm.s32 $_size_execute0_lowered;
	s4 =	sadd.s32 s4, s6;
	[dreg:$0x0] =	wrdreg $0x0  }
0xa9: {  	s6 =	sshll.u32 s28, $0x1;
	[dreg:$0x2] =	wrdreg s4  }
0xaa: {  	[dreg:$0x3] =	wrdreg s6  }
0xab: {  	[dreg:$0x4] =	wrdreg $0xC0  }
0xac: {  	_ =	task [dreg:s8], $0x5FFFF  }
0xad: {  	[dreg:$0x1] =	wrdreg $0xFFFFFFFF  }
0xae: {  	[dreg:$0x0] =	wrdreg $0x60  }
0xaf: {  	[dreg:$0x2] =	wrdreg s2  }
0xb0: {  	[dreg:$0x3] =	wrdreg s24  }
0xb1: {  	[dreg:$0x4] =	wrdreg s18  }
0xb2: {  	[dreg:$0x5] =	wrdreg $0x9  }
0xb3: {  	_ =	task.clear_ibuf [dreg:s8], $0x6FFFF;
	_ =	strace $0x90000046  }
0xb4: {  	s29 =	simm.s32 $0x9;
	_ =	strace $0x80000048  }
0xb5: {  	_ =	swait.ge [sflag:s29], $0x1  }
0xb6: {  	[sflag:s29] =	ssyncadd.s32 $0xFFFFFFFF  }
0xb7: {  	_ =	strace $0x90000048  }
0xb8: {  	_ =	sfence  }
0xb9: {  	s30 =	sld [smem:$0x0];
	_ =	sdelay $0x2  }
0xba: {  	s31 =	sshll.u32 s1, $0xD;
	s1 =	sshrl.u32 s1, $0x2  }
0xbb: {  	s3 =	sand.u32 $0x4000, s31;
	s1 =	sadd.s32 s1, s30  }
0xbc: {  	s0 =	sor.u32 s3, s0;
	s1 =	sshll.u32 s1, $0x11  }
0xbd: {  	s0 =	sor.u32 s1, s0  }
0xbe: {  	s0 =	sadd.s32 $0x8F2B, s0  }
0xbf: {  	[sflag:s0] =	ssyncadd.remote.s32 $0x1  }
0xc0: {  	_ =	sfence.sel $0xFFFF  }
0xc1: {  	[dreg:$0x0] =	wrdreg $0xFFFFFFFF;
	(pc) =	sbr.abs _section_cstart, $3  }
0xc2: {  	[dreg:$0x1] =	wrdreg $0xFFFFFFFF  }
0xc3: {  	_ =	task.clear_ibuf [dreg:s8], $0x2FFFF;
	_ =	strace $0x9FFFFFFF  }
0xc4: {  	(tm) =	ssettm $0x7FFFFFFF  }
0xc5: {  	_ =	shalt  }
tec
execute0_lowered:
.L_overlay_start_1:
0x0: {  	(tag) =	ssettag $0x1  }
0x1: {  	s1 =	rddreg [dreg:$0x0]  }
0x2: {  	s0 =	srdreg.scid;
	s3 =	stileid.u32  }
0x3: {  	s2 =	rddreg [dreg:$0x1];
	s17 =	simm.s32 $0x40;
	s20 =	simm.s32 $0x11900  }
0x4: {  	s22 =	simm.s32 $0x2;
	s24 =	simm.s32 $0x13900;
	s29 =	simm.s32 $0x4  }
0x5: {  	s31 =	simm.s32 $0x5;
	s15 =	simm.s32 $0x7;
	s16 =	simm.s32 $0x8  }
0x6: {  	s18 =	simm.s32 $0x9;
	s19 =	simm.s32 $0xA;
	s21 =	simm.s32 $0x12  }
0x7: {  	s9 =	simm.s32 $0x0;
	s0 =	sand.u32 $0x1, s0;
	s4 =	sshll.u32 s3, $0x1  }
0x8: {  	s5 =	sor.u32 s0, s4;
	s4 =	simm.s32 $0x0;
	s0 =	ssub.s32 $0x2, s0  }
0x9: {  	s6 =	smul.u32 $0x1900, s5;
	[smem:$0x7FF] =	sst s4;
	s8 =	sshrl.u32 s0, $0x1  }
0xa: {  	s3 =	rddreg [dreg:$0x2];
	_ =	strace $0x80000047;
	s0 =	ssub.s32 s0, s8  }
0xb: {  	s11 =	smov.u32 s6;
	s7 =	sshrl.u32 s6, $0x3;
	s0 =	smax.u32 s0, $0x1  }
0xc: {  	s6 =	smul.u32 $0xC8000, s5;
	s2 =	sadd.s32 s7, s2;
	[dreg:$0x9] =	wrdreg s0  }
0xd: {  	s0 =	simm.s32 $0x1;
	s7 =	simm.s32 $0x6;
	s2 =	sadd.s32 $0x400, s2  }
.Ltmp0:
0xe: {  	s25 =	sor.u32 $0x2000, s6;
	[dreg:$0x4] =	wrdreg s2;
	(pc) =	sbr.rel .LBB2_1-.Ltmp0, $4  }
0xf: {  	s26 =	sor.u32 $0x4000, s6;
	s28 =	sor.u32 $0x6000, s6;
	[dreg:$0x5] =	wrdreg s25  }
0x10: {  	s30 =	sadd.s32 $0x8000, s6;
	s12 =	sadd.s32 $0xA000, s6;
	[dreg:$0x6] =	wrdreg s26  }
0x11: {  	s13 =	sadd.s32 $0xC000, s6;
	s14 =	sadd.s32 $0xE000, s6;
	[dreg:$0x7] =	wrdreg s28  }
0x12: {  	[dreg:$0x8] =	wrdreg s30;
	s2 =	simm.s32 $0xF900;
	s26 =	simm.s32 $0x3  }
.LBB2_24:
0x13: {  	s5 =	simm.s32 $0xB  }
0x14: {  	_ =	swait.ge [sflag:s5], $0x2000  }
0x15: {  	[sflag:s5] =	ssyncset.done $0x0  }
0x16: {  	s30 =	simm.s32 $0xC;
	[sflag:s5] =	ssyncadd.s32 $0xFFFFE000  }
0x17: {  	_ =	swait.ge [sflag:s30], $0x2000  }
0x18: {  	[sflag:s30] =	ssyncset.done $0x0  }
0x19: {  	s8 =	simm.s32 $0xD;
	[sflag:s30] =	ssyncadd.s32 $0xFFFFE000  }
0x1a: {  	_ =	swait.ge [sflag:s8], $0x2000  }
0x1b: {  	[sflag:s8] =	ssyncset.done $0x0  }
0x1c: {  	s9 =	simm.s32 $0xE;
	[sflag:s8] =	ssyncadd.s32 $0xFFFFE000  }
0x1d: {  	_ =	swait.ge [sflag:s9], $0x2000  }
0x1e: {  	[sflag:s9] =	ssyncset.done $0x0  }
0x1f: {  	s10 =	simm.s32 $0xF;
	[sflag:s9] =	ssyncadd.s32 $0xFFFFE000  }
0x20: {  	_ =	swait.ge [sflag:s10], $0x2000  }
0x21: {  	[sflag:s10] =	ssyncset.done $0x0  }
0x22: {  	s23 =	simm.s32 $0x10;
	[sflag:s10] =	ssyncadd.s32 $0xFFFFE000  }
0x23: {  	_ =	swait.ge [sflag:s23], $0x2000  }
0x24: {  	[sflag:s23] =	ssyncset.done $0x0  }
0x25: {  	s25 =	simm.s32 $0x11;
	[sflag:s23] =	ssyncadd.s32 $0xFFFFE000  }
0x26: {  	_ =	swait.ge [sflag:s25], $0x2000  }
0x27: {  	[sflag:s25] =	ssyncset.done $0x0  }
0x28: {  	[sflag:s25] =	ssyncadd.s32 $0xFFFFE000  }
0x29: {  	_ =	swait.ge [sflag:s21], $0x2000  }
0x2a: {  	[sflag:s21] =	ssyncset.done $0x0  }
0x2b: {  	s28 =	simm.s32 $0x13;
	[sflag:s21] =	ssyncadd.s32 $0xFFFFE000  }
0x2c: {  	_ =	swait.ge [sflag:s28], $0x2000  }
0x2d: {  	[sflag:s28] =	ssyncset.done $0x0  }
0x2e: {  	s8 =	simm.s32 $0x14;
	[sflag:s28] =	ssyncadd.s32 $0xFFFFE000  }
0x2f: {  	_ =	swait.ge [sflag:s8], $0x2000  }
0x30: {  	s9 =	rddreg [dreg:$0xa]  }
0x31: {  	s30 =	rddreg [dreg:$0x9];
	s9 =	sadd.s32 $0x1, s9  }
0x32: {  	p0 =	sne.s32 s9, s30  }
.Ltmp1:
0x33: {  	_ = 	snop;
	(pc) =	sbr.rel @!p0 .LBB2_25-.Ltmp1, $3  }
0x34: {  	_ =	sdelay $0x1  }
0x35: {  	[sflag:s8] =	ssyncset.done $0x0  }
0x36: {  	[sflag:s8] =	ssyncadd.s32 $0xFFFFE000  }
.LBB2_1:
0x37: {  	[dreg:$0xa] =	wrdreg s9  }
0x38: {  	s5 =	rddreg [dreg:$0x4];
	s9 =	simm.s32 $0x15  }
0x39: {  	[tilespmem:s4], [sflag:$0x15] =	stream.linear.gather [hbm4b:s5+s4], $0x1900, $0x38;
	[tilespmem:$0x15900] =	vst v63  }
0x3a: {  	_ =	swait.ge [sflag:s9], $0x1900  }
0x3b: {  	[sflag:s9] =	ssyncset.done $0x0  }
0x3c: {  	s10 =	simm.s32 $0x1900;
	[sflag:s9] =	ssyncadd.s32 $0xFFFFE700  }
0x3d: {  	[tilespmem:s10], [sflag:$0x1] =	stream.indirect.gather [hbm4b:s1+s17], $0x80, s4, s17, $0xb8;
	[tilespmem:$0x15900] =	vst v63  }
0x3e: {  	s23 =	simm.s32 $0x3900  }
0x3f: {  	[tilespmem:s23], [sflag:$0x2] =	stream.indirect.gather [hbm4b:s1+s17], $0x80, s17, s17, $0xb8;
	[tilespmem:$0x15900] =	vst v63  }
0x40: {  	s25 =	simm.s32 $0x80;
	s8 =	simm.s32 $0x5900  }
0x41: {  	[tilespmem:s8], [sflag:$0x3] =	stream.indirect.gather [hbm4b:s1+s17], $0x80, s25, s17, $0xb8;
	[tilespmem:$0x15900] =	vst v63  }
0x42: {  	s28 =	simm.s32 $0xC0;
	s30 =	simm.s32 $0x7900  }
0x43: {  	[tilespmem:s30], [sflag:$0x4] =	stream.indirect.gather [hbm4b:s1+s17], $0x80, s28, s17, $0xb8;
	[tilespmem:$0x15900] =	vst v63  }
0x44: {  	s9 =	simm.s32 $0x9900;
	s8 =	simm.s32 $0x100  }
0x45: {  	[tilespmem:s9], [sflag:$0x5] =	stream.indirect.gather [hbm4b:s1+s17], $0x80, s8, s17, $0xb8;
	[tilespmem:$0x15900] =	vst v63  }
0x46: {  	s10 =	simm.s32 $0x140;
	s23 =	simm.s32 $0xB900  }
0x47: {  	[tilespmem:s23], [sflag:$0x6] =	stream.indirect.gather [hbm4b:s1+s17], $0x80, s10, s17, $0xb8;
	[tilespmem:$0x15900] =	vst v63  }
0x48: {  	s25 =	simm.s32 $0x180;
	s28 =	simm.s32 $0xD900  }
0x49: {  	[tilespmem:s28], [sflag:$0x7] =	stream.indirect.gather [hbm4b:s1+s17], $0x80, s25, s17, $0xb8;
	[tilespmem:$0x15900] =	vst v63  }
0x4a: {  	s30 =	simm.s32 $0x1C0;
	s23 =	simm.s32 $0x0  }
0x4b: {  	[tilespmem:s2], [sflag:$0x8] =	stream.indirect.gather [hbm4b:s1+s17], $0x80, s30, s17, $0xb8;
	[tilespmem:$0x15900] =	vst v63  }
.LBB2_2:
0x4c: {  	_ =	swait.ge [sflag:s0], $0x2000  }
0x4d: {  	[sflag:s0] =	ssyncset.done $0x0  }
0x4e: {  	s5 =	simm.s32 $0x1980;
	[sflag:s0] =	ssyncadd.s32 $0xFFFFE000  }
0x4f: {  	v0 =	vld [tilespmem:s5+$0x70]  }
0x50: {  	v1 =	vld [tilespmem:s5+$0xFFFFFF90]  }
0x51: {  	v2 =	vld [tilespmem:s5+$0xFFFFFFA0]  }
0x52: {  	v3 =	vld [tilespmem:s5+$0xFFFFFFB0]  }
0x53: {  	v4 =	vld [tilespmem:s5+$0xFFFFFFC0]  }
0x54: {  	v5 =	vld [tilespmem:s5+$0xFFFFFFD0];
	v0 =	vmul.f32 $1.131370830e+01, v0  }
0x55: {  	v6 =	vld [tilespmem:s5+$0xFFFFFFE0];
	v1 =	vmul.f32 $1.131370830e+01, v1  }
0x56: {  	v7 =	vld [tilespmem:s5+$0xFFFFFFF0];
	v2 =	vmul.f32 $1.131370830e+01, v2;
	[tilespmem:s5+$0x70] =	vst v0  }
0x57: {  	[tilespmem:s5+$0xFFFFFF90] =	vst v1;
	v0 =	vmul.f32 $1.131370830e+01, v3;
	v3 =	vld [tilespmem:s5+$0x0]  }
0x58: {  	[tilespmem:s5+$0xFFFFFFA0] =	vst v2;
	v1 =	vmul.f32 $1.131370830e+01, v4;
	v4 =	vld [tilespmem:s5+$0x10]  }
0x59: {  	v8 =	vld [tilespmem:s5+$0x20];
	v2 =	vmul.f32 $1.131370830e+01, v5;
	[tilespmem:s5+$0xFFFFFFB0] =	vst v0  }
0x5a: {  	v5 =	vmul.f32 $1.131370830e+01, v6;
	[tilespmem:s5+$0xFFFFFFC0] =	vst v1;
	v0 =	vld [tilespmem:s5+$0x30]  }
0x5b: {  	[tilespmem:s5+$0xFFFFFFD0] =	vst v2;
	v2 =	vmul.f32 $1.131370830e+01, v7;
	v1 =	vld [tilespmem:s5+$0x40]  }
0x5c: {  	[tilespmem:s5+$0xFFFFFFE0] =	vst v5;
	v6 =	vmul.f32 $1.131370830e+01, v3;
	v3 =	vld [tilespmem:s5+$0x50]  }
0x5d: {  	[tilespmem:s5+$0xFFFFFFF0] =	vst v2;
	v2 =	vld [tilespmem:s5+$0x60];
	v5 =	vmul.f32 $1.131370830e+01, v4  }
0x5e: {  	s8 =	simm.s32 $0x0;
	s9 =	simm.s32 $0x1A80;
	v4 =	vld [tilespmem:s5+$0xFFFFFF80];
	[tilespmem:s5+$0x0] =	vst v6;
	v6 =	vmul.f32 $1.131370830e+01, v8  }
.LBB2_3:
0x5f: {  	v7 =	vld [tilespmem:s9+$0x70];
	s8 =	sadd.s32 $0x2, s8;
	[tilespmem:s5+$0x10] =	vst v5;
	v0 =	vmul.f32 $1.131370830e+01, v0  }
0x60: {  	v5 =	vld [tilespmem:s9+$0xFFFFFF90];
	p0 =	slt.u32 s8, $0x3E;
	[tilespmem:s5+$0x20] =	vst v6;
	v1 =	vmul.f32 $1.131370830e+01, v1  }
0x61: {  	v6 =	vld [tilespmem:s9+$0xFFFFFFA0];
	[tilespmem:s5+$0x30] =	vst v0;
	v0 =	vmul.f32 $1.131370830e+01, v3  }
0x62: {  	v3 =	vld [tilespmem:s9+$0xFFFFFFB0];
	[tilespmem:s5+$0x40] =	vst v1;
	v1 =	vmul.f32 $1.131370830e+01, v2  }
0x63: {  	v2 =	vld [tilespmem:s9+$0xFFFFFFC0];
	v4 =	vmul.f32 $1.131370830e+01, v4;
	[tilespmem:s5+$0x50] =	vst v0  }
0x64: {  	v0 =	vld [tilespmem:s9+$0xFFFFFFD0];
	v7 =	vmul.f32 $1.131370830e+01, v7;
	[tilespmem:s5+$0x60] =	vst v1  }
0x65: {  	v1 =	vmul.f32 $1.131370830e+01, v5;
	v5 =	vld [tilespmem:s9+$0xFFFFFFE0];
	[tilespmem:s5+$0xFFFFFF80] =	vst v4;
	s5 =	smov.u32 s9  }
0x66: {  	v4 =	vmul.f32 $1.131370830e+01, v6;
	v6 =	vld [tilespmem:s9+$0xFFFFFFF0];
	[tilespmem:s9+$0x70] =	vst v7  }
0x67: {  	[tilespmem:s9+$0xFFFFFF90] =	vst v1;
	v1 =	vmul.f32 $1.131370830e+01, v3;
	v3 =	vld [tilespmem:s9+$0x0]  }
0x68: {  	[tilespmem:s9+$0xFFFFFFA0] =	vst v4;
	v2 =	vmul.f32 $1.131370830e+01, v2;
	v4 =	vld [tilespmem:s9+$0x10]  }
0x69: {  	[tilespmem:s9+$0xFFFFFFB0] =	vst v1;
	v1 =	vmul.f32 $1.131370830e+01, v0;
	v7 =	vld [tilespmem:s9+$0x20]  }
.Ltmp2:
0x6a: {  	[tilespmem:s9+$0xFFFFFFC0] =	vst v2;
	v2 =	vmul.f32 $1.131370830e+01, v5;
	v0 =	vld [tilespmem:s9+$0x30];
	(pc) =	sbr.rel @p0 .LBB2_3-.Ltmp2, $4  }
0x6b: {  	[tilespmem:s9+$0xFFFFFFD0] =	vst v1;
	v5 =	vmul.f32 $1.131370830e+01, v6;
	v1 =	vld [tilespmem:s9+$0x40]  }
0x6c: {  	[tilespmem:s9+$0xFFFFFFE0] =	vst v2;
	v6 =	vmul.f32 $1.131370830e+01, v3;
	v3 =	vld [tilespmem:s9+$0x50]  }
0x6d: {  	[tilespmem:s9+$0xFFFFFFF0] =	vst v5;
	v5 =	vmul.f32 $1.131370830e+01, v4;
	v2 =	vld [tilespmem:s9+$0x60]  }
0x6e: {  	s9 =	sadd.s32 $0x100, s9;
	v4 =	vld [tilespmem:s5+$0xFFFFFF80];
	[tilespmem:s5+$0x0] =	vst v6;
	v6 =	vmul.f32 $1.131370830e+01, v7  }
0x6f: {  	[tilespmem:s5+$0x10] =	vst v5;
	v0 =	vmul.f32 $1.131370830e+01, v0  }
0x70: {  	[tilespmem:s5+$0x20] =	vst v6;
	v1 =	vmul.f32 $1.131370830e+01, v1  }
0x71: {  	s8 =	smul.u32 $0x280, s23;
	[tilespmem:s5+$0x30] =	vst v0;
	v0 =	vmul.f32 $1.131370830e+01, v3  }
0x72: {  	[tilespmem:s5+$0x40] =	vst v1;
	v1 =	vmul.f32 $1.131370830e+01, v2  }
0x73: {  	s8 =	sadd.s32 s11, s8;
	v2 =	vmul.f32 $1.131370830e+01, v4;
	[tilespmem:s5+$0x50] =	vst v0  }
0x74: {  	s25 =	simm.s32 $0x1900;
	p0 =	seq.s32 s23, $0x0;
	s8 =	sshll.u32 s8, $0x4;
	[tilespmem:s5+$0x60] =	vst v1  }
0x75: {  	s10 =	sadd.s32 s3, s8;
	s8 =	simm.s32 @!p0 $0x13;
	[tilespmem:s5+$0xFFFFFF80] =	vst v2;
	s5 =	smul.u32 $0xA, s23  }
0x76: {  	[hbm4b:s10+s4] =	stream.linear.scatter [tilespmem:s25], [sflag:$0xB], $0x2000, $0x38;
	[tilespmem:$0x15900] =	vst v63  }
0x77: {  	s25 =	sadd.s32 $0x8, s5;
	_ =	swait.ge @!p0 [sflag:s8], $0x2000  }
0x78: {  	[sflag:s8] =	ssyncset.done @!p0 $0x0;
	s9 =	sshll.u32 s25, $0x6  }
0x79: {  	[sflag:s8] =	ssyncadd.s32 @!p0 $0xFFFFE000;
	s30 =	sand.u32 $0x3FFFFFC0, s9  }
0x7a: {  	[tilespmem:s20], [sflag:$0x9] =	stream.indirect.gather [hbm4b:s1+s17], $0x80, s30, s17, $0xb8;
	[tilespmem:$0x15900] =	vst v63  }
0x7b: {  	_ =	swait.ge [sflag:s22], $0x2000  }
0x7c: {  	[sflag:s22] =	ssyncset.done $0x0  }
0x7d: {  	s28 =	simm.s32 $0x39F0;
	[sflag:s22] =	ssyncadd.s32 $0xFFFFE000  }
0x7e: {  	v0 =	vld [tilespmem:s28+$0x0]  }
0x7f: {  	v1 =	vld [tilespmem:s28+$0xFFFFFF20]  }
0x80: {  	v2 =	vld [tilespmem:s28+$0xFFFFFF30]  }
0x81: {  	v3 =	vld [tilespmem:s28+$0xFFFFFF40]  }
0x82: {  	v4 =	vld [tilespmem:s28+$0xFFFFFF50]  }
0x83: {  	v5 =	vld [tilespmem:s28+$0xFFFFFF60];
	v0 =	vmul.f32 $1.131370830e+01, v0  }
0x84: {  	v6 =	vld [tilespmem:s28+$0xFFFFFF70];
	v1 =	vmul.f32 $1.131370830e+01, v1  }
0x85: {  	v7 =	vld [tilespmem:s28+$0xFFFFFF80];
	v2 =	vmul.f32 $1.131370830e+01, v2;
	[tilespmem:s28+$0x0] =	vst v0  }
0x86: {  	[tilespmem:s28+$0xFFFFFF20] =	vst v1;
	v0 =	vmul.f32 $1.131370830e+01, v3;
	v3 =	vld [tilespmem:s28+$0xFFFFFF90]  }
0x87: {  	[tilespmem:s28+$0xFFFFFF30] =	vst v2;
	v1 =	vmul.f32 $1.131370830e+01, v4;
	v4 =	vld [tilespmem:s28+$0xFFFFFFA0]  }
0x88: {  	v8 =	vld [tilespmem:s28+$0xFFFFFFB0];
	v2 =	vmul.f32 $1.131370830e+01, v5;
	[tilespmem:s28+$0xFFFFFF40] =	vst v0  }
0x89: {  	v5 =	vmul.f32 $1.131370830e+01, v6;
	[tilespmem:s28+$0xFFFFFF50] =	vst v1;
	v0 =	vld [tilespmem:s28+$0xFFFFFFC0]  }
0x8a: {  	[tilespmem:s28+$0xFFFFFF60] =	vst v2;
	v2 =	vmul.f32 $1.131370830e+01, v7;
	v1 =	vld [tilespmem:s28+$0xFFFFFFD0]  }
0x8b: {  	[tilespmem:s28+$0xFFFFFF70] =	vst v5;
	v6 =	vmul.f32 $1.131370830e+01, v3;
	v3 =	vld [tilespmem:s28+$0xFFFFFFE0]  }
0x8c: {  	[tilespmem:s28+$0xFFFFFF80] =	vst v2;
	v2 =	vld [tilespmem:s28+$0xFFFFFFF0];
	v5 =	vmul.f32 $1.131370830e+01, v4  }
0x8d: {  	s8 =	simm.s32 $0x0;
	s9 =	simm.s32 $0x3AF0;
	v4 =	vld [tilespmem:s28+$0xFFFFFF10];
	[tilespmem:s28+$0xFFFFFF90] =	vst v6;
	v6 =	vmul.f32 $1.131370830e+01, v8  }
.LBB2_5:
0x8e: {  	v7 =	vld [tilespmem:s9+$0x0];
	s8 =	sadd.s32 $0x2, s8;
	[tilespmem:s28+$0xFFFFFFA0] =	vst v5;
	v0 =	vmul.f32 $1.131370830e+01, v0  }
0x8f: {  	v5 =	vld [tilespmem:s9+$0xFFFFFF20];
	p1 =	slt.u32 s8, $0x3E;
	[tilespmem:s28+$0xFFFFFFB0] =	vst v6;
	v1 =	vmul.f32 $1.131370830e+01, v1  }
0x90: {  	v6 =	vld [tilespmem:s9+$0xFFFFFF30];
	[tilespmem:s28+$0xFFFFFFC0] =	vst v0;
	v0 =	vmul.f32 $1.131370830e+01, v3  }
0x91: {  	v3 =	vld [tilespmem:s9+$0xFFFFFF40];
	[tilespmem:s28+$0xFFFFFFD0] =	vst v1;
	v1 =	vmul.f32 $1.131370830e+01, v2  }
0x92: {  	v2 =	vld [tilespmem:s9+$0xFFFFFF50];
	v4 =	vmul.f32 $1.131370830e+01, v4;
	[tilespmem:s28+$0xFFFFFFE0] =	vst v0  }
0x93: {  	v0 =	vld [tilespmem:s9+$0xFFFFFF60];
	v7 =	vmul.f32 $1.131370830e+01, v7;
	[tilespmem:s28+$0xFFFFFFF0] =	vst v1  }
0x94: {  	v1 =	vmul.f32 $1.131370830e+01, v5;
	v5 =	vld [tilespmem:s9+$0xFFFFFF70];
	[tilespmem:s28+$0xFFFFFF10] =	vst v4;
	s28 =	smov.u32 s9  }
0x95: {  	v4 =	vmul.f32 $1.131370830e+01, v6;
	v6 =	vld [tilespmem:s9+$0xFFFFFF80];
	[tilespmem:s9+$0x0] =	vst v7  }
0x96: {  	[tilespmem:s9+$0xFFFFFF20] =	vst v1;
	v1 =	vmul.f32 $1.131370830e+01, v3;
	v3 =	vld [tilespmem:s9+$0xFFFFFF90]  }
0x97: {  	[tilespmem:s9+$0xFFFFFF30] =	vst v4;
	v2 =	vmul.f32 $1.131370830e+01, v2;
	v4 =	vld [tilespmem:s9+$0xFFFFFFA0]  }
0x98: {  	[tilespmem:s9+$0xFFFFFF40] =	vst v1;
	v1 =	vmul.f32 $1.131370830e+01, v0;
	v7 =	vld [tilespmem:s9+$0xFFFFFFB0]  }
.Ltmp3:
0x99: {  	[tilespmem:s9+$0xFFFFFF50] =	vst v2;
	v2 =	vmul.f32 $1.131370830e+01, v5;
	v0 =	vld [tilespmem:s9+$0xFFFFFFC0];
	(pc) =	sbr.rel @p1 .LBB2_5-.Ltmp3, $4  }
0x9a: {  	[tilespmem:s9+$0xFFFFFF60] =	vst v1;
	v5 =	vmul.f32 $1.131370830e+01, v6;
	v1 =	vld [tilespmem:s9+$0xFFFFFFD0]  }
0x9b: {  	[tilespmem:s9+$0xFFFFFF70] =	vst v2;
	v6 =	vmul.f32 $1.131370830e+01, v3;
	v3 =	vld [tilespmem:s9+$0xFFFFFFE0]  }
0x9c: {  	[tilespmem:s9+$0xFFFFFF80] =	vst v5;
	v5 =	vmul.f32 $1.131370830e+01, v4;
	v2 =	vld [tilespmem:s9+$0xFFFFFFF0]  }
0x9d: {  	s9 =	sadd.s32 $0x100, s9;
	v4 =	vld [tilespmem:s28+$0xFFFFFF10];
	[tilespmem:s28+$0xFFFFFF90] =	vst v6;
	v6 =	vmul.f32 $1.131370830e+01, v7  }
0x9e: {  	[tilespmem:s28+$0xFFFFFFA0] =	vst v5;
	v0 =	vmul.f32 $1.131370830e+01, v0  }
0x9f: {  	[tilespmem:s28+$0xFFFFFFB0] =	vst v6;
	v1 =	vmul.f32 $1.131370830e+01, v1  }
0xa0: {  	[tilespmem:s28+$0xFFFFFFC0] =	vst v0;
	v0 =	vmul.f32 $1.131370830e+01, v3  }
0xa1: {  	[tilespmem:s28+$0xFFFFFFD0] =	vst v1  }
0xa2: {  	s30 =	smul.u32 $0x14000, s23;
	[tilespmem:s28+$0xFFFFFFE0] =	vst v0  }
0xa3: {  	v1 =	vmul.f32 $1.131370830e+01, v2;
	s8 =	rddreg [dreg:$0x5]  }
0xa4: {  	v2 =	vmul.f32 $1.131370830e+01, v4;
	s8 =	sadd.s32 s8, s30  }
0xa5: {  	[tilespmem:s28+$0xFFFFFFF0] =	vst v1;
	s8 =	sshrl.u32 s8, $0x3  }
0xa6: {  	s9 =	simm.s32 $0x3900;
	[tilespmem:s28+$0xFFFFFF10] =	vst v2;
	s8 =	sadd.s32 s3, s8  }
0xa7: {  	[hbm4b:s8+s4] =	stream.linear.scatter [tilespmem:s9], [sflag:$0xC], $0x2000, $0x38;
	[tilespmem:$0x15900] =	vst v63  }
0xa8: {  	s8 =	simm.s32 @!p0 $0x14  }
0xa9: {  	s28 =	sadd.s32 $0x9, s5;
	_ =	swait.ge @!p0 [sflag:s8], $0x2000  }
0xaa: {  	s5 =	sshll.u32 s28, $0x6;
	[sflag:s8] =	ssyncset.done @!p0 $0x0  }
0xab: {  	s5 =	sand.u32 $0x3FFFFFC0, s5;
	[sflag:s8] =	ssyncadd.s32 @!p0 $0xFFFFE000  }
0xac: {  	[tilespmem:s24], [sflag:$0xA] =	stream.indirect.gather [hbm4b:s1+s17], $0x80, s5, s17, $0xb8;
	[tilespmem:$0x15900] =	vst v63  }
0xad: {  	_ =	swait.ge [sflag:s26], $0x2000  }
0xae: {  	[sflag:s26] =	ssyncset.done $0x0  }
0xaf: {  	s5 =	simm.s32 $0x5900;
	[sflag:s26] =	ssyncadd.s32 $0xFFFFE000  }
0xb0: {  	v0 =	vld [tilespmem:s5+$0xF0]  }
0xb1: {  	v1 =	vld [tilespmem:s5+$0x10]  }
0xb2: {  	v2 =	vld [tilespmem:s5+$0x20]  }
0xb3: {  	v3 =	vld [tilespmem:s5+$0x30]  }
0xb4: {  	v4 =	vld [tilespmem:s5+$0x40]  }
0xb5: {  	v5 =	vld [tilespmem:s5+$0x50];
	v0 =	vmul.f32 $1.131370830e+01, v0  }
0xb6: {  	v6 =	vld [tilespmem:s5+$0x60];
	v1 =	vmul.f32 $1.131370830e+01, v1  }
0xb7: {  	v7 =	vld [tilespmem:s5+$0x70];
	v2 =	vmul.f32 $1.131370830e+01, v2;
	[tilespmem:s5+$0xF0] =	vst v0  }
0xb8: {  	[tilespmem:s5+$0x10] =	vst v1;
	v0 =	vmul.f32 $1.131370830e+01, v3;
	v3 =	vld [tilespmem:s5+$0x80]  }
0xb9: {  	[tilespmem:s5+$0x20] =	vst v2;
	v1 =	vmul.f32 $1.131370830e+01, v4;
	v4 =	vld [tilespmem:s5+$0x90]  }
0xba: {  	v8 =	vld [tilespmem:s5+$0xA0];
	v2 =	vmul.f32 $1.131370830e+01, v5;
	[tilespmem:s5+$0x30] =	vst v0  }
0xbb: {  	v5 =	vmul.f32 $1.131370830e+01, v6;
	[tilespmem:s5+$0x40] =	vst v1;
	v0 =	vld [tilespmem:s5+$0xB0]  }
0xbc: {  	v6 =	vmul.f32 $1.131370830e+01, v7;
	[tilespmem:s5+$0x50] =	vst v2;
	v1 =	vld [tilespmem:s5+$0xC0]  }
0xbd: {  	[tilespmem:s5+$0x60] =	vst v5;
	v2 =	vld [tilespmem:s5+$0xD0];
	v7 =	vmul.f32 $1.131370830e+01, v3  }
0xbe: {  	[tilespmem:s5+$0x70] =	vst v6;
	v3 =	vld [tilespmem:s5+$0xE0];
	v5 =	vmul.f32 $1.131370830e+01, v4  }
0xbf: {  	s9 =	simm.s32 $0x5A00;
	s8 =	simm.s32 $0x0;
	v6 =	vmul.f32 $1.131370830e+01, v8;
	v4 =	vld [tilespmem:s5+$0x0];
	[tilespmem:s5+$0x80] =	vst v7  }
.LBB2_7:
0xc0: {  	v7 =	vld [tilespmem:s9+$0xF0];
	s8 =	sadd.s32 $0x2, s8;
	[tilespmem:s5+$0x90] =	vst v5;
	v0 =	vmul.f32 $1.131370830e+01, v0  }
0xc1: {  	v5 =	vld [tilespmem:s9+$0x10];
	p0 =	slt.u32 s8, $0x3E;
	[tilespmem:s5+$0xA0] =	vst v6;
	v1 =	vmul.f32 $1.131370830e+01, v1  }
0xc2: {  	v6 =	vld [tilespmem:s9+$0x20];
	[tilespmem:s5+$0xB0] =	vst v0;
	v0 =	vmul.f32 $1.131370830e+01, v2  }
0xc3: {  	v2 =	vld [tilespmem:s9+$0x30];
	[tilespmem:s5+$0xC0] =	vst v1;
	v1 =	vmul.f32 $1.131370830e+01, v3  }
0xc4: {  	v3 =	vld [tilespmem:s9+$0x40];
	v4 =	vmul.f32 $1.131370830e+01, v4;
	[tilespmem:s5+$0xD0] =	vst v0  }
0xc5: {  	v0 =	vld [tilespmem:s9+$0x50];
	v7 =	vmul.f32 $1.131370830e+01, v7;
	[tilespmem:s5+$0xE0] =	vst v1  }
0xc6: {  	v1 =	vmul.f32 $1.131370830e+01, v5;
	v5 =	vld [tilespmem:s9+$0x60];
	[tilespmem:s5+$0x0] =	vst v4;
	s5 =	smov.u32 s9  }
0xc7: {  	v4 =	vmul.f32 $1.131370830e+01, v6;
	v6 =	vld [tilespmem:s9+$0x70];
	[tilespmem:s9+$0xF0] =	vst v7  }
0xc8: {  	[tilespmem:s9+$0x10] =	vst v1;
	v1 =	vmul.f32 $1.131370830e+01, v2;
	v2 =	vld [tilespmem:s9+$0x80]  }
0xc9: {  	[tilespmem:s9+$0x20] =	vst v4;
	v3 =	vmul.f32 $1.131370830e+01, v3;
	v4 =	vld [tilespmem:s9+$0x90]  }
0xca: {  	[tilespmem:s9+$0x30] =	vst v1;
	v1 =	vmul.f32 $1.131370830e+01, v0;
	v7 =	vld [tilespmem:s9+$0xA0]  }
.Ltmp4:
0xcb: {  	[tilespmem:s9+$0x40] =	vst v3;
	v3 =	vmul.f32 $1.131370830e+01, v5;
	v0 =	vld [tilespmem:s9+$0xB0];
	(pc) =	sbr.rel @p0 .LBB2_7-.Ltmp4, $4  }
0xcc: {  	[tilespmem:s9+$0x50] =	vst v1;
	v5 =	vmul.f32 $1.131370830e+01, v6;
	v1 =	vld [tilespmem:s9+$0xC0]  }
0xcd: {  	[tilespmem:s9+$0x60] =	vst v3;
	v6 =	vmul.f32 $1.131370830e+01, v2;
	v2 =	vld [tilespmem:s9+$0xD0]  }
0xce: {  	[tilespmem:s9+$0x70] =	vst v5;
	v5 =	vmul.f32 $1.131370830e+01, v4;
	v3 =	vld [tilespmem:s9+$0xE0]  }
0xcf: {  	s9 =	sadd.s32 $0x100, s9;
	v4 =	vld [tilespmem:s5+$0x0];
	[tilespmem:s5+$0x80] =	vst v6;
	v6 =	vmul.f32 $1.131370830e+01, v7  }
0xd0: {  	[tilespmem:s5+$0x90] =	vst v5;
	v0 =	vmul.f32 $1.131370830e+01, v0  }
0xd1: {  	[tilespmem:s5+$0xA0] =	vst v6;
	v1 =	vmul.f32 $1.131370830e+01, v1  }
0xd2: {  	[tilespmem:s5+$0xB0] =	vst v0;
	v0 =	vmul.f32 $1.131370830e+01, v2  }
0xd3: {  	[tilespmem:s5+$0xC0] =	vst v1  }
0xd4: {  	[tilespmem:s5+$0xD0] =	vst v0  }
0xd5: {  	v1 =	vmul.f32 $1.131370830e+01, v3;
	s8 =	rddreg [dreg:$0x6]  }
0xd6: {  	v2 =	vmul.f32 $1.131370830e+01, v4;
	s8 =	sadd.s32 s8, s30  }
0xd7: {  	p0 =	seq.s32 s23, $0x9;
	[tilespmem:s5+$0xE0] =	vst v1;
	s8 =	sshrl.u32 s8, $0x3  }
0xd8: {  	s10 =	simm.s32 $0x5900;
	[tilespmem:s5+$0x0] =	vst v2;
	s5 =	simm.s32 @!p0 $0xB;
	s9 =	sadd.s32 s3, s8  }
0xd9: {  	[hbm4b:s9+s4] =	stream.linear.scatter [tilespmem:s10], [sflag:$0xD], $0x2000, $0x38;
	[tilespmem:$0x15900] =	vst v63  }
0xda: {  	s8 =	smul.u32 @!p0 $0xA00, s23;
	_ =	swait.ge @!p0 [sflag:s5], $0x2000  }
0xdb: {  	[sflag:s5] =	ssyncset.done @!p0 $0x0  }
0xdc: {  	[sflag:s5] =	ssyncadd.s32 @!p0 $0xFFFFE000;
	s5 =	sshra.s32 @!p0 s8, $0x2  }
0xdd: {  	s9 =	simm.s32 @!p0 $0x40;
	s10 =	simm.s32 @!p0 $0x1900;
	s8 =	sadd.s32 @!p0 $0x280, s5  }
0xde: {  	[tilespmem:s10], [sflag:$0x1] =	stream.indirect.gather @!p0 [hbm4b:s1+s9], $0x80, s8, s9, $0xb8;
	[tilespmem:$0x15900] =	vst v63  }
0xdf: {  	_ =	swait.ge [sflag:s29], $0x2000  }
0xe0: {  	[sflag:s29] =	ssyncset.done $0x0  }
0xe1: {  	s8 =	simm.s32 $0x7900;
	[sflag:s29] =	ssyncadd.s32 $0xFFFFE000  }
0xe2: {  	v0 =	vld [tilespmem:s8+$0xF0]  }
0xe3: {  	v1 =	vld [tilespmem:s8+$0x10]  }
0xe4: {  	v2 =	vld [tilespmem:s8+$0x20]  }
0xe5: {  	v3 =	vld [tilespmem:s8+$0x30]  }
0xe6: {  	v4 =	vld [tilespmem:s8+$0x40]  }
0xe7: {  	v5 =	vld [tilespmem:s8+$0x50];
	v0 =	vmul.f32 $1.131370830e+01, v0  }
0xe8: {  	v6 =	vld [tilespmem:s8+$0x60];
	v1 =	vmul.f32 $1.131370830e+01, v1  }
0xe9: {  	v7 =	vld [tilespmem:s8+$0x70];
	v2 =	vmul.f32 $1.131370830e+01, v2;
	[tilespmem:s8+$0xF0] =	vst v0  }
0xea: {  	[tilespmem:s8+$0x10] =	vst v1;
	v0 =	vmul.f32 $1.131370830e+01, v3;
	v3 =	vld [tilespmem:s8+$0x80]  }
0xeb: {  	[tilespmem:s8+$0x20] =	vst v2;
	v1 =	vmul.f32 $1.131370830e+01, v4;
	v4 =	vld [tilespmem:s8+$0x90]  }
0xec: {  	v8 =	vld [tilespmem:s8+$0xA0];
	v2 =	vmul.f32 $1.131370830e+01, v5;
	[tilespmem:s8+$0x30] =	vst v0  }
0xed: {  	v5 =	vmul.f32 $1.131370830e+01, v6;
	[tilespmem:s8+$0x40] =	vst v1;
	v0 =	vld [tilespmem:s8+$0xB0]  }
0xee: {  	v6 =	vmul.f32 $1.131370830e+01, v7;
	[tilespmem:s8+$0x50] =	vst v2;
	v1 =	vld [tilespmem:s8+$0xC0]  }
0xef: {  	[tilespmem:s8+$0x60] =	vst v5;
	v2 =	vld [tilespmem:s8+$0xD0];
	v7 =	vmul.f32 $1.131370830e+01, v3  }
0xf0: {  	[tilespmem:s8+$0x70] =	vst v6;
	v3 =	vld [tilespmem:s8+$0xE0];
	v5 =	vmul.f32 $1.131370830e+01, v4  }
0xf1: {  	s9 =	simm.s32 $0x0;
	s10 =	simm.s32 $0x7A00;
	v6 =	vmul.f32 $1.131370830e+01, v8;
	v4 =	vld [tilespmem:s8+$0x0];
	[tilespmem:s8+$0x80] =	vst v7  }
.LBB2_9:
0xf2: {  	v7 =	vld [tilespmem:s10+$0xF0];
	s9 =	sadd.s32 $0x2, s9;
	[tilespmem:s8+$0x90] =	vst v5;
	v0 =	vmul.f32 $1.131370830e+01, v0  }
0xf3: {  	v5 =	vld [tilespmem:s10+$0x10];
	p1 =	slt.u32 s9, $0x3E;
	[tilespmem:s8+$0xA0] =	vst v6;
	v1 =	vmul.f32 $1.131370830e+01, v1  }
0xf4: {  	v6 =	vld [tilespmem:s10+$0x20];
	[tilespmem:s8+$0xB0] =	vst v0;
	v0 =	vmul.f32 $1.131370830e+01, v2  }
0xf5: {  	v2 =	vld [tilespmem:s10+$0x30];
	[tilespmem:s8+$0xC0] =	vst v1;
	v1 =	vmul.f32 $1.131370830e+01, v3  }
0xf6: {  	v3 =	vld [tilespmem:s10+$0x40];
	v4 =	vmul.f32 $1.131370830e+01, v4;
	[tilespmem:s8+$0xD0] =	vst v0  }
0xf7: {  	v0 =	vld [tilespmem:s10+$0x50];
	v7 =	vmul.f32 $1.131370830e+01, v7;
	[tilespmem:s8+$0xE0] =	vst v1  }
0xf8: {  	v1 =	vmul.f32 $1.131370830e+01, v5;
	v5 =	vld [tilespmem:s10+$0x60];
	[tilespmem:s8+$0x0] =	vst v4;
	s8 =	smov.u32 s10  }
0xf9: {  	v4 =	vmul.f32 $1.131370830e+01, v6;
	v6 =	vld [tilespmem:s10+$0x70];
	[tilespmem:s10+$0xF0] =	vst v7  }
0xfa: {  	[tilespmem:s10+$0x10] =	vst v1;
	v1 =	vmul.f32 $1.131370830e+01, v2;
	v2 =	vld [tilespmem:s10+$0x80]  }
0xfb: {  	[tilespmem:s10+$0x20] =	vst v4;
	v3 =	vmul.f32 $1.131370830e+01, v3;
	v4 =	vld [tilespmem:s10+$0x90]  }
0xfc: {  	[tilespmem:s10+$0x30] =	vst v1;
	v1 =	vmul.f32 $1.131370830e+01, v0;
	v7 =	vld [tilespmem:s10+$0xA0]  }
.Ltmp5:
0xfd: {  	[tilespmem:s10+$0x40] =	vst v3;
	v3 =	vmul.f32 $1.131370830e+01, v5;
	v0 =	vld [tilespmem:s10+$0xB0];
	(pc) =	sbr.rel @p1 .LBB2_9-.Ltmp5, $4  }
0xfe: {  	[tilespmem:s10+$0x50] =	vst v1;
	v5 =	vmul.f32 $1.131370830e+01, v6;
	v1 =	vld [tilespmem:s10+$0xC0]  }
0xff: {  	[tilespmem:s10+$0x60] =	vst v3;
	v6 =	vmul.f32 $1.131370830e+01, v2;
	v2 =	vld [tilespmem:s10+$0xD0]  }
0x100: {  	[tilespmem:s10+$0x70] =	vst v5;
	v5 =	vmul.f32 $1.131370830e+01, v4;
	v3 =	vld [tilespmem:s10+$0xE0]  }
0x101: {  	s10 =	sadd.s32 $0x100, s10;
	v4 =	vld [tilespmem:s8+$0x0];
	[tilespmem:s8+$0x80] =	vst v6;
	v6 =	vmul.f32 $1.131370830e+01, v7  }
0x102: {  	[tilespmem:s8+$0x90] =	vst v5;
	v0 =	vmul.f32 $1.131370830e+01, v0  }
0x103: {  	[tilespmem:s8+$0xA0] =	vst v6;
	v1 =	vmul.f32 $1.131370830e+01, v1  }
0x104: {  	[tilespmem:s8+$0xB0] =	vst v0;
	v0 =	vmul.f32 $1.131370830e+01, v2  }
0x105: {  	[tilespmem:s8+$0xC0] =	vst v1  }
0x106: {  	[tilespmem:s8+$0xD0] =	vst v0  }
0x107: {  	v1 =	vmul.f32 $1.131370830e+01, v3;
	s9 =	rddreg [dreg:$0x7]  }
0x108: {  	v2 =	vmul.f32 $1.131370830e+01, v4;
	s9 =	sadd.s32 s9, s30  }
0x109: {  	[tilespmem:s8+$0xE0] =	vst v1;
	s9 =	sshrl.u32 s9, $0x3  }
0x10a: {  	s10 =	simm.s32 $0x7900;
	[tilespmem:s8+$0x0] =	vst v2;
	s8 =	simm.s32 @!p0 $0xC;
	s9 =	sadd.s32 s3, s9  }
0x10b: {  	[hbm4b:s9+s4] =	stream.linear.scatter [tilespmem:s10], [sflag:$0xE], $0x2000, $0x38;
	[tilespmem:$0x15900] =	vst v63  }
0x10c: {  	_ =	swait.ge @!p0 [sflag:s8], $0x2000  }
0x10d: {  	s9 =	simm.s32 @!p0 $0x40;
	[sflag:s8] =	ssyncset.done @!p0 $0x0  }
0x10e: {  	s10 =	simm.s32 @!p0 $0x3900;
	[sflag:s8] =	ssyncadd.s32 @!p0 $0xFFFFE000;
	s8 =	sadd.s32 @!p0 $0x2C0, s5  }
0x10f: {  	[tilespmem:s10], [sflag:$0x2] =	stream.indirect.gather @!p0 [hbm4b:s1+s9], $0x80, s8, s9, $0xb8;
	[tilespmem:$0x15900] =	vst v63  }
0x110: {  	_ =	swait.ge [sflag:s31], $0x2000  }
0x111: {  	[sflag:s31] =	ssyncset.done $0x0  }
0x112: {  	s8 =	simm.s32 $0x9900;
	[sflag:s31] =	ssyncadd.s32 $0xFFFFE000  }
0x113: {  	v0 =	vld [tilespmem:s8+$0xF0]  }
0x114: {  	v1 =	vld [tilespmem:s8+$0x10]  }
0x115: {  	v2 =	vld [tilespmem:s8+$0x20]  }
0x116: {  	v3 =	vld [tilespmem:s8+$0x30]  }
0x117: {  	v4 =	vld [tilespmem:s8+$0x40]  }
0x118: {  	v5 =	vld [tilespmem:s8+$0x50];
	v0 =	vmul.f32 $1.131370830e+01, v0  }
0x119: {  	v6 =	vld [tilespmem:s8+$0x60];
	v1 =	vmul.f32 $1.131370830e+01, v1  }
0x11a: {  	v7 =	vld [tilespmem:s8+$0x70];
	v2 =	vmul.f32 $1.131370830e+01, v2;
	[tilespmem:s8+$0xF0] =	vst v0  }
0x11b: {  	[tilespmem:s8+$0x10] =	vst v1;
	v0 =	vmul.f32 $1.131370830e+01, v3;
	v3 =	vld [tilespmem:s8+$0x80]  }
0x11c: {  	[tilespmem:s8+$0x20] =	vst v2;
	v1 =	vmul.f32 $1.131370830e+01, v4;
	v4 =	vld [tilespmem:s8+$0x90]  }
0x11d: {  	v8 =	vld [tilespmem:s8+$0xA0];
	v2 =	vmul.f32 $1.131370830e+01, v5;
	[tilespmem:s8+$0x30] =	vst v0  }
0x11e: {  	v5 =	vmul.f32 $1.131370830e+01, v6;
	[tilespmem:s8+$0x40] =	vst v1;
	v0 =	vld [tilespmem:s8+$0xB0]  }
0x11f: {  	v6 =	vmul.f32 $1.131370830e+01, v7;
	[tilespmem:s8+$0x50] =	vst v2;
	v1 =	vld [tilespmem:s8+$0xC0]  }
0x120: {  	[tilespmem:s8+$0x60] =	vst v5;
	v2 =	vld [tilespmem:s8+$0xD0];
	v7 =	vmul.f32 $1.131370830e+01, v3  }
0x121: {  	[tilespmem:s8+$0x70] =	vst v6;
	v3 =	vld [tilespmem:s8+$0xE0];
	v5 =	vmul.f32 $1.131370830e+01, v4  }
0x122: {  	s9 =	simm.s32 $0x0;
	s10 =	simm.s32 $0x9A00;
	v6 =	vmul.f32 $1.131370830e+01, v8;
	v4 =	vld [tilespmem:s8+$0x0];
	[tilespmem:s8+$0x80] =	vst v7  }
.LBB2_11:
0x123: {  	v7 =	vld [tilespmem:s10+$0xF0];
	s9 =	sadd.s32 $0x2, s9;
	[tilespmem:s8+$0x90] =	vst v5;
	v0 =	vmul.f32 $1.131370830e+01, v0  }
0x124: {  	v5 =	vld [tilespmem:s10+$0x10];
	p1 =	slt.u32 s9, $0x3E;
	[tilespmem:s8+$0xA0] =	vst v6;
	v1 =	vmul.f32 $1.131370830e+01, v1  }
0x125: {  	v6 =	vld [tilespmem:s10+$0x20];
	[tilespmem:s8+$0xB0] =	vst v0;
	v0 =	vmul.f32 $1.131370830e+01, v2  }
0x126: {  	v2 =	vld [tilespmem:s10+$0x30];
	[tilespmem:s8+$0xC0] =	vst v1;
	v1 =	vmul.f32 $1.131370830e+01, v3  }
0x127: {  	v3 =	vld [tilespmem:s10+$0x40];
	v4 =	vmul.f32 $1.131370830e+01, v4;
	[tilespmem:s8+$0xD0] =	vst v0  }
0x128: {  	v0 =	vld [tilespmem:s10+$0x50];
	v7 =	vmul.f32 $1.131370830e+01, v7;
	[tilespmem:s8+$0xE0] =	vst v1  }
0x129: {  	v1 =	vmul.f32 $1.131370830e+01, v5;
	v5 =	vld [tilespmem:s10+$0x60];
	[tilespmem:s8+$0x0] =	vst v4;
	s8 =	smov.u32 s10  }
0x12a: {  	v4 =	vmul.f32 $1.131370830e+01, v6;
	v6 =	vld [tilespmem:s10+$0x70];
	[tilespmem:s10+$0xF0] =	vst v7  }
0x12b: {  	[tilespmem:s10+$0x10] =	vst v1;
	v1 =	vmul.f32 $1.131370830e+01, v2;
	v2 =	vld [tilespmem:s10+$0x80]  }
0x12c: {  	[tilespmem:s10+$0x20] =	vst v4;
	v3 =	vmul.f32 $1.131370830e+01, v3;
	v4 =	vld [tilespmem:s10+$0x90]  }
0x12d: {  	[tilespmem:s10+$0x30] =	vst v1;
	v1 =	vmul.f32 $1.131370830e+01, v0;
	v7 =	vld [tilespmem:s10+$0xA0]  }
.Ltmp6:
0x12e: {  	[tilespmem:s10+$0x40] =	vst v3;
	v3 =	vmul.f32 $1.131370830e+01, v5;
	v0 =	vld [tilespmem:s10+$0xB0];
	(pc) =	sbr.rel @p1 .LBB2_11-.Ltmp6, $4  }
0x12f: {  	[tilespmem:s10+$0x50] =	vst v1;
	v5 =	vmul.f32 $1.131370830e+01, v6;
	v1 =	vld [tilespmem:s10+$0xC0]  }
0x130: {  	[tilespmem:s10+$0x60] =	vst v3;
	v6 =	vmul.f32 $1.131370830e+01, v2;
	v2 =	vld [tilespmem:s10+$0xD0]  }
0x131: {  	[tilespmem:s10+$0x70] =	vst v5;
	v5 =	vmul.f32 $1.131370830e+01, v4;
	v3 =	vld [tilespmem:s10+$0xE0]  }
0x132: {  	s10 =	sadd.s32 $0x100, s10;
	v4 =	vld [tilespmem:s8+$0x0];
	[tilespmem:s8+$0x80] =	vst v6;
	v6 =	vmul.f32 $1.131370830e+01, v7  }
0x133: {  	[tilespmem:s8+$0x90] =	vst v5;
	v0 =	vmul.f32 $1.131370830e+01, v0  }
0x134: {  	[tilespmem:s8+$0xA0] =	vst v6;
	v1 =	vmul.f32 $1.131370830e+01, v1  }
0x135: {  	[tilespmem:s8+$0xB0] =	vst v0;
	v0 =	vmul.f32 $1.131370830e+01, v2  }
0x136: {  	[tilespmem:s8+$0xC0] =	vst v1  }
0x137: {  	[tilespmem:s8+$0xD0] =	vst v0  }
0x138: {  	v1 =	vmul.f32 $1.131370830e+01, v3;
	s9 =	rddreg [dreg:$0x8]  }
0x139: {  	v2 =	vmul.f32 $1.131370830e+01, v4;
	s9 =	sadd.s32 s9, s30  }
0x13a: {  	[tilespmem:s8+$0xE0] =	vst v1;
	s9 =	sshrl.u32 s9, $0x3  }
0x13b: {  	s10 =	simm.s32 $0x9900;
	[tilespmem:s8+$0x0] =	vst v2;
	s8 =	simm.s32 @!p0 $0xD;
	s9 =	sadd.s32 s3, s9  }
0x13c: {  	[hbm4b:s9+s4] =	stream.linear.scatter [tilespmem:s10], [sflag:$0xF], $0x2000, $0x38;
	[tilespmem:$0x15900] =	vst v63  }
0x13d: {  	_ =	swait.ge @!p0 [sflag:s8], $0x2000  }
0x13e: {  	s9 =	simm.s32 @!p0 $0x40;
	[sflag:s8] =	ssyncset.done @!p0 $0x0  }
0x13f: {  	s10 =	simm.s32 @!p0 $0x5900;
	[sflag:s8] =	ssyncadd.s32 @!p0 $0xFFFFE000;
	s8 =	sadd.s32 @!p0 $0x300, s5  }
0x140: {  	[tilespmem:s10], [sflag:$0x3] =	stream.indirect.gather @!p0 [hbm4b:s1+s9], $0x80, s8, s9, $0xb8;
	[tilespmem:$0x15900] =	vst v63  }
0x141: {  	_ =	swait.ge [sflag:s7], $0x2000  }
0x142: {  	[sflag:s7] =	ssyncset.done $0x0  }
0x143: {  	s8 =	simm.s32 $0xB900;
	[sflag:s7] =	ssyncadd.s32 $0xFFFFE000  }
0x144: {  	v0 =	vld [tilespmem:s8+$0xF0]  }
0x145: {  	v1 =	vld [tilespmem:s8+$0x10]  }
0x146: {  	v2 =	vld [tilespmem:s8+$0x20]  }
0x147: {  	v3 =	vld [tilespmem:s8+$0x30]  }
0x148: {  	v4 =	vld [tilespmem:s8+$0x40]  }
0x149: {  	v5 =	vld [tilespmem:s8+$0x50];
	v0 =	vmul.f32 $1.131370830e+01, v0  }
0x14a: {  	v6 =	vld [tilespmem:s8+$0x60];
	v1 =	vmul.f32 $1.131370830e+01, v1  }
0x14b: {  	v7 =	vld [tilespmem:s8+$0x70];
	v2 =	vmul.f32 $1.131370830e+01, v2;
	[tilespmem:s8+$0xF0] =	vst v0  }
0x14c: {  	[tilespmem:s8+$0x10] =	vst v1;
	v0 =	vmul.f32 $1.131370830e+01, v3;
	v3 =	vld [tilespmem:s8+$0x80]  }
0x14d: {  	[tilespmem:s8+$0x20] =	vst v2;
	v1 =	vmul.f32 $1.131370830e+01, v4;
	v4 =	vld [tilespmem:s8+$0x90]  }
0x14e: {  	v8 =	vld [tilespmem:s8+$0xA0];
	v2 =	vmul.f32 $1.131370830e+01, v5;
	[tilespmem:s8+$0x30] =	vst v0  }
0x14f: {  	v5 =	vmul.f32 $1.131370830e+01, v6;
	[tilespmem:s8+$0x40] =	vst v1;
	v0 =	vld [tilespmem:s8+$0xB0]  }
0x150: {  	v6 =	vmul.f32 $1.131370830e+01, v7;
	[tilespmem:s8+$0x50] =	vst v2;
	v1 =	vld [tilespmem:s8+$0xC0]  }
0x151: {  	[tilespmem:s8+$0x60] =	vst v5;
	v2 =	vld [tilespmem:s8+$0xD0];
	v7 =	vmul.f32 $1.131370830e+01, v3  }
0x152: {  	[tilespmem:s8+$0x70] =	vst v6;
	v3 =	vld [tilespmem:s8+$0xE0];
	v5 =	vmul.f32 $1.131370830e+01, v4  }
0x153: {  	s9 =	simm.s32 $0x0;
	s10 =	simm.s32 $0xBA00;
	v6 =	vmul.f32 $1.131370830e+01, v8;
	v4 =	vld [tilespmem:s8+$0x0];
	[tilespmem:s8+$0x80] =	vst v7  }
.LBB2_13:
0x154: {  	v7 =	vld [tilespmem:s10+$0xF0];
	s9 =	sadd.s32 $0x2, s9;
	[tilespmem:s8+$0x90] =	vst v5;
	v0 =	vmul.f32 $1.131370830e+01, v0  }
0x155: {  	v5 =	vld [tilespmem:s10+$0x10];
	p1 =	slt.u32 s9, $0x3E;
	[tilespmem:s8+$0xA0] =	vst v6;
	v1 =	vmul.f32 $1.131370830e+01, v1  }
0x156: {  	v6 =	vld [tilespmem:s10+$0x20];
	[tilespmem:s8+$0xB0] =	vst v0;
	v0 =	vmul.f32 $1.131370830e+01, v2  }
0x157: {  	v2 =	vld [tilespmem:s10+$0x30];
	[tilespmem:s8+$0xC0] =	vst v1;
	v1 =	vmul.f32 $1.131370830e+01, v3  }
0x158: {  	v3 =	vld [tilespmem:s10+$0x40];
	v4 =	vmul.f32 $1.131370830e+01, v4;
	[tilespmem:s8+$0xD0] =	vst v0  }
0x159: {  	v0 =	vld [tilespmem:s10+$0x50];
	v7 =	vmul.f32 $1.131370830e+01, v7;
	[tilespmem:s8+$0xE0] =	vst v1  }
0x15a: {  	v1 =	vmul.f32 $1.131370830e+01, v5;
	v5 =	vld [tilespmem:s10+$0x60];
	[tilespmem:s8+$0x0] =	vst v4;
	s8 =	smov.u32 s10  }
0x15b: {  	v4 =	vmul.f32 $1.131370830e+01, v6;
	v6 =	vld [tilespmem:s10+$0x70];
	[tilespmem:s10+$0xF0] =	vst v7  }
0x15c: {  	[tilespmem:s10+$0x10] =	vst v1;
	v1 =	vmul.f32 $1.131370830e+01, v2;
	v2 =	vld [tilespmem:s10+$0x80]  }
0x15d: {  	[tilespmem:s10+$0x20] =	vst v4;
	v3 =	vmul.f32 $1.131370830e+01, v3;
	v4 =	vld [tilespmem:s10+$0x90]  }
0x15e: {  	[tilespmem:s10+$0x30] =	vst v1;
	v1 =	vmul.f32 $1.131370830e+01, v0;
	v7 =	vld [tilespmem:s10+$0xA0]  }
.Ltmp7:
0x15f: {  	[tilespmem:s10+$0x40] =	vst v3;
	v3 =	vmul.f32 $1.131370830e+01, v5;
	v0 =	vld [tilespmem:s10+$0xB0];
	(pc) =	sbr.rel @p1 .LBB2_13-.Ltmp7, $4  }
0x160: {  	[tilespmem:s10+$0x50] =	vst v1;
	v5 =	vmul.f32 $1.131370830e+01, v6;
	v1 =	vld [tilespmem:s10+$0xC0]  }
0x161: {  	[tilespmem:s10+$0x60] =	vst v3;
	v6 =	vmul.f32 $1.131370830e+01, v2;
	v2 =	vld [tilespmem:s10+$0xD0]  }
0x162: {  	[tilespmem:s10+$0x70] =	vst v5;
	v5 =	vmul.f32 $1.131370830e+01, v4;
	v3 =	vld [tilespmem:s10+$0xE0]  }
0x163: {  	s10 =	sadd.s32 $0x100, s10;
	v4 =	vld [tilespmem:s8+$0x0];
	[tilespmem:s8+$0x80] =	vst v6;
	v6 =	vmul.f32 $1.131370830e+01, v7  }
0x164: {  	[tilespmem:s8+$0x90] =	vst v5;
	v0 =	vmul.f32 $1.131370830e+01, v0  }
0x165: {  	[tilespmem:s8+$0xA0] =	vst v6;
	v1 =	vmul.f32 $1.131370830e+01, v1  }
0x166: {  	[tilespmem:s8+$0xB0] =	vst v0;
	v0 =	vmul.f32 $1.131370830e+01, v2  }
0x167: {  	[tilespmem:s8+$0xC0] =	vst v1;
	v1 =	vmul.f32 $1.131370830e+01, v3  }
0x168: {  	s9 =	sadd.s32 s12, s30;
	v2 =	vmul.f32 $1.131370830e+01, v4;
	[tilespmem:s8+$0xD0] =	vst v0  }
0x169: {  	s9 =	sshrl.u32 s9, $0x3;
	[tilespmem:s8+$0xE0] =	vst v1  }
0x16a: {  	s10 =	simm.s32 $0xB900;
	s9 =	sadd.s32 s3, s9;
	[tilespmem:s8+$0x0] =	vst v2;
	s8 =	simm.s32 @!p0 $0xE  }
0x16b: {  	[hbm4b:s9+s4] =	stream.linear.scatter [tilespmem:s10], [sflag:$0x10], $0x2000, $0x38;
	[tilespmem:$0x15900] =	vst v63  }
0x16c: {  	_ =	swait.ge @!p0 [sflag:s8], $0x2000  }
0x16d: {  	s9 =	simm.s32 @!p0 $0x40;
	[sflag:s8] =	ssyncset.done @!p0 $0x0  }
0x16e: {  	s10 =	simm.s32 @!p0 $0x7900;
	[sflag:s8] =	ssyncadd.s32 @!p0 $0xFFFFE000;
	s8 =	sadd.s32 @!p0 $0x340, s5  }
0x16f: {  	[tilespmem:s10], [sflag:$0x4] =	stream.indirect.gather @!p0 [hbm4b:s1+s9], $0x80, s8, s9, $0xb8;
	[tilespmem:$0x15900] =	vst v63  }
0x170: {  	_ =	swait.ge [sflag:s15], $0x2000  }
0x171: {  	[sflag:s15] =	ssyncset.done $0x0  }
0x172: {  	s8 =	simm.s32 $0xD900;
	[sflag:s15] =	ssyncadd.s32 $0xFFFFE000  }
0x173: {  	v0 =	vld [tilespmem:s8+$0xF0]  }
0x174: {  	v1 =	vld [tilespmem:s8+$0x10]  }
0x175: {  	v2 =	vld [tilespmem:s8+$0x20]  }
0x176: {  	v3 =	vld [tilespmem:s8+$0x30]  }
0x177: {  	v4 =	vld [tilespmem:s8+$0x40]  }
0x178: {  	v5 =	vld [tilespmem:s8+$0x50];
	v0 =	vmul.f32 $1.131370830e+01, v0  }
0x179: {  	v6 =	vld [tilespmem:s8+$0x60];
	v1 =	vmul.f32 $1.131370830e+01, v1  }
0x17a: {  	v7 =	vld [tilespmem:s8+$0x70];
	v2 =	vmul.f32 $1.131370830e+01, v2;
	[tilespmem:s8+$0xF0] =	vst v0  }
0x17b: {  	[tilespmem:s8+$0x10] =	vst v1;
	v0 =	vmul.f32 $1.131370830e+01, v3;
	v3 =	vld [tilespmem:s8+$0x80]  }
0x17c: {  	[tilespmem:s8+$0x20] =	vst v2;
	v1 =	vmul.f32 $1.131370830e+01, v4;
	v4 =	vld [tilespmem:s8+$0x90]  }
0x17d: {  	v8 =	vld [tilespmem:s8+$0xA0];
	v2 =	vmul.f32 $1.131370830e+01, v5;
	[tilespmem:s8+$0x30] =	vst v0  }
0x17e: {  	v5 =	vmul.f32 $1.131370830e+01, v6;
	[tilespmem:s8+$0x40] =	vst v1;
	v0 =	vld [tilespmem:s8+$0xB0]  }
0x17f: {  	v6 =	vmul.f32 $1.131370830e+01, v7;
	[tilespmem:s8+$0x50] =	vst v2;
	v1 =	vld [tilespmem:s8+$0xC0]  }
0x180: {  	[tilespmem:s8+$0x60] =	vst v5;
	v2 =	vld [tilespmem:s8+$0xD0];
	v7 =	vmul.f32 $1.131370830e+01, v3  }
0x181: {  	[tilespmem:s8+$0x70] =	vst v6;
	v3 =	vld [tilespmem:s8+$0xE0];
	v5 =	vmul.f32 $1.131370830e+01, v4  }
0x182: {  	s9 =	simm.s32 $0x0;
	s10 =	simm.s32 $0xDA00;
	v6 =	vmul.f32 $1.131370830e+01, v8;
	v4 =	vld [tilespmem:s8+$0x0];
	[tilespmem:s8+$0x80] =	vst v7  }
.LBB2_15:
0x183: {  	v7 =	vld [tilespmem:s10+$0xF0];
	s9 =	sadd.s32 $0x2, s9;
	[tilespmem:s8+$0x90] =	vst v5;
	v0 =	vmul.f32 $1.131370830e+01, v0  }
0x184: {  	v5 =	vld [tilespmem:s10+$0x10];
	p1 =	slt.u32 s9, $0x3E;
	[tilespmem:s8+$0xA0] =	vst v6;
	v1 =	vmul.f32 $1.131370830e+01, v1  }
0x185: {  	v6 =	vld [tilespmem:s10+$0x20];
	[tilespmem:s8+$0xB0] =	vst v0;
	v0 =	vmul.f32 $1.131370830e+01, v2  }
0x186: {  	v2 =	vld [tilespmem:s10+$0x30];
	[tilespmem:s8+$0xC0] =	vst v1;
	v1 =	vmul.f32 $1.131370830e+01, v3  }
0x187: {  	v3 =	vld [tilespmem:s10+$0x40];
	v4 =	vmul.f32 $1.131370830e+01, v4;
	[tilespmem:s8+$0xD0] =	vst v0  }
0x188: {  	v0 =	vld [tilespmem:s10+$0x50];
	v7 =	vmul.f32 $1.131370830e+01, v7;
	[tilespmem:s8+$0xE0] =	vst v1  }
0x189: {  	v1 =	vmul.f32 $1.131370830e+01, v5;
	v5 =	vld [tilespmem:s10+$0x60];
	[tilespmem:s8+$0x0] =	vst v4;
	s8 =	smov.u32 s10  }
0x18a: {  	v4 =	vmul.f32 $1.131370830e+01, v6;
	v6 =	vld [tilespmem:s10+$0x70];
	[tilespmem:s10+$0xF0] =	vst v7  }
0x18b: {  	[tilespmem:s10+$0x10] =	vst v1;
	v1 =	vmul.f32 $1.131370830e+01, v2;
	v2 =	vld [tilespmem:s10+$0x80]  }
0x18c: {  	[tilespmem:s10+$0x20] =	vst v4;
	v3 =	vmul.f32 $1.131370830e+01, v3;
	v4 =	vld [tilespmem:s10+$0x90]  }
0x18d: {  	[tilespmem:s10+$0x30] =	vst v1;
	v1 =	vmul.f32 $1.131370830e+01, v0;
	v7 =	vld [tilespmem:s10+$0xA0]  }
.Ltmp8:
0x18e: {  	[tilespmem:s10+$0x40] =	vst v3;
	v3 =	vmul.f32 $1.131370830e+01, v5;
	v0 =	vld [tilespmem:s10+$0xB0];
	(pc) =	sbr.rel @p1 .LBB2_15-.Ltmp8, $4  }
0x18f: {  	[tilespmem:s10+$0x50] =	vst v1;
	v5 =	vmul.f32 $1.131370830e+01, v6;
	v1 =	vld [tilespmem:s10+$0xC0]  }
0x190: {  	[tilespmem:s10+$0x60] =	vst v3;
	v6 =	vmul.f32 $1.131370830e+01, v2;
	v2 =	vld [tilespmem:s10+$0xD0]  }
0x191: {  	[tilespmem:s10+$0x70] =	vst v5;
	v5 =	vmul.f32 $1.131370830e+01, v4;
	v3 =	vld [tilespmem:s10+$0xE0]  }
0x192: {  	s10 =	sadd.s32 $0x100, s10;
	v4 =	vld [tilespmem:s8+$0x0];
	[tilespmem:s8+$0x80] =	vst v6;
	v6 =	vmul.f32 $1.131370830e+01, v7  }
0x193: {  	[tilespmem:s8+$0x90] =	vst v5;
	v0 =	vmul.f32 $1.131370830e+01, v0  }
0x194: {  	[tilespmem:s8+$0xA0] =	vst v6;
	v1 =	vmul.f32 $1.131370830e+01, v1  }
0x195: {  	[tilespmem:s8+$0xB0] =	vst v0;
	v0 =	vmul.f32 $1.131370830e+01, v2  }
0x196: {  	[tilespmem:s8+$0xC0] =	vst v1;
	v1 =	vmul.f32 $1.131370830e+01, v3  }
0x197: {  	s9 =	sadd.s32 s13, s30;
	v2 =	vmul.f32 $1.131370830e+01, v4;
	[tilespmem:s8+$0xD0] =	vst v0  }
0x198: {  	s9 =	sshrl.u32 s9, $0x3;
	[tilespmem:s8+$0xE0] =	vst v1  }
0x199: {  	s10 =	simm.s32 $0xD900;
	s9 =	sadd.s32 s3, s9;
	[tilespmem:s8+$0x0] =	vst v2;
	s8 =	simm.s32 @!p0 $0xF  }
0x19a: {  	[hbm4b:s9+s4] =	stream.linear.scatter [tilespmem:s10], [sflag:$0x11], $0x2000, $0x38;
	[tilespmem:$0x15900] =	vst v63  }
0x19b: {  	_ =	swait.ge @!p0 [sflag:s8], $0x2000  }
0x19c: {  	s9 =	simm.s32 @!p0 $0x40;
	[sflag:s8] =	ssyncset.done @!p0 $0x0  }
0x19d: {  	s10 =	simm.s32 @!p0 $0x9900;
	[sflag:s8] =	ssyncadd.s32 @!p0 $0xFFFFE000;
	s8 =	sadd.s32 @!p0 $0x380, s5  }
0x19e: {  	[tilespmem:s10], [sflag:$0x5] =	stream.indirect.gather @!p0 [hbm4b:s1+s9], $0x80, s8, s9, $0xb8;
	[tilespmem:$0x15900] =	vst v63  }
0x19f: {  	_ =	swait.ge [sflag:s16], $0x2000  }
0x1a0: {  	[sflag:s16] =	ssyncset.done $0x0  }
0x1a1: {  	s8 =	simm.s32 $0xF900;
	[sflag:s16] =	ssyncadd.s32 $0xFFFFE000  }
0x1a2: {  	v0 =	vld [tilespmem:s8+$0xF0]  }
0x1a3: {  	v1 =	vld [tilespmem:s8+$0x10]  }
0x1a4: {  	v2 =	vld [tilespmem:s8+$0x20]  }
0x1a5: {  	v3 =	vld [tilespmem:s8+$0x30]  }
0x1a6: {  	v4 =	vld [tilespmem:s8+$0x40]  }
0x1a7: {  	v5 =	vld [tilespmem:s8+$0x50];
	v0 =	vmul.f32 $1.131370830e+01, v0  }
0x1a8: {  	v6 =	vld [tilespmem:s8+$0x60];
	v1 =	vmul.f32 $1.131370830e+01, v1  }
0x1a9: {  	v7 =	vld [tilespmem:s8+$0x70];
	v2 =	vmul.f32 $1.131370830e+01, v2;
	[tilespmem:s8+$0xF0] =	vst v0  }
0x1aa: {  	[tilespmem:s8+$0x10] =	vst v1;
	v0 =	vmul.f32 $1.131370830e+01, v3;
	v3 =	vld [tilespmem:s8+$0x80]  }
0x1ab: {  	[tilespmem:s8+$0x20] =	vst v2;
	v1 =	vmul.f32 $1.131370830e+01, v4;
	v4 =	vld [tilespmem:s8+$0x90]  }
0x1ac: {  	v8 =	vld [tilespmem:s8+$0xA0];
	v2 =	vmul.f32 $1.131370830e+01, v5;
	[tilespmem:s8+$0x30] =	vst v0  }
0x1ad: {  	v5 =	vmul.f32 $1.131370830e+01, v6;
	[tilespmem:s8+$0x40] =	vst v1;
	v0 =	vld [tilespmem:s8+$0xB0]  }
0x1ae: {  	v6 =	vmul.f32 $1.131370830e+01, v7;
	[tilespmem:s8+$0x50] =	vst v2;
	v1 =	vld [tilespmem:s8+$0xC0]  }
0x1af: {  	[tilespmem:s8+$0x60] =	vst v5;
	v2 =	vld [tilespmem:s8+$0xD0];
	v7 =	vmul.f32 $1.131370830e+01, v3  }
0x1b0: {  	[tilespmem:s8+$0x70] =	vst v6;
	v3 =	vld [tilespmem:s8+$0xE0];
	v5 =	vmul.f32 $1.131370830e+01, v4  }
0x1b1: {  	s9 =	simm.s32 $0x0;
	s10 =	simm.s32 $0xFA00;
	v6 =	vmul.f32 $1.131370830e+01, v8;
	v4 =	vld [tilespmem:s8+$0x0];
	[tilespmem:s8+$0x80] =	vst v7  }
.LBB2_17:
0x1b2: {  	v7 =	vld [tilespmem:s10+$0xF0];
	s9 =	sadd.s32 $0x2, s9;
	[tilespmem:s8+$0x90] =	vst v5;
	v0 =	vmul.f32 $1.131370830e+01, v0  }
0x1b3: {  	v5 =	vld [tilespmem:s10+$0x10];
	p1 =	slt.u32 s9, $0x3E;
	[tilespmem:s8+$0xA0] =	vst v6;
	v1 =	vmul.f32 $1.131370830e+01, v1  }
0x1b4: {  	v6 =	vld [tilespmem:s10+$0x20];
	[tilespmem:s8+$0xB0] =	vst v0;
	v0 =	vmul.f32 $1.131370830e+01, v2  }
0x1b5: {  	v2 =	vld [tilespmem:s10+$0x30];
	[tilespmem:s8+$0xC0] =	vst v1;
	v1 =	vmul.f32 $1.131370830e+01, v3  }
0x1b6: {  	v3 =	vld [tilespmem:s10+$0x40];
	v4 =	vmul.f32 $1.131370830e+01, v4;
	[tilespmem:s8+$0xD0] =	vst v0  }
0x1b7: {  	v0 =	vld [tilespmem:s10+$0x50];
	v7 =	vmul.f32 $1.131370830e+01, v7;
	[tilespmem:s8+$0xE0] =	vst v1  }
0x1b8: {  	v1 =	vmul.f32 $1.131370830e+01, v5;
	v5 =	vld [tilespmem:s10+$0x60];
	[tilespmem:s8+$0x0] =	vst v4;
	s8 =	smov.u32 s10  }
0x1b9: {  	v4 =	vmul.f32 $1.131370830e+01, v6;
	v6 =	vld [tilespmem:s10+$0x70];
	[tilespmem:s10+$0xF0] =	vst v7  }
0x1ba: {  	[tilespmem:s10+$0x10] =	vst v1;
	v1 =	vmul.f32 $1.131370830e+01, v2;
	v2 =	vld [tilespmem:s10+$0x80]  }
0x1bb: {  	[tilespmem:s10+$0x20] =	vst v4;
	v3 =	vmul.f32 $1.131370830e+01, v3;
	v4 =	vld [tilespmem:s10+$0x90]  }
0x1bc: {  	[tilespmem:s10+$0x30] =	vst v1;
	v1 =	vmul.f32 $1.131370830e+01, v0;
	v7 =	vld [tilespmem:s10+$0xA0]  }
.Ltmp9:
0x1bd: {  	[tilespmem:s10+$0x40] =	vst v3;
	v3 =	vmul.f32 $1.131370830e+01, v5;
	v0 =	vld [tilespmem:s10+$0xB0];
	(pc) =	sbr.rel @p1 .LBB2_17-.Ltmp9, $4  }
0x1be: {  	[tilespmem:s10+$0x50] =	vst v1;
	v5 =	vmul.f32 $1.131370830e+01, v6;
	v1 =	vld [tilespmem:s10+$0xC0]  }
0x1bf: {  	[tilespmem:s10+$0x60] =	vst v3;
	v6 =	vmul.f32 $1.131370830e+01, v2;
	v2 =	vld [tilespmem:s10+$0xD0]  }
0x1c0: {  	[tilespmem:s10+$0x70] =	vst v5;
	v5 =	vmul.f32 $1.131370830e+01, v4;
	v3 =	vld [tilespmem:s10+$0xE0]  }
0x1c1: {  	s10 =	sadd.s32 $0x100, s10;
	v4 =	vld [tilespmem:s8+$0x0];
	[tilespmem:s8+$0x80] =	vst v6;
	v6 =	vmul.f32 $1.131370830e+01, v7  }
0x1c2: {  	[tilespmem:s8+$0x90] =	vst v5;
	v0 =	vmul.f32 $1.131370830e+01, v0  }
0x1c3: {  	[tilespmem:s8+$0xA0] =	vst v6;
	v1 =	vmul.f32 $1.131370830e+01, v1  }
0x1c4: {  	[tilespmem:s8+$0xB0] =	vst v0;
	v0 =	vmul.f32 $1.131370830e+01, v2  }
0x1c5: {  	[tilespmem:s8+$0xC0] =	vst v1;
	v1 =	vmul.f32 $1.131370830e+01, v3  }
0x1c6: {  	s9 =	sadd.s32 s14, s30;
	v2 =	vmul.f32 $1.131370830e+01, v4;
	[tilespmem:s8+$0xD0] =	vst v0  }
0x1c7: {  	s9 =	sshrl.u32 s9, $0x3;
	[tilespmem:s8+$0xE0] =	vst v1  }
0x1c8: {  	s10 =	sadd.s32 s3, s9;
	[tilespmem:s8+$0x0] =	vst v2;
	s8 =	simm.s32 @!p0 $0x10  }
0x1c9: {  	[hbm4b:s10+s4] =	stream.linear.scatter [tilespmem:s2], [sflag:$0x12], $0x2000, $0x38;
	[tilespmem:$0x15900] =	vst v63  }
0x1ca: {  	_ =	swait.ge @!p0 [sflag:s8], $0x2000  }
0x1cb: {  	s9 =	simm.s32 @!p0 $0x40;
	[sflag:s8] =	ssyncset.done @!p0 $0x0  }
0x1cc: {  	s10 =	simm.s32 @!p0 $0xB900;
	[sflag:s8] =	ssyncadd.s32 @!p0 $0xFFFFE000;
	s8 =	sadd.s32 @!p0 $0x3C0, s5  }
0x1cd: {  	[tilespmem:s10], [sflag:$0x6] =	stream.indirect.gather @!p0 [hbm4b:s1+s9], $0x80, s8, s9, $0xb8;
	[tilespmem:$0x15900] =	vst v63  }
0x1ce: {  	_ =	swait.ge [sflag:s18], $0x2000  }
0x1cf: {  	[sflag:s18] =	ssyncset.done $0x0  }
0x1d0: {  	s30 =	simm.s32 $0x11900;
	[sflag:s18] =	ssyncadd.s32 $0xFFFFE000  }
0x1d1: {  	v0 =	vld [tilespmem:s30+$0xF0]  }
0x1d2: {  	v1 =	vld [tilespmem:s30+$0x10]  }
0x1d3: {  	v2 =	vld [tilespmem:s30+$0x20]  }
0x1d4: {  	v3 =	vld [tilespmem:s30+$0x30]  }
0x1d5: {  	v4 =	vld [tilespmem:s30+$0x40]  }
0x1d6: {  	v5 =	vld [tilespmem:s30+$0x50];
	v0 =	vmul.f32 $1.131370830e+01, v0  }
0x1d7: {  	v6 =	vld [tilespmem:s30+$0x60];
	v1 =	vmul.f32 $1.131370830e+01, v1  }
0x1d8: {  	v7 =	vld [tilespmem:s30+$0x70];
	v2 =	vmul.f32 $1.131370830e+01, v2;
	[tilespmem:s30+$0xF0] =	vst v0  }
0x1d9: {  	[tilespmem:s30+$0x10] =	vst v1;
	v0 =	vmul.f32 $1.131370830e+01, v3;
	v3 =	vld [tilespmem:s30+$0x80]  }
0x1da: {  	[tilespmem:s30+$0x20] =	vst v2;
	v1 =	vmul.f32 $1.131370830e+01, v4;
	v4 =	vld [tilespmem:s30+$0x90]  }
0x1db: {  	v8 =	vld [tilespmem:s30+$0xA0];
	v2 =	vmul.f32 $1.131370830e+01, v5;
	[tilespmem:s30+$0x30] =	vst v0  }
0x1dc: {  	v5 =	vmul.f32 $1.131370830e+01, v6;
	[tilespmem:s30+$0x40] =	vst v1;
	v0 =	vld [tilespmem:s30+$0xB0]  }
0x1dd: {  	v6 =	vmul.f32 $1.131370830e+01, v7;
	[tilespmem:s30+$0x50] =	vst v2;
	v1 =	vld [tilespmem:s30+$0xC0]  }
0x1de: {  	[tilespmem:s30+$0x60] =	vst v5;
	v2 =	vld [tilespmem:s30+$0xD0];
	v7 =	vmul.f32 $1.131370830e+01, v3  }
0x1df: {  	[tilespmem:s30+$0x70] =	vst v6;
	v3 =	vld [tilespmem:s30+$0xE0];
	v5 =	vmul.f32 $1.131370830e+01, v4  }
0x1e0: {  	s8 =	simm.s32 $0x0;
	s9 =	simm.s32 $0x11A00;
	v6 =	vmul.f32 $1.131370830e+01, v8;
	v4 =	vld [tilespmem:s30+$0x0];
	[tilespmem:s30+$0x80] =	vst v7  }
.LBB2_19:
0x1e1: {  	v7 =	vld [tilespmem:s9+$0xF0];
	s8 =	sadd.s32 $0x2, s8;
	[tilespmem:s30+$0x90] =	vst v5;
	v0 =	vmul.f32 $1.131370830e+01, v0  }
0x1e2: {  	v5 =	vld [tilespmem:s9+$0x10];
	p1 =	slt.u32 s8, $0x3E;
	[tilespmem:s30+$0xA0] =	vst v6;
	v1 =	vmul.f32 $1.131370830e+01, v1  }
0x1e3: {  	v6 =	vld [tilespmem:s9+$0x20];
	[tilespmem:s30+$0xB0] =	vst v0;
	v0 =	vmul.f32 $1.131370830e+01, v2  }
0x1e4: {  	v2 =	vld [tilespmem:s9+$0x30];
	[tilespmem:s30+$0xC0] =	vst v1;
	v1 =	vmul.f32 $1.131370830e+01, v3  }
0x1e5: {  	v3 =	vld [tilespmem:s9+$0x40];
	v4 =	vmul.f32 $1.131370830e+01, v4;
	[tilespmem:s30+$0xD0] =	vst v0  }
0x1e6: {  	v0 =	vld [tilespmem:s9+$0x50];
	v7 =	vmul.f32 $1.131370830e+01, v7;
	[tilespmem:s30+$0xE0] =	vst v1  }
0x1e7: {  	v1 =	vmul.f32 $1.131370830e+01, v5;
	v5 =	vld [tilespmem:s9+$0x60];
	[tilespmem:s30+$0x0] =	vst v4;
	s30 =	smov.u32 s9  }
0x1e8: {  	v4 =	vmul.f32 $1.131370830e+01, v6;
	v6 =	vld [tilespmem:s9+$0x70];
	[tilespmem:s9+$0xF0] =	vst v7  }
0x1e9: {  	[tilespmem:s9+$0x10] =	vst v1;
	v1 =	vmul.f32 $1.131370830e+01, v2;
	v2 =	vld [tilespmem:s9+$0x80]  }
0x1ea: {  	[tilespmem:s9+$0x20] =	vst v4;
	v3 =	vmul.f32 $1.131370830e+01, v3;
	v4 =	vld [tilespmem:s9+$0x90]  }
0x1eb: {  	[tilespmem:s9+$0x30] =	vst v1;
	v1 =	vmul.f32 $1.131370830e+01, v0;
	v7 =	vld [tilespmem:s9+$0xA0]  }
.Ltmp10:
0x1ec: {  	[tilespmem:s9+$0x40] =	vst v3;
	v3 =	vmul.f32 $1.131370830e+01, v5;
	v0 =	vld [tilespmem:s9+$0xB0];
	(pc) =	sbr.rel @p1 .LBB2_19-.Ltmp10, $4  }
0x1ed: {  	[tilespmem:s9+$0x50] =	vst v1;
	v5 =	vmul.f32 $1.131370830e+01, v6;
	v1 =	vld [tilespmem:s9+$0xC0]  }
0x1ee: {  	[tilespmem:s9+$0x60] =	vst v3;
	v6 =	vmul.f32 $1.131370830e+01, v2;
	v2 =	vld [tilespmem:s9+$0xD0]  }
0x1ef: {  	[tilespmem:s9+$0x70] =	vst v5;
	v5 =	vmul.f32 $1.131370830e+01, v4;
	v3 =	vld [tilespmem:s9+$0xE0]  }
0x1f0: {  	s9 =	sadd.s32 $0x100, s9;
	v4 =	vld [tilespmem:s30+$0x0];
	[tilespmem:s30+$0x80] =	vst v6;
	v6 =	vmul.f32 $1.131370830e+01, v7  }
0x1f1: {  	[tilespmem:s30+$0x90] =	vst v5;
	v0 =	vmul.f32 $1.131370830e+01, v0  }
0x1f2: {  	[tilespmem:s30+$0xA0] =	vst v6;
	v1 =	vmul.f32 $1.131370830e+01, v1  }
0x1f3: {  	[tilespmem:s30+$0xB0] =	vst v0;
	v0 =	vmul.f32 $1.131370830e+01, v2  }
0x1f4: {  	s8 =	sshll.u32 s25, $0xD;
	[tilespmem:s30+$0xC0] =	vst v1;
	v1 =	vmul.f32 $1.131370830e+01, v3  }
0x1f5: {  	s8 =	sadd.s32 s6, s8;
	v2 =	vmul.f32 $1.131370830e+01, v4;
	[tilespmem:s30+$0xD0] =	vst v0  }
0x1f6: {  	s8 =	sshrl.u32 s8, $0x3;
	[tilespmem:s30+$0xE0] =	vst v1  }
0x1f7: {  	s8 =	sadd.s32 s3, s8;
	[tilespmem:s30+$0x0] =	vst v2  }
0x1f8: {  	[hbm4b:s8+s4] =	stream.linear.scatter [tilespmem:s20], [sflag:$0x13], $0x2000, $0x38;
	[tilespmem:$0x15900] =	vst v63  }
0x1f9: {  	s8 =	simm.s32 @!p0 $0x11  }
0x1fa: {  	_ =	swait.ge @!p0 [sflag:s8], $0x2000  }
0x1fb: {  	s5 =	sadd.s32 @!p0 $0x400, s5;
	[sflag:s8] =	ssyncset.done @!p0 $0x0  }
0x1fc: {  	s9 =	simm.s32 @!p0 $0xD900;
	[sflag:s8] =	ssyncadd.s32 @!p0 $0xFFFFE000;
	s8 =	simm.s32 @!p0 $0x40  }
0x1fd: {  	[tilespmem:s9], [sflag:$0x7] =	stream.indirect.gather @!p0 [hbm4b:s1+s8], $0x80, s5, s8, $0xb8;
	[tilespmem:$0x15900] =	vst v63  }
0x1fe: {  	_ =	swait.ge [sflag:s19], $0x2000  }
0x1ff: {  	[sflag:s19] =	ssyncset.done $0x0  }
0x200: {  	s5 =	simm.s32 $0x13900;
	[sflag:s19] =	ssyncadd.s32 $0xFFFFE000  }
0x201: {  	v0 =	vld [tilespmem:s5+$0xF0]  }
0x202: {  	v1 =	vld [tilespmem:s5+$0x10]  }
0x203: {  	v2 =	vld [tilespmem:s5+$0x20]  }
0x204: {  	v3 =	vld [tilespmem:s5+$0x30]  }
0x205: {  	v4 =	vld [tilespmem:s5+$0x40]  }
0x206: {  	v5 =	vld [tilespmem:s5+$0x50];
	v0 =	vmul.f32 $1.131370830e+01, v0  }
0x207: {  	v6 =	vld [tilespmem:s5+$0x60];
	v1 =	vmul.f32 $1.131370830e+01, v1  }
0x208: {  	v7 =	vld [tilespmem:s5+$0x70];
	v2 =	vmul.f32 $1.131370830e+01, v2;
	[tilespmem:s5+$0xF0] =	vst v0  }
0x209: {  	[tilespmem:s5+$0x10] =	vst v1;
	v0 =	vmul.f32 $1.131370830e+01, v3;
	v3 =	vld [tilespmem:s5+$0x80]  }
0x20a: {  	[tilespmem:s5+$0x20] =	vst v2;
	v1 =	vmul.f32 $1.131370830e+01, v4;
	v4 =	vld [tilespmem:s5+$0x90]  }
0x20b: {  	v8 =	vld [tilespmem:s5+$0xA0];
	v2 =	vmul.f32 $1.131370830e+01, v5;
	[tilespmem:s5+$0x30] =	vst v0  }
0x20c: {  	v5 =	vmul.f32 $1.131370830e+01, v6;
	[tilespmem:s5+$0x40] =	vst v1;
	v0 =	vld [tilespmem:s5+$0xB0]  }
0x20d: {  	v6 =	vmul.f32 $1.131370830e+01, v7;
	[tilespmem:s5+$0x50] =	vst v2;
	v1 =	vld [tilespmem:s5+$0xC0]  }
0x20e: {  	[tilespmem:s5+$0x60] =	vst v5;
	v2 =	vld [tilespmem:s5+$0xD0];
	v7 =	vmul.f32 $1.131370830e+01, v3  }
0x20f: {  	[tilespmem:s5+$0x70] =	vst v6;
	v3 =	vld [tilespmem:s5+$0xE0];
	v5 =	vmul.f32 $1.131370830e+01, v4  }
0x210: {  	s8 =	simm.s32 $0x0;
	s9 =	simm.s32 $0x13A00;
	v6 =	vmul.f32 $1.131370830e+01, v8;
	v4 =	vld [tilespmem:s5+$0x0];
	[tilespmem:s5+$0x80] =	vst v7  }
.LBB2_21:
0x211: {  	v7 =	vld [tilespmem:s9+$0xF0];
	s8 =	sadd.s32 $0x2, s8;
	[tilespmem:s5+$0x90] =	vst v5;
	v0 =	vmul.f32 $1.131370830e+01, v0  }
0x212: {  	v5 =	vld [tilespmem:s9+$0x10];
	p1 =	slt.u32 s8, $0x3E;
	[tilespmem:s5+$0xA0] =	vst v6;
	v1 =	vmul.f32 $1.131370830e+01, v1  }
0x213: {  	v6 =	vld [tilespmem:s9+$0x20];
	[tilespmem:s5+$0xB0] =	vst v0;
	v0 =	vmul.f32 $1.131370830e+01, v2  }
0x214: {  	v2 =	vld [tilespmem:s9+$0x30];
	[tilespmem:s5+$0xC0] =	vst v1;
	v1 =	vmul.f32 $1.131370830e+01, v3  }
0x215: {  	v3 =	vld [tilespmem:s9+$0x40];
	v4 =	vmul.f32 $1.131370830e+01, v4;
	[tilespmem:s5+$0xD0] =	vst v0  }
0x216: {  	v0 =	vld [tilespmem:s9+$0x50];
	v7 =	vmul.f32 $1.131370830e+01, v7;
	[tilespmem:s5+$0xE0] =	vst v1  }
0x217: {  	v1 =	vmul.f32 $1.131370830e+01, v5;
	v5 =	vld [tilespmem:s9+$0x60];
	[tilespmem:s5+$0x0] =	vst v4;
	s5 =	smov.u32 s9  }
0x218: {  	v4 =	vmul.f32 $1.131370830e+01, v6;
	v6 =	vld [tilespmem:s9+$0x70];
	[tilespmem:s9+$0xF0] =	vst v7  }
0x219: {  	[tilespmem:s9+$0x10] =	vst v1;
	v1 =	vmul.f32 $1.131370830e+01, v2;
	v2 =	vld [tilespmem:s9+$0x80]  }
0x21a: {  	[tilespmem:s9+$0x20] =	vst v4;
	v3 =	vmul.f32 $1.131370830e+01, v3;
	v4 =	vld [tilespmem:s9+$0x90]  }
0x21b: {  	[tilespmem:s9+$0x30] =	vst v1;
	v1 =	vmul.f32 $1.131370830e+01, v0;
	v7 =	vld [tilespmem:s9+$0xA0]  }
.Ltmp11:
0x21c: {  	[tilespmem:s9+$0x40] =	vst v3;
	v3 =	vmul.f32 $1.131370830e+01, v5;
	v0 =	vld [tilespmem:s9+$0xB0];
	(pc) =	sbr.rel @p1 .LBB2_21-.Ltmp11, $4  }
0x21d: {  	[tilespmem:s9+$0x50] =	vst v1;
	v5 =	vmul.f32 $1.131370830e+01, v6;
	v1 =	vld [tilespmem:s9+$0xC0]  }
0x21e: {  	[tilespmem:s9+$0x60] =	vst v3;
	v6 =	vmul.f32 $1.131370830e+01, v2;
	v2 =	vld [tilespmem:s9+$0xD0]  }
0x21f: {  	[tilespmem:s9+$0x70] =	vst v5;
	v5 =	vmul.f32 $1.131370830e+01, v4;
	v3 =	vld [tilespmem:s9+$0xE0]  }
0x220: {  	s9 =	sadd.s32 $0x100, s9;
	v4 =	vld [tilespmem:s5+$0x0];
	[tilespmem:s5+$0x80] =	vst v6;
	v6 =	vmul.f32 $1.131370830e+01, v7  }
0x221: {  	[tilespmem:s5+$0x90] =	vst v5;
	v0 =	vmul.f32 $1.131370830e+01, v0  }
0x222: {  	[tilespmem:s5+$0xA0] =	vst v6;
	v1 =	vmul.f32 $1.131370830e+01, v1  }
0x223: {  	[tilespmem:s5+$0xB0] =	vst v0;
	v61 =	vmul.f32 $1.131370830e+01, v2  }
.Ltmp12:
0x224: {  	s8 =	sshll.u32 s28, $0xD;
	[tilespmem:s5+$0xC0] =	vst v1;
	v62 =	vmul.f32 $1.131370830e+01, v3;
	(pc) =	sbr.rel @p0 .LBB2_24-.Ltmp12, $4  }
0x225: {  	s8 =	sadd.s32 s6, s8;
	v63 =	vmul.f32 $1.131370830e+01, v4;
	[tilespmem:s5+$0xD0] =	vst v61  }
0x226: {  	s8 =	sshrl.u32 s8, $0x3;
	[tilespmem:s5+$0xE0] =	vst v62  }
0x227: {  	s30 =	sadd.s32 s3, s8;
	[tilespmem:s5+$0x0] =	vst v63  }
0x228: {  	[hbm4b:s30+s4] =	stream.linear.scatter [tilespmem:s24], [sflag:$0x14], $0x2000, $0x38;
	[tilespmem:$0x15900] =	vst v63  }
0x229: {  	s5 =	smul.u32 $0xA00, s23  }
.Ltmp13:
0x22a: {  	_ = 	snop;
	(pc) =	sbr.rel .LBB2_2-.Ltmp13, $4  }
0x22b: {  	_ =	swait.ge [sflag:s21], $0x2000  }
0x22c: {  	[sflag:s21] =	ssyncset.done $0x0;
	s5 =	sshra.s32 s5, $0x2  }
0x22d: {  	s23 =	sadd.s32 $0x1, s23;
	[sflag:s21] =	ssyncadd.s32 $0xFFFFE000;
	s5 =	sadd.s32 $0x440, s5  }
0x22e: {  	[tilespmem:s2], [sflag:$0x8] =	stream.indirect.gather [hbm4b:s1+s17], $0x80, s5, s17, $0xb8;
	[tilespmem:$0x15900] =	vst v63  }
.LBB2_25:
0x22f: {  	_ =	sfence.sel $0x180000  }
0x230: {  	[bflag:$0x0] =	sbarrier.arrive $0xFFFF  }
0x231: {  	_ =	strace $0x90000047  }
0x232: {  	s0 =	stileid.u32;
	[bflag:$0x2] =	sbarrier.arrive $0xFFFF  }
0x233: {  	p0 =	sne.s32 s0, $0x0;
	s0 =	rddreg [dreg:$0x3]  }
0x234: {  	s0 =	sadd.s32 @!p0 $0x100000, s0  }
0x235: {  	[sflag:s0] =	ssyncadd.tile.s32 @!p0 $0x1;
	_ =	shalt  }
.Lfunc_end2:
_tile_overlayer_lowered:
.L_overlay_start_2:
0x236: {  	(tag) =	ssettag $0x2  }
0x237: {  	s0 =	rddreg [dreg:$0x0];
	s2 =	stileid.u32  }
0x238: {  	s1 =	rddreg [dreg:$0x1];
	p0 =	sne.s32 s2, $0x0  }
0x239: {  	s3 =	rddreg [dreg:$0x2];
	[bflag:$0x3] =	sbarrier.arrive $0xFFFF;
	s2 =	simm.s32 @!p0 $0x1C15  }
0x23a: {  	[timem:s3], [sflag:s2] =	dma.local @!p0 [hbm:s0], s1  }
0x23b: {  	s0 =	simm.s32 @!p0 $0x15  }
0x23c: {  	_ =	swait.ge @!p0 [sflag:s0], s1  }
0x23d: {  	s1 =	ssub.s32 @!p0 $0x0, s1;
	[sflag:s0] =	ssyncset.done @!p0 $0x0  }
0x23e: {  	[sflag:s0] =	ssyncadd.s32 @!p0 s1  }
0x23f: {  	[bflag:$0x3] =	sbarrier.arrive $0xFFFF  }
0x240: {  	_ =	shalt  }

</sc_bundles>
